<compile_context>
chip_gen: v7x
topology: tpu7x:2x2x1
jax: 0.10.2.dev20260603
libtpu: 0.0.44.dev20260713+nightly
codegen_flags: <defaults>
</compile_context>

<pallas_src>
import functools

import jax
import jax.numpy as jnp
from jax import lax
from jax.experimental import pallas as pl
from jax.experimental.pallas import tpu as pltpu
from jax.experimental.pallas import tpu_sc as plsc

N_VOX = 100000
C = 128
M = 25000
K = 24
KU = 24

NC = 2
NS = 16
NW = NC * NS
MW = 784
M_PAD = NW * MW
CM = 16
NCH = MW // CM
ROWS = CM * K
IDXR_CH = ROWS // 128
N_PAD_VALS = (M_PAD - M) * K


def _proj_body(x_ref, w_ref, b_ref, out_ref):
    out_ref[...] = lax.dot_general(
        x_ref[...], w_ref[...],
        dimension_numbers=(((1,), (1,)), ((), ())),
        preferred_element_type=jnp.float32,
        precision=lax.Precision.DEFAULT,
    ) + b_ref[...]


def _project(vf, W, b2):
    bm = 2000
    return pl.pallas_call(
        _proj_body,
        grid=(N_VOX // bm,),
        in_specs=[
            pl.BlockSpec((bm, C), lambda i: (i, 0)),
            pl.BlockSpec((C, C), lambda i: (0, 0)),
            pl.BlockSpec((1, C), lambda i: (0, 0)),
        ],
        out_specs=pl.BlockSpec((bm, C), lambda i: (i, 0)),
        out_shape=jax.ShapeDtypeStruct((N_VOX, C), jnp.float32),
    )(vf, W, b2)


_sc_mesh = plsc.VectorSubcoreMesh(core_axis_name="c", subcore_axis_name="s")


@functools.partial(
    pl.kernel,
    mesh=_sc_mesh,
    out_type=[
        jax.ShapeDtypeStruct((M_PAD, C), jnp.float32),
        jax.ShapeDtypeStruct((NW, C), jnp.float32),
        jax.ShapeDtypeStruct((NW, C), jnp.float32),
    ],
    scratch_types=[
        pltpu.VMEM((2 * IDXR_CH, 128), jnp.int32),
        pltpu.VMEM((2 * ROWS, C), jnp.float32),
        pltpu.VMEM((CM, C), jnp.float32),
        pltpu.VMEM((2, C), jnp.float32),
        pltpu.SemaphoreType.DMA,
        pltpu.SemaphoreType.DMA,
    ],
)
def _sc_pool(p_hbm, idx_hbm, pooled_hbm, sum_hbm, sumsq_hbm,
             idx_v, rows_v, pool_v, acc_v, sem0, sem1):
    wid = lax.axis_index("s") * NC + lax.axis_index("c")
    zero = jnp.zeros((16,), jnp.float32)
    neg = jnp.full((16,), -jnp.inf, jnp.float32)
    sums0 = (zero,) * 16

    def fire(c, par):
        sem = sem0 if par == 0 else sem1
        pltpu.sync_copy(idx_hbm.at[c * NW + wid],
                        idx_v.at[pl.ds(par * IDXR_CH, IDXR_CH)])
        for j in range(IDXR_CH):
            pltpu.make_async_copy(
                p_hbm.at[idx_v.at[par * IDXR_CH + j]],
                rows_v.at[pl.ds(par * ROWS + j * 128, 128)],
                sem).start()

    def drain(par):
        sem = sem0 if par == 0 else sem1
        for j in range(IDXR_CH):
            pltpu.make_async_copy(
                p_hbm.at[idx_v.at[par * IDXR_CH + j]],
                rows_v.at[pl.ds(par * ROWS + j * 128, 128)],
                sem).wait()

    def compute(c, rowbase, sums):
        def m_body(m, s):
            s = list(s)
            base = rowbase + m * K
            maxv = [neg] * 8

            def k_body(k6, carry):
                mx, ss = list(carry[0]), list(carry[1])
                for kk in range(KU):
                    for sl in range(8):
                        v = rows_v[base + k6 * KU + kk, pl.ds(sl * 16, 16)]
                        mx[sl] = jnp.maximum(mx[sl], v)
                        ss[sl] = ss[sl] + v
                        ss[8 + sl] = ss[8 + sl] + v * v
                return (tuple(mx), tuple(ss))

            maxv, s = lax.fori_loop(0, K // KU, k_body,
                                    (tuple(maxv), tuple(s)))
            for sl in range(8):
                pool_v[m, pl.ds(sl * 16, 16)] = maxv[sl]
            return tuple(s)

        sums = lax.fori_loop(0, CM, m_body, sums)
        pltpu.sync_copy(pool_v,
                        pooled_hbm.at[pl.ds((c * NW + wid) * CM, CM)])
        return sums

    fire(0, 0)

    def chunk_body(c, sums):
        par = lax.rem(c, 2)

        @pl.when(par == 0)
        def _():
            drain(0)

        @pl.when(par == 1)
        def _():
            drain(1)

        @pl.when(jnp.logical_and(c + 1 < NCH, par == 0))
        def _():
            fire(c + 1, 1)

        @pl.when(jnp.logical_and(c + 1 < NCH, par == 1))
        def _():
            fire(c + 1, 0)

        return compute(c, par * ROWS, sums)

    sums = lax.fori_loop(0, NCH, chunk_body, sums0)
    for sl in range(8):
        acc_v[0, pl.ds(sl * 16, 16)] = sums[sl]
        acc_v[1, pl.ds(sl * 16, 16)] = sums[8 + sl]
    pltpu.sync_copy(acc_v.at[0], sum_hbm.at[wid])
    pltpu.sync_copy(acc_v.at[1], sumsq_hbm.at[wid])


def _finalize_body(x_ref, s1_ref, s2_ref, p0_ref, g_ref, bt_ref, out_ref):
    p0 = p0_ref[...]
    cnt = float(M * K)
    s1 = jnp.sum(s1_ref[...], axis=0, keepdims=True) - float(N_PAD_VALS) * p0
    s2 = (jnp.sum(s2_ref[...], axis=0, keepdims=True)
          - float(N_PAD_VALS) * p0 * p0)
    mean = s1 / cnt
    var = s2 / cnt - mean * mean
    scale = g_ref[...] * lax.rsqrt(var + 1e-5)
    shift = bt_ref[...] - mean * scale
    out_ref[...] = jnp.maximum(x_ref[...] * scale + shift, 0.0)


def _finalize(pooled, s1, s2, p0, gamma2, beta2):
    bm = 5000
    return pl.pallas_call(
        _finalize_body,
        grid=(M // bm,),
        in_specs=[
            pl.BlockSpec((bm, C), lambda i: (i, 0)),
            pl.BlockSpec((NW, C), lambda i: (0, 0)),
            pl.BlockSpec((NW, C), lambda i: (0, 0)),
            pl.BlockSpec((1, C), lambda i: (0, 0)),
            pl.BlockSpec((1, C), lambda i: (0, 0)),
            pl.BlockSpec((1, C), lambda i: (0, 0)),
        ],
        out_specs=pl.BlockSpec((bm, C), lambda i: (i, 0)),
        out_shape=jax.ShapeDtypeStruct((M, C), jnp.float32),
    )(pooled, s1, s2, p0, gamma2, beta2)


def kernel(voxel_features, key_indices, W, b, gamma, beta):
    P = _project(voxel_features, W, b.reshape(1, C))
    idx_flat = key_indices.reshape(-1)
    idx_pad = jnp.concatenate(
        [idx_flat, jnp.zeros(N_PAD_VALS, jnp.int32)]).reshape(
            NW * NCH, IDXR_CH, 128)
    pooled, s1, s2 = _sc_pool(P, idx_pad)
    return _finalize(pooled, s1, s2, P[0:1],
                     gamma.reshape(1, C), beta.reshape(1, C))

# --- scband reference (transcript-rebuilt; emitter-appended) ---
"""Pipeline reference for scband-down-module-2972117369413 (READ-ONLY COPY).

The authoritative reference and input builder live on the scoring server;
editing this copy changes nothing except your own understanding.
"""

import jax, jax.numpy as jnp
import numpy as np

N_VOXELS = 100000
C_IN = 128
C_OUT = 128
M_NEW = 25000
K_NBR = 24


def setup_inputs(seed: int = 0) -> dict:
    key = jax.random.key(seed)
    k1, k2, k3, k4 = jax.random.split(key, 4)
    voxel_features = jax.random.normal(k1, (N_VOXELS, C_IN), dtype=jnp.float32)
    key_indices = jax.random.randint(k2, (M_NEW, K_NBR), 0, N_VOXELS, dtype=jnp.int32)
    # nn.Conv1d(C_IN, C_OUT, 1) weight [C_OUT, C_IN] + bias [C_OUT]
    W = jax.random.normal(k3, (C_OUT, C_IN), dtype=jnp.float32) * (1.0 / np.sqrt(C_IN))
    b = jax.random.normal(k4, (C_OUT,), dtype=jnp.float32) * 0.01
    # BatchNorm1d affine params
    gamma = jnp.ones((C_OUT,), dtype=jnp.float32)
    beta = jnp.zeros((C_OUT,), dtype=jnp.float32)
    return {"voxel_features": voxel_features, "key_indices": key_indices, "W": W, "b": b, "gamma": gamma, "beta": beta}


def reference(voxel_features, key_indices, W, b, gamma, beta):
    # votr_utils.grouping_operation: gather neighbor features per downsampled voxel
    # key_features: [M, K, C_IN] -> treated as Conv1d input [M, C_IN, K]
    key_features = jnp.take(voxel_features, key_indices, axis=0)  # [M, K, C_IN]
    # projection: Conv1d with kernel size 1 == per-position linear over channels
    proj = jnp.einsum('mki,oi->mok', key_features, W) + b[None, :, None]  # [M, C_OUT, K]
    # BatchNorm1d (training-mode batch statistics over (M, K) per channel)
    mean = proj.mean(axis=(0, 2))
    var = proj.var(axis=(0, 2))
    xhat = (proj - mean[None, :, None]) / jnp.sqrt(var[None, :, None] + 1e-5)
    normed = gamma[None, :, None] * xhat + beta[None, :, None]
    # activation: ReLU
    activated = jax.nn.relu(normed)
    # down_type == 'max': max-pool over the K gathered neighbors
    new_features = activated.max(axis=-1)  # [M, C_OUT]
    return new_features

if __name__ == "__main__":
    import jax
    _d = setup_inputs()
    print(jax.jit(kernel)(*tuple(_d.values())))

</pallas_src>

<mosaic_0001>
#map = affine_map<(d0, d1) -> (0, 0)>
#map1 = affine_map<(d0, d1) -> (0, 0, 0)>
module attributes {stable_mosaic.version = 14 : i64} {
  func.func @_sc_pool(%arg0: i32, %arg1: i32, %arg2: memref<100000x128xf32, #tpu.memory_space<hbm>>, %arg3: memref<1568x3x128xi32, #tpu.memory_space<hbm>>, %arg4: memref<25088x128xf32, #tpu.memory_space<hbm>>, %arg5: memref<32x128xf32, #tpu.memory_space<hbm>>, %arg6: memref<32x128xf32, #tpu.memory_space<hbm>>, %arg7: memref<6x128xi32, #tpu.memory_space<vmem>>, %arg8: memref<768x128xf32, #tpu.memory_space<vmem>>, %arg9: memref<16x128xf32, #tpu.memory_space<vmem>>, %arg10: memref<2x128xf32, #tpu.memory_space<vmem>>, %arg11: memref<!tpu.dma_semaphore, #tpu.memory_space<semaphore_mem>>, %arg12: memref<!tpu.dma_semaphore, #tpu.memory_space<semaphore_mem>>) attributes {dimension_semantics = [#tpu.dimension_semantics<core_parallel>, #tpu.dimension_semantics<subcore_parallel>], iteration_bounds = array<i64: 2, 16>, scalar_prefetch = 0 : i64, scratch_operands = 6 : i64, tpu.core_type = #tpu.core_type<sc_vector_subcore>, window_params = [{transform_indices = #map}, {transform_indices = #map1}, {transform_indices = #map}, {transform_indices = #map}, {transform_indices = #map}]} {
    %mul3A = arith.constant 2 : i32
    %mul3A_0 = arith.muli %arg1, %mul3A : i32
    %add3A = arith.addi %mul3A_0, %arg0 : i32
    %broadcast_in_dim3A = arith.constant 0.000000e+00 : f32
    %broadcast_in_dim3A_1 = vector.broadcast %broadcast_in_dim3A : f32 to vector<16xf32>
    %broadcast_in_dim3A_2 = arith.constant 0xFF800000 : f32
    %broadcast_in_dim3A_3 = vector.broadcast %broadcast_in_dim3A_2 : f32 to vector<16xf32>
    %add3A_4 = arith.constant 0 : i32
    %add3A_5 = arith.addi %add3A_4, %add3A : i32
    "tpu.region"() ({
      %run_scoped3A_136 = tpu.sem_alloc : memref<!tpu.dma_semaphore, #tpu.memory_space<semaphore_mem>>
      %dma_start3A_137 = arith.constant 0 : i32
      %dma_start3A_138 = arith.constant 0 : i32
      %dma_start3A_139 = tpu.memref_slice %arg7[%dma_start3A_137, %dma_start3A_138] : memref<6x128xi32, #tpu.memory_space<vmem>> -> memref<3x128xi32, #tpu.memory_space<vmem>>
      %dma_start3A_140 = arith.constant 0 : i32
      %dma_start3A_141 = arith.constant 0 : i32
      %dma_start3A_142 = tpu.memref_slice %arg3[%add3A_5, %dma_start3A_140, %dma_start3A_141] : memref<1568x3x128xi32, #tpu.memory_space<hbm>> -> memref<1x3x128xi32, #tpu.memory_space<hbm>>
      %dma_start3A_143 = tpu.memref_squeeze %dma_start3A_142 : memref<1x3x128xi32, #tpu.memory_space<hbm>> -> memref<3x128xi32, #tpu.memory_space<hbm>>
      %dma_start3A_144 = arith.constant 0 : i32
      %dma_start3A_145 = arith.constant 0 : i32
      %dma_start3A_146 = tpu.memref_slice %arg7[%dma_start3A_144, %dma_start3A_145] : memref<6x128xi32, #tpu.memory_space<vmem>> -> memref<3x128xi32, #tpu.memory_space<vmem>>
      %dma_start3A_147 = arith.constant 0 : i32
      %dma_start3A_148 = arith.constant 0 : i32
      %dma_start3A_149 = tpu.memref_slice %arg3[%add3A_5, %dma_start3A_147, %dma_start3A_148] : memref<1568x3x128xi32, #tpu.memory_space<hbm>> -> memref<1x3x128xi32, #tpu.memory_space<hbm>>
      %dma_start3A_150 = tpu.memref_squeeze %dma_start3A_149 : memref<1x3x128xi32, #tpu.memory_space<hbm>> -> memref<3x128xi32, #tpu.memory_space<hbm>>
      tpu.enqueue_dma source(%dma_start3A_150 : memref<3x128xi32, #tpu.memory_space<hbm>>) target(%dma_start3A_146 : memref<3x128xi32, #tpu.memory_space<vmem>>) target_semaphore(%run_scoped3A_136 : memref<!tpu.dma_semaphore, #tpu.memory_space<semaphore_mem>>)
      %dma_wait3A = arith.constant 0 : i32
      %dma_wait3A_151 = arith.constant 0 : i32
      %dma_wait3A_152 = tpu.memref_slice %arg7[%dma_wait3A, %dma_wait3A_151] : memref<6x128xi32, #tpu.memory_space<vmem>> -> memref<3x128xi32, #tpu.memory_space<vmem>>
      %dma_wait3A_153 = arith.constant 0 : i32
      %dma_wait3A_154 = arith.constant 0 : i32
      %dma_wait3A_155 = tpu.memref_slice %arg3[%add3A_5, %dma_wait3A_153, %dma_wait3A_154] : memref<1568x3x128xi32, #tpu.memory_space<hbm>> -> memref<1x3x128xi32, #tpu.memory_space<hbm>>
      %dma_wait3A_156 = tpu.memref_squeeze %dma_wait3A_155 : memref<1x3x128xi32, #tpu.memory_space<hbm>> -> memref<3x128xi32, #tpu.memory_space<hbm>>
      %dma_wait3A_157 = arith.constant 0 : i32
      %dma_wait3A_158 = arith.constant 0 : i32
      %dma_wait3A_159 = tpu.memref_slice %arg7[%dma_wait3A_157, %dma_wait3A_158] : memref<6x128xi32, #tpu.memory_space<vmem>> -> memref<3x128xi32, #tpu.memory_space<vmem>>
      %dma_wait3A_160 = arith.constant 0 : i32
      %dma_wait3A_161 = arith.constant 0 : i32
      %dma_wait3A_162 = tpu.memref_slice %arg3[%add3A_5, %dma_wait3A_160, %dma_wait3A_161] : memref<1568x3x128xi32, #tpu.memory_space<hbm>> -> memref<1x3x128xi32, #tpu.memory_space<hbm>>
      %dma_wait3A_163 = tpu.memref_squeeze %dma_wait3A_162 : memref<1x3x128xi32, #tpu.memory_space<hbm>> -> memref<3x128xi32, #tpu.memory_space<hbm>>
      tpu.wait_dma2 semaphore(%run_scoped3A_136 : memref<!tpu.dma_semaphore, #tpu.memory_space<semaphore_mem>>) src(%dma_wait3A_163 : memref<3x128xi32, #tpu.memory_space<hbm>>) dst(%dma_wait3A_159 : memref<3x128xi32, #tpu.memory_space<vmem>>)
      tpu.yield
    }) : () -> ()
    %dma_start3A = arith.constant 0 : i32
    %dma_start3A_6 = arith.constant 0 : i32
    %dma_start3A_7 = arith.constant 0 : i32
    %dma_start3A_8 = tpu.memref_slice %arg8[%dma_start3A_6, %dma_start3A_7] : memref<768x128xf32, #tpu.memory_space<vmem>> -> memref<128x128xf32, #tpu.memory_space<vmem>>
    %dma_start3A_9 = arith.constant 0 : i32
    %dma_start3A_10 = tpu.memref_slice %arg7[%dma_start3A, %dma_start3A_9] : memref<6x128xi32, #tpu.memory_space<vmem>> -> memref<1x128xi32, #tpu.memory_space<vmem>>
    %dma_start3A_11 = tpu.memref_squeeze %dma_start3A_10 : memref<1x128xi32, #tpu.memory_space<vmem>> -> memref<128xi32, #tpu.memory_space<vmem>>
    %dma_start3A_12 = arith.constant 0 : i32
    %dma_start3A_13 = arith.constant 0 : i32
    %dma_start3A_14 = tpu.memref_slice %arg2[%dma_start3A_12, %dma_start3A_13] : memref<100000x128xf32, #tpu.memory_space<hbm>> -> memref<100000x128xf32, #tpu.memory_space<hbm>>
    tpu.enqueue_indirect_dma source(%dma_start3A_14 : memref<100000x128xf32, #tpu.memory_space<hbm>>) target(%dma_start3A_8 : memref<128x128xf32, #tpu.memory_space<vmem>>) offsets(%dma_start3A_11 : memref<128xi32, #tpu.memory_space<vmem>>) semaphore(%arg11 : memref<!tpu.dma_semaphore, #tpu.memory_space<semaphore_mem>>)
    %dma_start3A_15 = arith.constant 1 : i32
    %dma_start3A_16 = arith.constant 128 : i32
    %dma_start3A_17 = arith.constant 0 : i32
    %dma_start3A_18 = tpu.memref_slice %arg8[%dma_start3A_16, %dma_start3A_17] : memref<768x128xf32, #tpu.memory_space<vmem>> -> memref<128x128xf32, #tpu.memory_space<vmem>>
    %dma_start3A_19 = arith.constant 0 : i32
    %dma_start3A_20 = tpu.memref_slice %arg7[%dma_start3A_15, %dma_start3A_19] : memref<6x128xi32, #tpu.memory_space<vmem>> -> memref<1x128xi32, #tpu.memory_space<vmem>>
    %dma_start3A_21 = tpu.memref_squeeze %dma_start3A_20 : memref<1x128xi32, #tpu.memory_space<vmem>> -> memref<128xi32, #tpu.memory_space<vmem>>
    %dma_start3A_22 = arith.constant 0 : i32
    %dma_start3A_23 = arith.constant 0 : i32
    %dma_start3A_24 = tpu.memref_slice %arg2[%dma_start3A_22, %dma_start3A_23] : memref<100000x128xf32, #tpu.memory_space<hbm>> -> memref<100000x128xf32, #tpu.memory_space<hbm>>
    tpu.enqueue_indirect_dma source(%dma_start3A_24 : memref<100000x128xf32, #tpu.memory_space<hbm>>) target(%dma_start3A_18 : memref<128x128xf32, #tpu.memory_space<vmem>>) offsets(%dma_start3A_21 : memref<128xi32, #tpu.memory_space<vmem>>) semaphore(%arg11 : memref<!tpu.dma_semaphore, #tpu.memory_space<semaphore_mem>>)
    %dma_start3A_25 = arith.constant 2 : i32
    %dma_start3A_26 = arith.constant 256 : i32
    %dma_start3A_27 = arith.constant 0 : i32
    %dma_start3A_28 = tpu.memref_slice %arg8[%dma_start3A_26, %dma_start3A_27] : memref<768x128xf32, #tpu.memory_space<vmem>> -> memref<128x128xf32, #tpu.memory_space<vmem>>
    %dma_start3A_29 = arith.constant 0 : i32
    %dma_start3A_30 = tpu.memref_slice %arg7[%dma_start3A_25, %dma_start3A_29] : memref<6x128xi32, #tpu.memory_space<vmem>> -> memref<1x128xi32, #tpu.memory_space<vmem>>
    %dma_start3A_31 = tpu.memref_squeeze %dma_start3A_30 : memref<1x128xi32, #tpu.memory_space<vmem>> -> memref<128xi32, #tpu.memory_space<vmem>>
    %dma_start3A_32 = arith.constant 0 : i32
    %dma_start3A_33 = arith.constant 0 : i32
    %dma_start3A_34 = tpu.memref_slice %arg2[%dma_start3A_32, %dma_start3A_33] : memref<100000x128xf32, #tpu.memory_space<hbm>> -> memref<100000x128xf32, #tpu.memory_space<hbm>>
    tpu.enqueue_indirect_dma source(%dma_start3A_34 : memref<100000x128xf32, #tpu.memory_space<hbm>>) target(%dma_start3A_28 : memref<128x128xf32, #tpu.memory_space<vmem>>) offsets(%dma_start3A_31 : memref<128xi32, #tpu.memory_space<vmem>>) semaphore(%arg11 : memref<!tpu.dma_semaphore, #tpu.memory_space<semaphore_mem>>)
    %scan3A = arith.constant 0 : i32
    %scan3A_35 = arith.constant 49 : i32
    %scan3A_36 = arith.addi %scan3A, %scan3A_35 : i32
    %scan3A_37 = arith.constant 1 : i32
    %scan3A_38:16 = scf.for %scan3A_136 = %scan3A to %scan3A_36 step %scan3A_37 iter_args(%scan3A_137 = %broadcast_in_dim3A_1, %scan3A_138 = %broadcast_in_dim3A_1, %scan3A_139 = %broadcast_in_dim3A_1, %scan3A_140 = %broadcast_in_dim3A_1, %scan3A_141 = %broadcast_in_dim3A_1, %scan3A_142 = %broadcast_in_dim3A_1, %scan3A_143 = %broadcast_in_dim3A_1, %scan3A_144 = %broadcast_in_dim3A_1, %scan3A_145 = %broadcast_in_dim3A_1, %scan3A_146 = %broadcast_in_dim3A_1, %scan3A_147 = %broadcast_in_dim3A_1, %scan3A_148 = %broadcast_in_dim3A_1, %scan3A_149 = %broadcast_in_dim3A_1, %scan3A_150 = %broadcast_in_dim3A_1, %scan3A_151 = %broadcast_in_dim3A_1, %scan3A_152 = %broadcast_in_dim3A_1) -> (vector<16xf32>, vector<16xf32>, vector<16xf32>, vector<16xf32>, vector<16xf32>, vector<16xf32>, vector<16xf32>, vector<16xf32>, vector<16xf32>, vector<16xf32>, vector<16xf32>, vector<16xf32>, vector<16xf32>, vector<16xf32>, vector<16xf32>, vector<16xf32>)  : i32 {
      %rem3A = arith.constant 2 : i32
      %rem3A_153 = arith.remsi %scan3A_136, %rem3A : i32
      %eq3A = arith.constant 0 : i32
      %eq3A_154 = arith.cmpi eq, %rem3A_153, %eq3A : i32
      %convert_element_type3A = arith.extui %eq3A_154 : i1 to i32
      %cond3A = arith.constant 0 : i32
      %cond3A_155 = arith.cmpi ne, %convert_element_type3A, %cond3A : i32
      scf.if %cond3A_155 {
        %dma_wait3A = arith.constant 0 : i32
        %dma_wait3A_192 = arith.constant 0 : i32
        %dma_wait3A_193 = arith.constant 0 : i32
        %dma_wait3A_194 = tpu.memref_slice %arg8[%dma_wait3A_192, %dma_wait3A_193] : memref<768x128xf32, #tpu.memory_space<vmem>> -> memref<128x128xf32, #tpu.memory_space<vmem>>
        %dma_wait3A_195 = arith.constant 0 : i32
        %dma_wait3A_196 = tpu.memref_slice %arg7[%dma_wait3A, %dma_wait3A_195] : memref<6x128xi32, #tpu.memory_space<vmem>> -> memref<1x128xi32, #tpu.memory_space<vmem>>
        %dma_wait3A_197 = tpu.memref_squeeze %dma_wait3A_196 : memref<1x128xi32, #tpu.memory_space<vmem>> -> memref<128xi32, #tpu.memory_space<vmem>>
        %dma_wait3A_198 = arith.constant 0 : i32
        %dma_wait3A_199 = arith.constant 0 : i32
        %dma_wait3A_200 = tpu.memref_slice %arg2[%dma_wait3A_198, %dma_wait3A_199] : memref<100000x128xf32, #tpu.memory_space<hbm>> -> memref<100000x128xf32, #tpu.memory_space<hbm>>
        tpu.wait_indirect_dma semaphore(%arg11 : memref<!tpu.dma_semaphore, #tpu.memory_space<semaphore_mem>>) src(%dma_wait3A_200 : memref<100000x128xf32, #tpu.memory_space<hbm>>) dst(%dma_wait3A_194 : memref<128x128xf32, #tpu.memory_space<vmem>>)
        %dma_wait3A_201 = arith.constant 1 : i32
        %dma_wait3A_202 = arith.constant 128 : i32
        %dma_wait3A_203 = arith.constant 0 : i32
        %dma_wait3A_204 = tpu.memref_slice %arg8[%dma_wait3A_202, %dma_wait3A_203] : memref<768x128xf32, #tpu.memory_space<vmem>> -> memref<128x128xf32, #tpu.memory_space<vmem>>
        %dma_wait3A_205 = arith.constant 0 : i32
        %dma_wait3A_206 = tpu.memref_slice %arg7[%dma_wait3A_201, %dma_wait3A_205] : memref<6x128xi32, #tpu.memory_space<vmem>> -> memref<1x128xi32, #tpu.memory_space<vmem>>
        %dma_wait3A_207 = tpu.memref_squeeze %dma_wait3A_206 : memref<1x128xi32, #tpu.memory_space<vmem>> -> memref<128xi32, #tpu.memory_space<vmem>>
        %dma_wait3A_208 = arith.constant 0 : i32
        %dma_wait3A_209 = arith.constant 0 : i32
        %dma_wait3A_210 = tpu.memref_slice %arg2[%dma_wait3A_208, %dma_wait3A_209] : memref<100000x128xf32, #tpu.memory_space<hbm>> -> memref<100000x128xf32, #tpu.memory_space<hbm>>
        tpu.wait_indirect_dma semaphore(%arg11 : memref<!tpu.dma_semaphore, #tpu.memory_space<semaphore_mem>>) src(%dma_wait3A_210 : memref<100000x128xf32, #tpu.memory_space<hbm>>) dst(%dma_wait3A_204 : memref<128x128xf32, #tpu.memory_space<vmem>>)
        %dma_wait3A_211 = arith.constant 2 : i32
        %dma_wait3A_212 = arith.constant 256 : i32
        %dma_wait3A_213 = arith.constant 0 : i32
        %dma_wait3A_214 = tpu.memref_slice %arg8[%dma_wait3A_212, %dma_wait3A_213] : memref<768x128xf32, #tpu.memory_space<vmem>> -> memref<128x128xf32, #tpu.memory_space<vmem>>
        %dma_wait3A_215 = arith.constant 0 : i32
        %dma_wait3A_216 = tpu.memref_slice %arg7[%dma_wait3A_211, %dma_wait3A_215] : memref<6x128xi32, #tpu.memory_space<vmem>> -> memref<1x128xi32, #tpu.memory_space<vmem>>
        %dma_wait3A_217 = tpu.memref_squeeze %dma_wait3A_216 : memref<1x128xi32, #tpu.memory_space<vmem>> -> memref<128xi32, #tpu.memory_space<vmem>>
        %dma_wait3A_218 = arith.constant 0 : i32
        %dma_wait3A_219 = arith.constant 0 : i32
        %dma_wait3A_220 = tpu.memref_slice %arg2[%dma_wait3A_218, %dma_wait3A_219] : memref<100000x128xf32, #tpu.memory_space<hbm>> -> memref<100000x128xf32, #tpu.memory_space<hbm>>
        tpu.wait_indirect_dma semaphore(%arg11 : memref<!tpu.dma_semaphore, #tpu.memory_space<semaphore_mem>>) src(%dma_wait3A_220 : memref<100000x128xf32, #tpu.memory_space<hbm>>) dst(%dma_wait3A_214 : memref<128x128xf32, #tpu.memory_space<vmem>>)
      } else {
      }
      %eq3A_156 = arith.constant 1 : i32
      %eq3A_157 = arith.cmpi eq, %rem3A_153, %eq3A_156 : i32
      %convert_element_type3A_158 = arith.extui %eq3A_157 : i1 to i32
      %cond3A_159 = arith.constant 0 : i32
      %cond3A_160 = arith.cmpi ne, %convert_element_type3A_158, %cond3A_159 : i32
      scf.if %cond3A_160 {
        %dma_wait3A = arith.constant 3 : i32
        %dma_wait3A_192 = arith.constant 384 : i32
        %dma_wait3A_193 = arith.constant 0 : i32
        %dma_wait3A_194 = tpu.memref_slice %arg8[%dma_wait3A_192, %dma_wait3A_193] : memref<768x128xf32, #tpu.memory_space<vmem>> -> memref<128x128xf32, #tpu.memory_space<vmem>>
        %dma_wait3A_195 = arith.constant 0 : i32
        %dma_wait3A_196 = tpu.memref_slice %arg7[%dma_wait3A, %dma_wait3A_195] : memref<6x128xi32, #tpu.memory_space<vmem>> -> memref<1x128xi32, #tpu.memory_space<vmem>>
        %dma_wait3A_197 = tpu.memref_squeeze %dma_wait3A_196 : memref<1x128xi32, #tpu.memory_space<vmem>> -> memref<128xi32, #tpu.memory_space<vmem>>
        %dma_wait3A_198 = arith.constant 0 : i32
        %dma_wait3A_199 = arith.constant 0 : i32
        %dma_wait3A_200 = tpu.memref_slice %arg2[%dma_wait3A_198, %dma_wait3A_199] : memref<100000x128xf32, #tpu.memory_space<hbm>> -> memref<100000x128xf32, #tpu.memory_space<hbm>>
        tpu.wait_indirect_dma semaphore(%arg12 : memref<!tpu.dma_semaphore, #tpu.memory_space<semaphore_mem>>) src(%dma_wait3A_200 : memref<100000x128xf32, #tpu.memory_space<hbm>>) dst(%dma_wait3A_194 : memref<128x128xf32, #tpu.memory_space<vmem>>)
        %dma_wait3A_201 = arith.constant 4 : i32
        %dma_wait3A_202 = arith.constant 512 : i32
        %dma_wait3A_203 = arith.constant 0 : i32
        %dma_wait3A_204 = tpu.memref_slice %arg8[%dma_wait3A_202, %dma_wait3A_203] : memref<768x128xf32, #tpu.memory_space<vmem>> -> memref<128x128xf32, #tpu.memory_space<vmem>>
        %dma_wait3A_205 = arith.constant 0 : i32
        %dma_wait3A_206 = tpu.memref_slice %arg7[%dma_wait3A_201, %dma_wait3A_205] : memref<6x128xi32, #tpu.memory_space<vmem>> -> memref<1x128xi32, #tpu.memory_space<vmem>>
        %dma_wait3A_207 = tpu.memref_squeeze %dma_wait3A_206 : memref<1x128xi32, #tpu.memory_space<vmem>> -> memref<128xi32, #tpu.memory_space<vmem>>
        %dma_wait3A_208 = arith.constant 0 : i32
        %dma_wait3A_209 = arith.constant 0 : i32
        %dma_wait3A_210 = tpu.memref_slice %arg2[%dma_wait3A_208, %dma_wait3A_209] : memref<100000x128xf32, #tpu.memory_space<hbm>> -> memref<100000x128xf32, #tpu.memory_space<hbm>>
        tpu.wait_indirect_dma semaphore(%arg12 : memref<!tpu.dma_semaphore, #tpu.memory_space<semaphore_mem>>) src(%dma_wait3A_210 : memref<100000x128xf32, #tpu.memory_space<hbm>>) dst(%dma_wait3A_204 : memref<128x128xf32, #tpu.memory_space<vmem>>)
        %dma_wait3A_211 = arith.constant 5 : i32
        %dma_wait3A_212 = arith.constant 640 : i32
        %dma_wait3A_213 = arith.constant 0 : i32
        %dma_wait3A_214 = tpu.memref_slice %arg8[%dma_wait3A_212, %dma_wait3A_213] : memref<768x128xf32, #tpu.memory_space<vmem>> -> memref<128x128xf32, #tpu.memory_space<vmem>>
        %dma_wait3A_215 = arith.constant 0 : i32
        %dma_wait3A_216 = tpu.memref_slice %arg7[%dma_wait3A_211, %dma_wait3A_215] : memref<6x128xi32, #tpu.memory_space<vmem>> -> memref<1x128xi32, #tpu.memory_space<vmem>>
        %dma_wait3A_217 = tpu.memref_squeeze %dma_wait3A_216 : memref<1x128xi32, #tpu.memory_space<vmem>> -> memref<128xi32, #tpu.memory_space<vmem>>
        %dma_wait3A_218 = arith.constant 0 : i32
        %dma_wait3A_219 = arith.constant 0 : i32
        %dma_wait3A_220 = tpu.memref_slice %arg2[%dma_wait3A_218, %dma_wait3A_219] : memref<100000x128xf32, #tpu.memory_space<hbm>> -> memref<100000x128xf32, #tpu.memory_space<hbm>>
        tpu.wait_indirect_dma semaphore(%arg12 : memref<!tpu.dma_semaphore, #tpu.memory_space<semaphore_mem>>) src(%dma_wait3A_220 : memref<100000x128xf32, #tpu.memory_space<hbm>>) dst(%dma_wait3A_214 : memref<128x128xf32, #tpu.memory_space<vmem>>)
      } else {
      }
      %add3A_161 = arith.constant 1 : i32
      %add3A_162 = arith.addi %scan3A_136, %add3A_161 : i32
      %lt3A = arith.constant 49 : i32
      %lt3A_163 = arith.cmpi slt, %add3A_162, %lt3A : i32
      %eq3A_164 = arith.constant 0 : i32
      %eq3A_165 = arith.cmpi eq, %rem3A_153, %eq3A_164 : i32
      %and3A = arith.andi %lt3A_163, %eq3A_165 : i1
      %convert_element_type3A_166 = arith.extui %and3A : i1 to i32
      %cond3A_167 = arith.constant 0 : i32
      %cond3A_168 = arith.cmpi ne, %convert_element_type3A_166, %cond3A_167 : i32
      scf.if %cond3A_168 {
        %add3A_192 = arith.constant 1 : i32
        %add3A_193 = arith.addi %scan3A_136, %add3A_192 : i32
        %mul3A_194 = arith.constant 32 : i32
        %mul3A_195 = arith.muli %add3A_193, %mul3A_194 : i32
        %add3A_196 = arith.addi %mul3A_195, %add3A : i32
        "tpu.region"() ({
          %run_scoped3A_227 = tpu.sem_alloc : memref<!tpu.dma_semaphore, #tpu.memory_space<semaphore_mem>>
          %dma_start3A_228 = arith.constant 3 : i32
          %dma_start3A_229 = arith.constant 0 : i32
          %dma_start3A_230 = tpu.memref_slice %arg7[%dma_start3A_228, %dma_start3A_229] : memref<6x128xi32, #tpu.memory_space<vmem>> -> memref<3x128xi32, #tpu.memory_space<vmem>>
          %dma_start3A_231 = arith.constant 0 : i32
          %dma_start3A_232 = arith.constant 0 : i32
          %dma_start3A_233 = tpu.memref_slice %arg3[%add3A_196, %dma_start3A_231, %dma_start3A_232] : memref<1568x3x128xi32, #tpu.memory_space<hbm>> -> memref<1x3x128xi32, #tpu.memory_space<hbm>>
          %dma_start3A_234 = tpu.memref_squeeze %dma_start3A_233 : memref<1x3x128xi32, #tpu.memory_space<hbm>> -> memref<3x128xi32, #tpu.memory_space<hbm>>
          %dma_start3A_235 = arith.constant 3 : i32
          %dma_start3A_236 = arith.constant 0 : i32
          %dma_start3A_237 = tpu.memref_slice %arg7[%dma_start3A_235, %dma_start3A_236] : memref<6x128xi32, #tpu.memory_space<vmem>> -> memref<3x128xi32, #tpu.memory_space<vmem>>
          %dma_start3A_238 = arith.constant 0 : i32
          %dma_start3A_239 = arith.constant 0 : i32
          %dma_start3A_240 = tpu.memref_slice %arg3[%add3A_196, %dma_start3A_238, %dma_start3A_239] : memref<1568x3x128xi32, #tpu.memory_space<hbm>> -> memref<1x3x128xi32, #tpu.memory_space<hbm>>
          %dma_start3A_241 = tpu.memref_squeeze %dma_start3A_240 : memref<1x3x128xi32, #tpu.memory_space<hbm>> -> memref<3x128xi32, #tpu.memory_space<hbm>>
          tpu.enqueue_dma source(%dma_start3A_241 : memref<3x128xi32, #tpu.memory_space<hbm>>) target(%dma_start3A_237 : memref<3x128xi32, #tpu.memory_space<vmem>>) target_semaphore(%run_scoped3A_227 : memref<!tpu.dma_semaphore, #tpu.memory_space<semaphore_mem>>)
          %dma_wait3A = arith.constant 3 : i32
          %dma_wait3A_242 = arith.constant 0 : i32
          %dma_wait3A_243 = tpu.memref_slice %arg7[%dma_wait3A, %dma_wait3A_242] : memref<6x128xi32, #tpu.memory_space<vmem>> -> memref<3x128xi32, #tpu.memory_space<vmem>>
          %dma_wait3A_244 = arith.constant 0 : i32
          %dma_wait3A_245 = arith.constant 0 : i32
          %dma_wait3A_246 = tpu.memref_slice %arg3[%add3A_196, %dma_wait3A_244, %dma_wait3A_245] : memref<1568x3x128xi32, #tpu.memory_space<hbm>> -> memref<1x3x128xi32, #tpu.memory_space<hbm>>
          %dma_wait3A_247 = tpu.memref_squeeze %dma_wait3A_246 : memref<1x3x128xi32, #tpu.memory_space<hbm>> -> memref<3x128xi32, #tpu.memory_space<hbm>>
          %dma_wait3A_248 = arith.constant 3 : i32
          %dma_wait3A_249 = arith.constant 0 : i32
          %dma_wait3A_250 = tpu.memref_slice %arg7[%dma_wait3A_248, %dma_wait3A_249] : memref<6x128xi32, #tpu.memory_space<vmem>> -> memref<3x128xi32, #tpu.memory_space<vmem>>
          %dma_wait3A_251 = arith.constant 0 : i32
          %dma_wait3A_252 = arith.constant 0 : i32
          %dma_wait3A_253 = tpu.memref_slice %arg3[%add3A_196, %dma_wait3A_251, %dma_wait3A_252] : memref<1568x3x128xi32, #tpu.memory_space<hbm>> -> memref<1x3x128xi32, #tpu.memory_space<hbm>>
          %dma_wait3A_254 = tpu.memref_squeeze %dma_wait3A_253 : memref<1x3x128xi32, #tpu.memory_space<hbm>> -> memref<3x128xi32, #tpu.memory_space<hbm>>
          tpu.wait_dma2 semaphore(%run_scoped3A_227 : memref<!tpu.dma_semaphore, #tpu.memory_space<semaphore_mem>>) src(%dma_wait3A_254 : memref<3x128xi32, #tpu.memory_space<hbm>>) dst(%dma_wait3A_250 : memref<3x128xi32, #tpu.memory_space<vmem>>)
          tpu.yield
        }) : () -> ()
        %dma_start3A_197 = arith.constant 3 : i32
        %dma_start3A_198 = arith.constant 384 : i32
        %dma_start3A_199 = arith.constant 0 : i32
        %dma_start3A_200 = tpu.memref_slice %arg8[%dma_start3A_198, %dma_start3A_199] : memref<768x128xf32, #tpu.memory_space<vmem>> -> memref<128x128xf32, #tpu.memory_space<vmem>>
        %dma_start3A_201 = arith.constant 0 : i32
        %dma_start3A_202 = tpu.memref_slice %arg7[%dma_start3A_197, %dma_start3A_201] : memref<6x128xi32, #tpu.memory_space<vmem>> -> memref<1x128xi32, #tpu.memory_space<vmem>>
        %dma_start3A_203 = tpu.memref_squeeze %dma_start3A_202 : memref<1x128xi32, #tpu.memory_space<vmem>> -> memref<128xi32, #tpu.memory_space<vmem>>
        %dma_start3A_204 = arith.constant 0 : i32
        %dma_start3A_205 = arith.constant 0 : i32
        %dma_start3A_206 = tpu.memref_slice %arg2[%dma_start3A_204, %dma_start3A_205] : memref<100000x128xf32, #tpu.memory_space<hbm>> -> memref<100000x128xf32, #tpu.memory_space<hbm>>
        tpu.enqueue_indirect_dma source(%dma_start3A_206 : memref<100000x128xf32, #tpu.memory_space<hbm>>) target(%dma_start3A_200 : memref<128x128xf32, #tpu.memory_space<vmem>>) offsets(%dma_start3A_203 : memref<128xi32, #tpu.memory_space<vmem>>) semaphore(%arg12 : memref<!tpu.dma_semaphore, #tpu.memory_space<semaphore_mem>>)
        %dma_start3A_207 = arith.constant 4 : i32
        %dma_start3A_208 = arith.constant 512 : i32
        %dma_start3A_209 = arith.constant 0 : i32
        %dma_start3A_210 = tpu.memref_slice %arg8[%dma_start3A_208, %dma_start3A_209] : memref<768x128xf32, #tpu.memory_space<vmem>> -> memref<128x128xf32, #tpu.memory_space<vmem>>
        %dma_start3A_211 = arith.constant 0 : i32
        %dma_start3A_212 = tpu.memref_slice %arg7[%dma_start3A_207, %dma_start3A_211] : memref<6x128xi32, #tpu.memory_space<vmem>> -> memref<1x128xi32, #tpu.memory_space<vmem>>
        %dma_start3A_213 = tpu.memref_squeeze %dma_start3A_212 : memref<1x128xi32, #tpu.memory_space<vmem>> -> memref<128xi32, #tpu.memory_space<vmem>>
        %dma_start3A_214 = arith.constant 0 : i32
        %dma_start3A_215 = arith.constant 0 : i32
        %dma_start3A_216 = tpu.memref_slice %arg2[%dma_start3A_214, %dma_start3A_215] : memref<100000x128xf32, #tpu.memory_space<hbm>> -> memref<100000x128xf32, #tpu.memory_space<hbm>>
        tpu.enqueue_indirect_dma source(%dma_start3A_216 : memref<100000x128xf32, #tpu.memory_space<hbm>>) target(%dma_start3A_210 : memref<128x128xf32, #tpu.memory_space<vmem>>) offsets(%dma_start3A_213 : memref<128xi32, #tpu.memory_space<vmem>>) semaphore(%arg12 : memref<!tpu.dma_semaphore, #tpu.memory_space<semaphore_mem>>)
        %dma_start3A_217 = arith.constant 5 : i32
        %dma_start3A_218 = arith.constant 640 : i32
        %dma_start3A_219 = arith.constant 0 : i32
        %dma_start3A_220 = tpu.memref_slice %arg8[%dma_start3A_218, %dma_start3A_219] : memref<768x128xf32, #tpu.memory_space<vmem>> -> memref<128x128xf32, #tpu.memory_space<vmem>>
        %dma_start3A_221 = arith.constant 0 : i32
        %dma_start3A_222 = tpu.memref_slice %arg7[%dma_start3A_217, %dma_start3A_221] : memref<6x128xi32, #tpu.memory_space<vmem>> -> memref<1x128xi32, #tpu.memory_space<vmem>>
        %dma_start3A_223 = tpu.memref_squeeze %dma_start3A_222 : memref<1x128xi32, #tpu.memory_space<vmem>> -> memref<128xi32, #tpu.memory_space<vmem>>
        %dma_start3A_224 = arith.constant 0 : i32
        %dma_start3A_225 = arith.constant 0 : i32
        %dma_start3A_226 = tpu.memref_slice %arg2[%dma_start3A_224, %dma_start3A_225] : memref<100000x128xf32, #tpu.memory_space<hbm>> -> memref<100000x128xf32, #tpu.memory_space<hbm>>
        tpu.enqueue_indirect_dma source(%dma_start3A_226 : memref<100000x128xf32, #tpu.memory_space<hbm>>) target(%dma_start3A_220 : memref<128x128xf32, #tpu.memory_space<vmem>>) offsets(%dma_start3A_223 : memref<128xi32, #tpu.memory_space<vmem>>) semaphore(%arg12 : memref<!tpu.dma_semaphore, #tpu.memory_space<semaphore_mem>>)
      } else {
      }
      %add3A_169 = arith.constant 1 : i32
      %add3A_170 = arith.addi %scan3A_136, %add3A_169 : i32
      %lt3A_171 = arith.constant 49 : i32
      %lt3A_172 = arith.cmpi slt, %add3A_170, %lt3A_171 : i32
      %eq3A_173 = arith.constant 1 : i32
      %eq3A_174 = arith.cmpi eq, %rem3A_153, %eq3A_173 : i32
      %and3A_175 = arith.andi %lt3A_172, %eq3A_174 : i1
      %convert_element_type3A_176 = arith.extui %and3A_175 : i1 to i32
      %cond3A_177 = arith.constant 0 : i32
      %cond3A_178 = arith.cmpi ne, %convert_element_type3A_176, %cond3A_177 : i32
      scf.if %cond3A_178 {
        %add3A_192 = arith.constant 1 : i32
        %add3A_193 = arith.addi %scan3A_136, %add3A_192 : i32
        %mul3A_194 = arith.constant 32 : i32
        %mul3A_195 = arith.muli %add3A_193, %mul3A_194 : i32
        %add3A_196 = arith.addi %mul3A_195, %add3A : i32
        "tpu.region"() ({
          %run_scoped3A_227 = tpu.sem_alloc : memref<!tpu.dma_semaphore, #tpu.memory_space<semaphore_mem>>
          %dma_start3A_228 = arith.constant 0 : i32
          %dma_start3A_229 = arith.constant 0 : i32
          %dma_start3A_230 = tpu.memref_slice %arg7[%dma_start3A_228, %dma_start3A_229] : memref<6x128xi32, #tpu.memory_space<vmem>> -> memref<3x128xi32, #tpu.memory_space<vmem>>
          %dma_start3A_231 = arith.constant 0 : i32
          %dma_start3A_232 = arith.constant 0 : i32
          %dma_start3A_233 = tpu.memref_slice %arg3[%add3A_196, %dma_start3A_231, %dma_start3A_232] : memref<1568x3x128xi32, #tpu.memory_space<hbm>> -> memref<1x3x128xi32, #tpu.memory_space<hbm>>
          %dma_start3A_234 = tpu.memref_squeeze %dma_start3A_233 : memref<1x3x128xi32, #tpu.memory_space<hbm>> -> memref<3x128xi32, #tpu.memory_space<hbm>>
          %dma_start3A_235 = arith.constant 0 : i32
          %dma_start3A_236 = arith.constant 0 : i32
          %dma_start3A_237 = tpu.memref_slice %arg7[%dma_start3A_235, %dma_start3A_236] : memref<6x128xi32, #tpu.memory_space<vmem>> -> memref<3x128xi32, #tpu.memory_space<vmem>>
          %dma_start3A_238 = arith.constant 0 : i32
          %dma_start3A_239 = arith.constant 0 : i32
          %dma_start3A_240 = tpu.memref_slice %arg3[%add3A_196, %dma_start3A_238, %dma_start3A_239] : memref<1568x3x128xi32, #tpu.memory_space<hbm>> -> memref<1x3x128xi32, #tpu.memory_space<hbm>>
          %dma_start3A_241 = tpu.memref_squeeze %dma_start3A_240 : memref<1x3x128xi32, #tpu.memory_space<hbm>> -> memref<3x128xi32, #tpu.memory_space<hbm>>
          tpu.enqueue_dma source(%dma_start3A_241 : memref<3x128xi32, #tpu.memory_space<hbm>>) target(%dma_start3A_237 : memref<3x128xi32, #tpu.memory_space<vmem>>) target_semaphore(%run_scoped3A_227 : memref<!tpu.dma_semaphore, #tpu.memory_space<semaphore_mem>>)
          %dma_wait3A = arith.constant 0 : i32
          %dma_wait3A_242 = arith.constant 0 : i32
          %dma_wait3A_243 = tpu.memref_slice %arg7[%dma_wait3A, %dma_wait3A_242] : memref<6x128xi32, #tpu.memory_space<vmem>> -> memref<3x128xi32, #tpu.memory_space<vmem>>
          %dma_wait3A_244 = arith.constant 0 : i32
          %dma_wait3A_245 = arith.constant 0 : i32
          %dma_wait3A_246 = tpu.memref_slice %arg3[%add3A_196, %dma_wait3A_244, %dma_wait3A_245] : memref<1568x3x128xi32, #tpu.memory_space<hbm>> -> memref<1x3x128xi32, #tpu.memory_space<hbm>>
          %dma_wait3A_247 = tpu.memref_squeeze %dma_wait3A_246 : memref<1x3x128xi32, #tpu.memory_space<hbm>> -> memref<3x128xi32, #tpu.memory_space<hbm>>
          %dma_wait3A_248 = arith.constant 0 : i32
          %dma_wait3A_249 = arith.constant 0 : i32
          %dma_wait3A_250 = tpu.memref_slice %arg7[%dma_wait3A_248, %dma_wait3A_249] : memref<6x128xi32, #tpu.memory_space<vmem>> -> memref<3x128xi32, #tpu.memory_space<vmem>>
          %dma_wait3A_251 = arith.constant 0 : i32
          %dma_wait3A_252 = arith.constant 0 : i32
          %dma_wait3A_253 = tpu.memref_slice %arg3[%add3A_196, %dma_wait3A_251, %dma_wait3A_252] : memref<1568x3x128xi32, #tpu.memory_space<hbm>> -> memref<1x3x128xi32, #tpu.memory_space<hbm>>
          %dma_wait3A_254 = tpu.memref_squeeze %dma_wait3A_253 : memref<1x3x128xi32, #tpu.memory_space<hbm>> -> memref<3x128xi32, #tpu.memory_space<hbm>>
          tpu.wait_dma2 semaphore(%run_scoped3A_227 : memref<!tpu.dma_semaphore, #tpu.memory_space<semaphore_mem>>) src(%dma_wait3A_254 : memref<3x128xi32, #tpu.memory_space<hbm>>) dst(%dma_wait3A_250 : memref<3x128xi32, #tpu.memory_space<vmem>>)
          tpu.yield
        }) : () -> ()
        %dma_start3A_197 = arith.constant 0 : i32
        %dma_start3A_198 = arith.constant 0 : i32
        %dma_start3A_199 = arith.constant 0 : i32
        %dma_start3A_200 = tpu.memref_slice %arg8[%dma_start3A_198, %dma_start3A_199] : memref<768x128xf32, #tpu.memory_space<vmem>> -> memref<128x128xf32, #tpu.memory_space<vmem>>
        %dma_start3A_201 = arith.constant 0 : i32
        %dma_start3A_202 = tpu.memref_slice %arg7[%dma_start3A_197, %dma_start3A_201] : memref<6x128xi32, #tpu.memory_space<vmem>> -> memref<1x128xi32, #tpu.memory_space<vmem>>
        %dma_start3A_203 = tpu.memref_squeeze %dma_start3A_202 : memref<1x128xi32, #tpu.memory_space<vmem>> -> memref<128xi32, #tpu.memory_space<vmem>>
        %dma_start3A_204 = arith.constant 0 : i32
        %dma_start3A_205 = arith.constant 0 : i32
        %dma_start3A_206 = tpu.memref_slice %arg2[%dma_start3A_204, %dma_start3A_205] : memref<100000x128xf32, #tpu.memory_space<hbm>> -> memref<100000x128xf32, #tpu.memory_space<hbm>>
        tpu.enqueue_indirect_dma source(%dma_start3A_206 : memref<100000x128xf32, #tpu.memory_space<hbm>>) target(%dma_start3A_200 : memref<128x128xf32, #tpu.memory_space<vmem>>) offsets(%dma_start3A_203 : memref<128xi32, #tpu.memory_space<vmem>>) semaphore(%arg11 : memref<!tpu.dma_semaphore, #tpu.memory_space<semaphore_mem>>)
        %dma_start3A_207 = arith.constant 1 : i32
        %dma_start3A_208 = arith.constant 128 : i32
        %dma_start3A_209 = arith.constant 0 : i32
        %dma_start3A_210 = tpu.memref_slice %arg8[%dma_start3A_208, %dma_start3A_209] : memref<768x128xf32, #tpu.memory_space<vmem>> -> memref<128x128xf32, #tpu.memory_space<vmem>>
        %dma_start3A_211 = arith.constant 0 : i32
        %dma_start3A_212 = tpu.memref_slice %arg7[%dma_start3A_207, %dma_start3A_211] : memref<6x128xi32, #tpu.memory_space<vmem>> -> memref<1x128xi32, #tpu.memory_space<vmem>>
        %dma_start3A_213 = tpu.memref_squeeze %dma_start3A_212 : memref<1x128xi32, #tpu.memory_space<vmem>> -> memref<128xi32, #tpu.memory_space<vmem>>
        %dma_start3A_214 = arith.constant 0 : i32
        %dma_start3A_215 = arith.constant 0 : i32
        %dma_start3A_216 = tpu.memref_slice %arg2[%dma_start3A_214, %dma_start3A_215] : memref<100000x128xf32, #tpu.memory_space<hbm>> -> memref<100000x128xf32, #tpu.memory_space<hbm>>
        tpu.enqueue_indirect_dma source(%dma_start3A_216 : memref<100000x128xf32, #tpu.memory_space<hbm>>) target(%dma_start3A_210 : memref<128x128xf32, #tpu.memory_space<vmem>>) offsets(%dma_start3A_213 : memref<128xi32, #tpu.memory_space<vmem>>) semaphore(%arg11 : memref<!tpu.dma_semaphore, #tpu.memory_space<semaphore_mem>>)
        %dma_start3A_217 = arith.constant 2 : i32
        %dma_start3A_218 = arith.constant 256 : i32
        %dma_start3A_219 = arith.constant 0 : i32
        %dma_start3A_220 = tpu.memref_slice %arg8[%dma_start3A_218, %dma_start3A_219] : memref<768x128xf32, #tpu.memory_space<vmem>> -> memref<128x128xf32, #tpu.memory_space<vmem>>
        %dma_start3A_221 = arith.constant 0 : i32
        %dma_start3A_222 = tpu.memref_slice %arg7[%dma_start3A_217, %dma_start3A_221] : memref<6x128xi32, #tpu.memory_space<vmem>> -> memref<1x128xi32, #tpu.memory_space<vmem>>
        %dma_start3A_223 = tpu.memref_squeeze %dma_start3A_222 : memref<1x128xi32, #tpu.memory_space<vmem>> -> memref<128xi32, #tpu.memory_space<vmem>>
        %dma_start3A_224 = arith.constant 0 : i32
        %dma_start3A_225 = arith.constant 0 : i32
        %dma_start3A_226 = tpu.memref_slice %arg2[%dma_start3A_224, %dma_start3A_225] : memref<100000x128xf32, #tpu.memory_space<hbm>> -> memref<100000x128xf32, #tpu.memory_space<hbm>>
        tpu.enqueue_indirect_dma source(%dma_start3A_226 : memref<100000x128xf32, #tpu.memory_space<hbm>>) target(%dma_start3A_220 : memref<128x128xf32, #tpu.memory_space<vmem>>) offsets(%dma_start3A_223 : memref<128xi32, #tpu.memory_space<vmem>>) semaphore(%arg11 : memref<!tpu.dma_semaphore, #tpu.memory_space<semaphore_mem>>)
      } else {
      }
      %mul3A_179 = arith.constant 384 : i32
      %mul3A_180 = arith.muli %rem3A_153, %mul3A_179 : i32
      %scan3A_181 = arith.constant 0 : i32
      %scan3A_182 = arith.constant 16 : i32
      %scan3A_183 = arith.addi %scan3A_181, %scan3A_182 : i32
      %scan3A_184 = arith.constant 1 : i32
      %scan3A_185:16 = scf.for %scan3A_192 = %scan3A_181 to %scan3A_183 step %scan3A_184 iter_args(%scan3A_193 = %scan3A_137, %scan3A_194 = %scan3A_138, %scan3A_195 = %scan3A_139, %scan3A_196 = %scan3A_140, %scan3A_197 = %scan3A_141, %scan3A_198 = %scan3A_142, %scan3A_199 = %scan3A_143, %scan3A_200 = %scan3A_144, %scan3A_201 = %scan3A_145, %scan3A_202 = %scan3A_146, %scan3A_203 = %scan3A_147, %scan3A_204 = %scan3A_148, %scan3A_205 = %scan3A_149, %scan3A_206 = %scan3A_150, %scan3A_207 = %scan3A_151, %scan3A_208 = %scan3A_152) -> (vector<16xf32>, vector<16xf32>, vector<16xf32>, vector<16xf32>, vector<16xf32>, vector<16xf32>, vector<16xf32>, vector<16xf32>, vector<16xf32>, vector<16xf32>, vector<16xf32>, vector<16xf32>, vector<16xf32>, vector<16xf32>, vector<16xf32>, vector<16xf32>)  : i32 {
        %mul3A_209 = arith.constant 24 : i32
        %mul3A_210 = arith.muli %scan3A_192, %mul3A_209 : i32
        %add3A_211 = arith.addi %mul3A_180, %mul3A_210 : i32
        %scan3A_212 = arith.constant 0 : i32
        %mul3A_213 = arith.constant 24 : i32
        %mul3A_214 = arith.muli %scan3A_212, %mul3A_213 : i32
        %add3A_215 = arith.addi %add3A_211, %mul3A_214 : i32
        %add3A_216 = arith.constant 0 : i32
        %add3A_217 = arith.addi %add3A_215, %add3A_216 : i32
        %get3A = arith.index_cast %add3A_217 : i32 to index
        %get3A_218 = arith.constant 0 : index
        %get3A_219 = tpu.vector_load %arg8[%get3A, %get3A_218] {strides = array<i32>} : memref<768x128xf32, #tpu.memory_space<vmem>>, vector<1x16xf32>,
        %get3A_220 = vector.shape_cast %get3A_219 : vector<1x16xf32> to vector<16xf32>
        %max3A = arith.maximumf %broadcast_in_dim3A_3, %get3A_220 : vector<16xf32>
        %add3A_221 = arith.addf %scan3A_193, %get3A_220 : vector<16xf32>
        %mul3A_222 = arith.mulf %get3A_220, %get3A_220 : vector<16xf32>
        %add3A_223 = arith.addf %scan3A_201, %mul3A_222 : vector<16xf32>
        %mul3A_224 = arith.constant 24 : i32
        %mul3A_225 = arith.muli %scan3A_212, %mul3A_224 : i32
        %add3A_226 = arith.addi %add3A_211, %mul3A_225 : i32
        %add3A_227 = arith.constant 0 : i32
        %add3A_228 = arith.addi %add3A_226, %add3A_227 : i32
        %get3A_229 = arith.index_cast %add3A_228 : i32 to index
        %get3A_230 = arith.constant 16 : index
        %get3A_231 = tpu.vector_load %arg8[%get3A_229, %get3A_230] {strides = array<i32>} : memref<768x128xf32, #tpu.memory_space<vmem>>, vector<1x16xf32>,
        %get3A_232 = vector.shape_cast %get3A_231 : vector<1x16xf32> to vector<16xf32>
        %max3A_233 = arith.maximumf %broadcast_in_dim3A_3, %get3A_232 : vector<16xf32>
        %add3A_234 = arith.addf %scan3A_194, %get3A_232 : vector<16xf32>
        %mul3A_235 = arith.mulf %get3A_232, %get3A_232 : vector<16xf32>
        %add3A_236 = arith.addf %scan3A_202, %mul3A_235 : vector<16xf32>
        %mul3A_237 = arith.constant 24 : i32
        %mul3A_238 = arith.muli %scan3A_212, %mul3A_237 : i32
        %add3A_239 = arith.addi %add3A_211, %mul3A_238 : i32
        %add3A_240 = arith.constant 0 : i32
        %add3A_241 = arith.addi %add3A_239, %add3A_240 : i32
        %get3A_242 = arith.index_cast %add3A_241 : i32 to index
        %get3A_243 = arith.constant 32 : index
        %get3A_244 = tpu.vector_load %arg8[%get3A_242, %get3A_243] {strides = array<i32>} : memref<768x128xf32, #tpu.memory_space<vmem>>, vector<1x16xf32>,
        %get3A_245 = vector.shape_cast %get3A_244 : vector<1x16xf32> to vector<16xf32>
        %max3A_246 = arith.maximumf %broadcast_in_dim3A_3, %get3A_245 : vector<16xf32>
        %add3A_247 = arith.addf %scan3A_195, %get3A_245 : vector<16xf32>
        %mul3A_248 = arith.mulf %get3A_245, %get3A_245 : vector<16xf32>
        %add3A_249 = arith.addf %scan3A_203, %mul3A_248 : vector<16xf32>
        %mul3A_250 = arith.constant 24 : i32
        %mul3A_251 = arith.muli %scan3A_212, %mul3A_250 : i32
        %add3A_252 = arith.addi %add3A_211, %mul3A_251 : i32
        %add3A_253 = arith.constant 0 : i32
        %add3A_254 = arith.addi %add3A_252, %add3A_253 : i32
        %get3A_255 = arith.index_cast %add3A_254 : i32 to index
        %get3A_256 = arith.constant 48 : index
        %get3A_257 = tpu.vector_load %arg8[%get3A_255, %get3A_256] {strides = array<i32>} : memref<768x128xf32, #tpu.memory_space<vmem>>, vector<1x16xf32>,
        %get3A_258 = vector.shape_cast %get3A_257 : vector<1x16xf32> to vector<16xf32>
        %max3A_259 = arith.maximumf %broadcast_in_dim3A_3, %get3A_258 : vector<16xf32>
        %add3A_260 = arith.addf %scan3A_196, %get3A_258 : vector<16xf32>
        %mul3A_261 = arith.mulf %get3A_258, %get3A_258 : vector<16xf32>
        %add3A_262 = arith.addf %scan3A_204, %mul3A_261 : vector<16xf32>
        %mul3A_263 = arith.constant 24 : i32
        %mul3A_264 = arith.muli %scan3A_212, %mul3A_263 : i32
        %add3A_265 = arith.addi %add3A_211, %mul3A_264 : i32
        %add3A_266 = arith.constant 0 : i32
        %add3A_267 = arith.addi %add3A_265, %add3A_266 : i32
        %get3A_268 = arith.index_cast %add3A_267 : i32 to index
        %get3A_269 = arith.constant 64 : index
        %get3A_270 = tpu.vector_load %arg8[%get3A_268, %get3A_269] {strides = array<i32>} : memref<768x128xf32, #tpu.memory_space<vmem>>, vector<1x16xf32>,
        %get3A_271 = vector.shape_cast %get3A_270 : vector<1x16xf32> to vector<16xf32>
        %max3A_272 = arith.maximumf %broadcast_in_dim3A_3, %get3A_271 : vector<16xf32>
        %add3A_273 = arith.addf %scan3A_197, %get3A_271 : vector<16xf32>
        %mul3A_274 = arith.mulf %get3A_271, %get3A_271 : vector<16xf32>
        %add3A_275 = arith.addf %scan3A_205, %mul3A_274 : vector<16xf32>
        %mul3A_276 = arith.constant 24 : i32
        %mul3A_277 = arith.muli %scan3A_212, %mul3A_276 : i32
        %add3A_278 = arith.addi %add3A_211, %mul3A_277 : i32
        %add3A_279 = arith.constant 0 : i32
        %add3A_280 = arith.addi %add3A_278, %add3A_279 : i32
        %get3A_281 = arith.index_cast %add3A_280 : i32 to index
        %get3A_282 = arith.constant 80 : index
        %get3A_283 = tpu.vector_load %arg8[%get3A_281, %get3A_282] {strides = array<i32>} : memref<768x128xf32, #tpu.memory_space<vmem>>, vector<1x16xf32>,
        %get3A_284 = vector.shape_cast %get3A_283 : vector<1x16xf32> to vector<16xf32>
        %max3A_285 = arith.maximumf %broadcast_in_dim3A_3, %get3A_284 : vector<16xf32>
        %add3A_286 = arith.addf %scan3A_198, %get3A_284 : vector<16xf32>
        %mul3A_287 = arith.mulf %get3A_284, %get3A_284 : vector<16xf32>
        %add3A_288 = arith.addf %scan3A_206, %mul3A_287 : vector<16xf32>
        %mul3A_289 = arith.constant 24 : i32
        %mul3A_290 = arith.muli %scan3A_212, %mul3A_289 : i32
        %add3A_291 = arith.addi %add3A_211, %mul3A_290 : i32
        %add3A_292 = arith.constant 0 : i32
        %add3A_293 = arith.addi %add3A_291, %add3A_292 : i32
        %get3A_294 = arith.index_cast %add3A_293 : i32 to index
        %get3A_295 = arith.constant 96 : index
        %get3A_296 = tpu.vector_load %arg8[%get3A_294, %get3A_295] {strides = array<i32>} : memref<768x128xf32, #tpu.memory_space<vmem>>, vector<1x16xf32>,
        %get3A_297 = vector.shape_cast %get3A_296 : vector<1x16xf32> to vector<16xf32>
        %max3A_298 = arith.maximumf %broadcast_in_dim3A_3, %get3A_297 : vector<16xf32>
        %add3A_299 = arith.addf %scan3A_199, %get3A_297 : vector<16xf32>
        %mul3A_300 = arith.mulf %get3A_297, %get3A_297 : vector<16xf32>
        %add3A_301 = arith.addf %scan3A_207, %mul3A_300 : vector<16xf32>
        %mul3A_302 = arith.constant 24 : i32
        %mul3A_303 = arith.muli %scan3A_212, %mul3A_302 : i32
        %add3A_304 = arith.addi %add3A_211, %mul3A_303 : i32
        %add3A_305 = arith.constant 0 : i32
        %add3A_306 = arith.addi %add3A_304, %add3A_305 : i32
        %get3A_307 = arith.index_cast %add3A_306 : i32 to index
        %get3A_308 = arith.constant 112 : index
        %get3A_309 = tpu.vector_load %arg8[%get3A_307, %get3A_308] {strides = array<i32>} : memref<768x128xf32, #tpu.memory_space<vmem>>, vector<1x16xf32>,
        %get3A_310 = vector.shape_cast %get3A_309 : vector<1x16xf32> to vector<16xf32>
        %max3A_311 = arith.maximumf %broadcast_in_dim3A_3, %get3A_310 : vector<16xf32>
        %add3A_312 = arith.addf %scan3A_200, %get3A_310 : vector<16xf32>
        %mul3A_313 = arith.mulf %get3A_310, %get3A_310 : vector<16xf32>
        %add3A_314 = arith.addf %scan3A_208, %mul3A_313 : vector<16xf32>
        %mul3A_315 = arith.constant 24 : i32
        %mul3A_316 = arith.muli %scan3A_212, %mul3A_315 : i32
        %add3A_317 = arith.addi %add3A_211, %mul3A_316 : i32
        %add3A_318 = arith.constant 1 : i32
        %add3A_319 = arith.addi %add3A_317, %add3A_318 : i32
        %get3A_320 = arith.index_cast %add3A_319 : i32 to index
        %get3A_321 = arith.constant 0 : index
        %get3A_322 = tpu.vector_load %arg8[%get3A_320, %get3A_321] {strides = array<i32>} : memref<768x128xf32, #tpu.memory_space<vmem>>, vector<1x16xf32>,
        %get3A_323 = vector.shape_cast %get3A_322 : vector<1x16xf32> to vector<16xf32>
        %max3A_324 = arith.maximumf %max3A, %get3A_323 : vector<16xf32>
        %add3A_325 = arith.addf %add3A_221, %get3A_323 : vector<16xf32>
        %mul3A_326 = arith.mulf %get3A_323, %get3A_323 : vector<16xf32>
        %add3A_327 = arith.addf %add3A_223, %mul3A_326 : vector<16xf32>
        %mul3A_328 = arith.constant 24 : i32
        %mul3A_329 = arith.muli %scan3A_212, %mul3A_328 : i32
        %add3A_330 = arith.addi %add3A_211, %mul3A_329 : i32
        %add3A_331 = arith.constant 1 : i32
        %add3A_332 = arith.addi %add3A_330, %add3A_331 : i32
        %get3A_333 = arith.index_cast %add3A_332 : i32 to index
        %get3A_334 = arith.constant 16 : index
        %get3A_335 = tpu.vector_load %arg8[%get3A_333, %get3A_334] {strides = array<i32>} : memref<768x128xf32, #tpu.memory_space<vmem>>, vector<1x16xf32>,
        %get3A_336 = vector.shape_cast %get3A_335 : vector<1x16xf32> to vector<16xf32>
        %max3A_337 = arith.maximumf %max3A_233, %get3A_336 : vector<16xf32>
        %add3A_338 = arith.addf %add3A_234, %get3A_336 : vector<16xf32>
        %mul3A_339 = arith.mulf %get3A_336, %get3A_336 : vector<16xf32>
        %add3A_340 = arith.addf %add3A_236, %mul3A_339 : vector<16xf32>
        %mul3A_341 = arith.constant 24 : i32
        %mul3A_342 = arith.muli %scan3A_212, %mul3A_341 : i32
        %add3A_343 = arith.addi %add3A_211, %mul3A_342 : i32
        %add3A_344 = arith.constant 1 : i32
        %add3A_345 = arith.addi %add3A_343, %add3A_344 : i32
        %get3A_346 = arith.index_cast %add3A_345 : i32 to index
        %get3A_347 = arith.constant 32 : index
        %get3A_348 = tpu.vector_load %arg8[%get3A_346, %get3A_347] {strides = array<i32>} : memref<768x128xf32, #tpu.memory_space<vmem>>, vector<1x16xf32>,
        %get3A_349 = vector.shape_cast %get3A_348 : vector<1x16xf32> to vector<16xf32>
        %max3A_350 = arith.maximumf %max3A_246, %get3A_349 : vector<16xf32>
        %add3A_351 = arith.addf %add3A_247, %get3A_349 : vector<16xf32>
        %mul3A_352 = arith.mulf %get3A_349, %get3A_349 : vector<16xf32>
        %add3A_353 = arith.addf %add3A_249, %mul3A_352 : vector<16xf32>
        %mul3A_354 = arith.constant 24 : i32
        %mul3A_355 = arith.muli %scan3A_212, %mul3A_354 : i32
        %add3A_356 = arith.addi %add3A_211, %mul3A_355 : i32
        %add3A_357 = arith.constant 1 : i32
        %add3A_358 = arith.addi %add3A_356, %add3A_357 : i32
        %get3A_359 = arith.index_cast %add3A_358 : i32 to index
        %get3A_360 = arith.constant 48 : index
        %get3A_361 = tpu.vector_load %arg8[%get3A_359, %get3A_360] {strides = array<i32>} : memref<768x128xf32, #tpu.memory_space<vmem>>, vector<1x16xf32>,
        %get3A_362 = vector.shape_cast %get3A_361 : vector<1x16xf32> to vector<16xf32>
        %max3A_363 = arith.maximumf %max3A_259, %get3A_362 : vector<16xf32>
        %add3A_364 = arith.addf %add3A_260, %get3A_362 : vector<16xf32>
        %mul3A_365 = arith.mulf %get3A_362, %get3A_362 : vector<16xf32>
        %add3A_366 = arith.addf %add3A_262, %mul3A_365 : vector<16xf32>
        %mul3A_367 = arith.constant 24 : i32
        %mul3A_368 = arith.muli %scan3A_212, %mul3A_367 : i32
        %add3A_369 = arith.addi %add3A_211, %mul3A_368 : i32
        %add3A_370 = arith.constant 1 : i32
        %add3A_371 = arith.addi %add3A_369, %add3A_370 : i32
        %get3A_372 = arith.index_cast %add3A_371 : i32 to index
        %get3A_373 = arith.constant 64 : index
        %get3A_374 = tpu.vector_load %arg8[%get3A_372, %get3A_373] {strides = array<i32>} : memref<768x128xf32, #tpu.memory_space<vmem>>, vector<1x16xf32>,
        %get3A_375 = vector.shape_cast %get3A_374 : vector<1x16xf32> to vector<16xf32>
        %max3A_376 = arith.maximumf %max3A_272, %get3A_375 : vector<16xf32>
        %add3A_377 = arith.addf %add3A_273, %get3A_375 : vector<16xf32>
        %mul3A_378 = arith.mulf %get3A_375, %get3A_375 : vector<16xf32>
        %add3A_379 = arith.addf %add3A_275, %mul3A_378 : vector<16xf32>
        %mul3A_380 = arith.constant 24 : i32
        %mul3A_381 = arith.muli %scan3A_212, %mul3A_380 : i32
        %add3A_382 = arith.addi %add3A_211, %mul3A_381 : i32
        %add3A_383 = arith.constant 1 : i32
        %add3A_384 = arith.addi %add3A_382, %add3A_383 : i32
        %get3A_385 = arith.index_cast %add3A_384 : i32 to index
        %get3A_386 = arith.constant 80 : index
        %get3A_387 = tpu.vector_load %arg8[%get3A_385, %get3A_386] {strides = array<i32>} : memref<768x128xf32, #tpu.memory_space<vmem>>, vector<1x16xf32>,
        %get3A_388 = vector.shape_cast %get3A_387 : vector<1x16xf32> to vector<16xf32>
        %max3A_389 = arith.maximumf %max3A_285, %get3A_388 : vector<16xf32>
        %add3A_390 = arith.addf %add3A_286, %get3A_388 : vector<16xf32>
        %mul3A_391 = arith.mulf %get3A_388, %get3A_388 : vector<16xf32>
        %add3A_392 = arith.addf %add3A_288, %mul3A_391 : vector<16xf32>
        %mul3A_393 = arith.constant 24 : i32
        %mul3A_394 = arith.muli %scan3A_212, %mul3A_393 : i32
        %add3A_395 = arith.addi %add3A_211, %mul3A_394 : i32
        %add3A_396 = arith.constant 1 : i32
        %add3A_397 = arith.addi %add3A_395, %add3A_396 : i32
        %get3A_398 = arith.index_cast %add3A_397 : i32 to index
        %get3A_399 = arith.constant 96 : index
        %get3A_400 = tpu.vector_load %arg8[%get3A_398, %get3A_399] {strides = array<i32>} : memref<768x128xf32, #tpu.memory_space<vmem>>, vector<1x16xf32>,
        %get3A_401 = vector.shape_cast %get3A_400 : vector<1x16xf32> to vector<16xf32>
        %max3A_402 = arith.maximumf %max3A_298, %get3A_401 : vector<16xf32>
        %add3A_403 = arith.addf %add3A_299, %get3A_401 : vector<16xf32>
        %mul3A_404 = arith.mulf %get3A_401, %get3A_401 : vector<16xf32>
        %add3A_405 = arith.addf %add3A_301, %mul3A_404 : vector<16xf32>
        %mul3A_406 = arith.constant 24 : i32
        %mul3A_407 = arith.muli %scan3A_212, %mul3A_406 : i32
        %add3A_408 = arith.addi %add3A_211, %mul3A_407 : i32
        %add3A_409 = arith.constant 1 : i32
        %add3A_410 = arith.addi %add3A_408, %add3A_409 : i32
        %get3A_411 = arith.index_cast %add3A_410 : i32 to index
        %get3A_412 = arith.constant 112 : index
        %get3A_413 = tpu.vector_load %arg8[%get3A_411, %get3A_412] {strides = array<i32>} : memref<768x128xf32, #tpu.memory_space<vmem>>, vector<1x16xf32>,
        %get3A_414 = vector.shape_cast %get3A_413 : vector<1x16xf32> to vector<16xf32>
        %max3A_415 = arith.maximumf %max3A_311, %get3A_414 : vector<16xf32>
        %add3A_416 = arith.addf %add3A_312, %get3A_414 : vector<16xf32>
        %mul3A_417 = arith.mulf %get3A_414, %get3A_414 : vector<16xf32>
        %add3A_418 = arith.addf %add3A_314, %mul3A_417 : vector<16xf32>
        %mul3A_419 = arith.constant 24 : i32
        %mul3A_420 = arith.muli %scan3A_212, %mul3A_419 : i32
        %add3A_421 = arith.addi %add3A_211, %mul3A_420 : i32
        %add3A_422 = arith.constant 2 : i32
        %add3A_423 = arith.addi %add3A_421, %add3A_422 : i32
        %get3A_424 = arith.index_cast %add3A_423 : i32 to index
        %get3A_425 = arith.constant 0 : index
        %get3A_426 = tpu.vector_load %arg8[%get3A_424, %get3A_425] {strides = array<i32>} : memref<768x128xf32, #tpu.memory_space<vmem>>, vector<1x16xf32>,
        %get3A_427 = vector.shape_cast %get3A_426 : vector<1x16xf32> to vector<16xf32>
        %max3A_428 = arith.maximumf %max3A_324, %get3A_427 : vector<16xf32>
        %add3A_429 = arith.addf %add3A_325, %get3A_427 : vector<16xf32>
        %mul3A_430 = arith.mulf %get3A_427, %get3A_427 : vector<16xf32>
        %add3A_431 = arith.addf %add3A_327, %mul3A_430 : vector<16xf32>
        %mul3A_432 = arith.constant 24 : i32
        %mul3A_433 = arith.muli %scan3A_212, %mul3A_432 : i32
        %add3A_434 = arith.addi %add3A_211, %mul3A_433 : i32
        %add3A_435 = arith.constant 2 : i32
        %add3A_436 = arith.addi %add3A_434, %add3A_435 : i32
        %get3A_437 = arith.index_cast %add3A_436 : i32 to index
        %get3A_438 = arith.constant 16 : index
        %get3A_439 = tpu.vector_load %arg8[%get3A_437, %get3A_438] {strides = array<i32>} : memref<768x128xf32, #tpu.memory_space<vmem>>, vector<1x16xf32>,
        %get3A_440 = vector.shape_cast %get3A_439 : vector<1x16xf32> to vector<16xf32>
        %max3A_441 = arith.maximumf %max3A_337, %get3A_440 : vector<16xf32>
        %add3A_442 = arith.addf %add3A_338, %get3A_440 : vector<16xf32>
        %mul3A_443 = arith.mulf %get3A_440, %get3A_440 : vector<16xf32>
        %add3A_444 = arith.addf %add3A_340, %mul3A_443 : vector<16xf32>
        %mul3A_445 = arith.constant 24 : i32
        %mul3A_446 = arith.muli %scan3A_212, %mul3A_445 : i32
        %add3A_447 = arith.addi %add3A_211, %mul3A_446 : i32
        %add3A_448 = arith.constant 2 : i32
        %add3A_449 = arith.addi %add3A_447, %add3A_448 : i32
        %get3A_450 = arith.index_cast %add3A_449 : i32 to index
        %get3A_451 = arith.constant 32 : index
        %get3A_452 = tpu.vector_load %arg8[%get3A_450, %get3A_451] {strides = array<i32>} : memref<768x128xf32, #tpu.memory_space<vmem>>, vector<1x16xf32>,
        %get3A_453 = vector.shape_cast %get3A_452 : vector<1x16xf32> to vector<16xf32>
        %max3A_454 = arith.maximumf %max3A_350, %get3A_453 : vector<16xf32>
        %add3A_455 = arith.addf %add3A_351, %get3A_453 : vector<16xf32>
        %mul3A_456 = arith.mulf %get3A_453, %get3A_453 : vector<16xf32>
        %add3A_457 = arith.addf %add3A_353, %mul3A_456 : vector<16xf32>
        %mul3A_458 = arith.constant 24 : i32
        %mul3A_459 = arith.muli %scan3A_212, %mul3A_458 : i32
        %add3A_460 = arith.addi %add3A_211, %mul3A_459 : i32
        %add3A_461 = arith.constant 2 : i32
        %add3A_462 = arith.addi %add3A_460, %add3A_461 : i32
        %get3A_463 = arith.index_cast %add3A_462 : i32 to index
        %get3A_464 = arith.constant 48 : index
        %get3A_465 = tpu.vector_load %arg8[%get3A_463, %get3A_464] {strides = array<i32>} : memref<768x128xf32, #tpu.memory_space<vmem>>, vector<1x16xf32>,
        %get3A_466 = vector.shape_cast %get3A_465 : vector<1x16xf32> to vector<16xf32>
        %max3A_467 = arith.maximumf %max3A_363, %get3A_466 : vector<16xf32>
        %add3A_468 = arith.addf %add3A_364, %get3A_466 : vector<16xf32>
        %mul3A_469 = arith.mulf %get3A_466, %get3A_466 : vector<16xf32>
        %add3A_470 = arith.addf %add3A_366, %mul3A_469 : vector<16xf32>
        %mul3A_471 = arith.constant 24 : i32
        %mul3A_472 = arith.muli %scan3A_212, %mul3A_471 : i32
        %add3A_473 = arith.addi %add3A_211, %mul3A_472 : i32
        %add3A_474 = arith.constant 2 : i32
        %add3A_475 = arith.addi %add3A_473, %add3A_474 : i32
        %get3A_476 = arith.index_cast %add3A_475 : i32 to index
        %get3A_477 = arith.constant 64 : index
        %get3A_478 = tpu.vector_load %arg8[%get3A_476, %get3A_477] {strides = array<i32>} : memref<768x128xf32, #tpu.memory_space<vmem>>, vector<1x16xf32>,
        %get3A_479 = vector.shape_cast %get3A_478 : vector<1x16xf32> to vector<16xf32>
        %max3A_480 = arith.maximumf %max3A_376, %get3A_479 : vector<16xf32>
        %add3A_481 = arith.addf %add3A_377, %get3A_479 : vector<16xf32>
        %mul3A_482 = arith.mulf %get3A_479, %get3A_479 : vector<16xf32>
        %add3A_483 = arith.addf %add3A_379, %mul3A_482 : vector<16xf32>
        %mul3A_484 = arith.constant 24 : i32
        %mul3A_485 = arith.muli %scan3A_212, %mul3A_484 : i32
        %add3A_486 = arith.addi %add3A_211, %mul3A_485 : i32
        %add3A_487 = arith.constant 2 : i32
        %add3A_488 = arith.addi %add3A_486, %add3A_487 : i32
        %get3A_489 = arith.index_cast %add3A_488 : i32 to index
        %get3A_490 = arith.constant 80 : index
        %get3A_491 = tpu.vector_load %arg8[%get3A_489, %get3A_490] {strides = array<i32>} : memref<768x128xf32, #tpu.memory_space<vmem>>, vector<1x16xf32>,
        %get3A_492 = vector.shape_cast %get3A_491 : vector<1x16xf32> to vector<16xf32>
        %max3A_493 = arith.maximumf %max3A_389, %get3A_492 : vector<16xf32>
        %add3A_494 = arith.addf %add3A_390, %get3A_492 : vector<16xf32>
        %mul3A_495 = arith.mulf %get3A_492, %get3A_492 : vector<16xf32>
        %add3A_496 = arith.addf %add3A_392, %mul3A_495 : vector<16xf32>
        %mul3A_497 = arith.constant 24 : i32
        %mul3A_498 = arith.muli %scan3A_212, %mul3A_497 : i32
        %add3A_499 = arith.addi %add3A_211, %mul3A_498 : i32
        %add3A_500 = arith.constant 2 : i32
        %add3A_501 = arith.addi %add3A_499, %add3A_500 : i32
        %get3A_502 = arith.index_cast %add3A_501 : i32 to index
        %get3A_503 = arith.constant 96 : index
        %get3A_504 = tpu.vector_load %arg8[%get3A_502, %get3A_503] {strides = array<i32>} : memref<768x128xf32, #tpu.memory_space<vmem>>, vector<1x16xf32>,
        %get3A_505 = vector.shape_cast %get3A_504 : vector<1x16xf32> to vector<16xf32>
        %max3A_506 = arith.maximumf %max3A_402, %get3A_505 : vector<16xf32>
        %add3A_507 = arith.addf %add3A_403, %get3A_505 : vector<16xf32>
        %mul3A_508 = arith.mulf %get3A_505, %get3A_505 : vector<16xf32>
        %add3A_509 = arith.addf %add3A_405, %mul3A_508 : vector<16xf32>
        %mul3A_510 = arith.constant 24 : i32
        %mul3A_511 = arith.muli %scan3A_212, %mul3A_510 : i32
        %add3A_512 = arith.addi %add3A_211, %mul3A_511 : i32
        %add3A_513 = arith.constant 2 : i32
        %add3A_514 = arith.addi %add3A_512, %add3A_513 : i32
        %get3A_515 = arith.index_cast %add3A_514 : i32 to index
        %get3A_516 = arith.constant 112 : index
        %get3A_517 = tpu.vector_load %arg8[%get3A_515, %get3A_516] {strides = array<i32>} : memref<768x128xf32, #tpu.memory_space<vmem>>, vector<1x16xf32>,
        %get3A_518 = vector.shape_cast %get3A_517 : vector<1x16xf32> to vector<16xf32>
        %max3A_519 = arith.maximumf %max3A_415, %get3A_518 : vector<16xf32>
        %add3A_520 = arith.addf %add3A_416, %get3A_518 : vector<16xf32>
        %mul3A_521 = arith.mulf %get3A_518, %get3A_518 : vector<16xf32>
        %add3A_522 = arith.addf %add3A_418, %mul3A_521 : vector<16xf32>
        %mul3A_523 = arith.constant 24 : i32
        %mul3A_524 = arith.muli %scan3A_212, %mul3A_523 : i32
        %add3A_525 = arith.addi %add3A_211, %mul3A_524 : i32
        %add3A_526 = arith.constant 3 : i32
        %add3A_527 = arith.addi %add3A_525, %add3A_526 : i32
        %get3A_528 = arith.index_cast %add3A_527 : i32 to index
        %get3A_529 = arith.constant 0 : index
        %get3A_530 = tpu.vector_load %arg8[%get3A_528, %get3A_529] {strides = array<i32>} : memref<768x128xf32, #tpu.memory_space<vmem>>, vector<1x16xf32>,
        %get3A_531 = vector.shape_cast %get3A_530 : vector<1x16xf32> to vector<16xf32>
        %max3A_532 = arith.maximumf %max3A_428, %get3A_531 : vector<16xf32>
        %add3A_533 = arith.addf %add3A_429, %get3A_531 : vector<16xf32>
        %mul3A_534 = arith.mulf %get3A_531, %get3A_531 : vector<16xf32>
        %add3A_535 = arith.addf %add3A_431, %mul3A_534 : vector<16xf32>
        %mul3A_536 = arith.constant 24 : i32
        %mul3A_537 = arith.muli %scan3A_212, %mul3A_536 : i32
        %add3A_538 = arith.addi %add3A_211, %mul3A_537 : i32
        %add3A_539 = arith.constant 3 : i32
        %add3A_540 = arith.addi %add3A_538, %add3A_539 : i32
        %get3A_541 = arith.index_cast %add3A_540 : i32 to index
        %get3A_542 = arith.constant 16 : index
        %get3A_543 = tpu.vector_load %arg8[%get3A_541, %get3A_542] {strides = array<i32>} : memref<768x128xf32, #tpu.memory_space<vmem>>, vector<1x16xf32>,
        %get3A_544 = vector.shape_cast %get3A_543 : vector<1x16xf32> to vector<16xf32>
        %max3A_545 = arith.maximumf %max3A_441, %get3A_544 : vector<16xf32>
        %add3A_546 = arith.addf %add3A_442, %get3A_544 : vector<16xf32>
        %mul3A_547 = arith.mulf %get3A_544, %get3A_544 : vector<16xf32>
        %add3A_548 = arith.addf %add3A_444, %mul3A_547 : vector<16xf32>
        %mul3A_549 = arith.constant 24 : i32
        %mul3A_550 = arith.muli %scan3A_212, %mul3A_549 : i32
        %add3A_551 = arith.addi %add3A_211, %mul3A_550 : i32
        %add3A_552 = arith.constant 3 : i32
        %add3A_553 = arith.addi %add3A_551, %add3A_552 : i32
        %get3A_554 = arith.index_cast %add3A_553 : i32 to index
        %get3A_555 = arith.constant 32 : index
        %get3A_556 = tpu.vector_load %arg8[%get3A_554, %get3A_555] {strides = array<i32>} : memref<768x128xf32, #tpu.memory_space<vmem>>, vector<1x16xf32>,
        %get3A_557 = vector.shape_cast %get3A_556 : vector<1x16xf32> to vector<16xf32>
        %max3A_558 = arith.maximumf %max3A_454, %get3A_557 : vector<16xf32>
        %add3A_559 = arith.addf %add3A_455, %get3A_557 : vector<16xf32>
        %mul3A_560 = arith.mulf %get3A_557, %get3A_557 : vector<16xf32>
        %add3A_561 = arith.addf %add3A_457, %mul3A_560 : vector<16xf32>
        %mul3A_562 = arith.constant 24 : i32
        %mul3A_563 = arith.muli %scan3A_212, %mul3A_562 : i32
        %add3A_564 = arith.addi %add3A_211, %mul3A_563 : i32
        %add3A_565 = arith.constant 3 : i32
        %add3A_566 = arith.addi %add3A_564, %add3A_565 : i32
        %get3A_567 = arith.index_cast %add3A_566 : i32 to index
        %get3A_568 = arith.constant 48 : index
        %get3A_569 = tpu.vector_load %arg8[%get3A_567, %get3A_568] {strides = array<i32>} : memref<768x128xf32, #tpu.memory_space<vmem>>, vector<1x16xf32>,
        %get3A_570 = vector.shape_cast %get3A_569 : vector<1x16xf32> to vector<16xf32>
        %max3A_571 = arith.maximumf %max3A_467, %get3A_570 : vector<16xf32>
        %add3A_572 = arith.addf %add3A_468, %get3A_570 : vector<16xf32>
        %mul3A_573 = arith.mulf %get3A_570, %get3A_570 : vector<16xf32>
        %add3A_574 = arith.addf %add3A_470, %mul3A_573 : vector<16xf32>
        %mul3A_575 = arith.constant 24 : i32
        %mul3A_576 = arith.muli %scan3A_212, %mul3A_575 : i32
        %add3A_577 = arith.addi %add3A_211, %mul3A_576 : i32
        %add3A_578 = arith.constant 3 : i32
        %add3A_579 = arith.addi %add3A_577, %add3A_578 : i32
        %get3A_580 = arith.index_cast %add3A_579 : i32 to index
        %get3A_581 = arith.constant 64 : index
        %get3A_582 = tpu.vector_load %arg8[%get3A_580, %get3A_581] {strides = array<i32>} : memref<768x128xf32, #tpu.memory_space<vmem>>, vector<1x16xf32>,
        %get3A_583 = vector.shape_cast %get3A_582 : vector<1x16xf32> to vector<16xf32>
        %max3A_584 = arith.maximumf %max3A_480, %get3A_583 : vector<16xf32>
        %add3A_585 = arith.addf %add3A_481, %get3A_583 : vector<16xf32>
        %mul3A_586 = arith.mulf %get3A_583, %get3A_583 : vector<16xf32>
        %add3A_587 = arith.addf %add3A_483, %mul3A_586 : vector<16xf32>
        %mul3A_588 = arith.constant 24 : i32
        %mul3A_589 = arith.muli %scan3A_212, %mul3A_588 : i32
        %add3A_590 = arith.addi %add3A_211, %mul3A_589 : i32
        %add3A_591 = arith.constant 3 : i32
        %add3A_592 = arith.addi %add3A_590, %add3A_591 : i32
        %get3A_593 = arith.index_cast %add3A_592 : i32 to index
        %get3A_594 = arith.constant 80 : index
        %get3A_595 = tpu.vector_load %arg8[%get3A_593, %get3A_594] {strides = array<i32>} : memref<768x128xf32, #tpu.memory_space<vmem>>, vector<1x16xf32>,
        %get3A_596 = vector.shape_cast %get3A_595 : vector<1x16xf32> to vector<16xf32>
        %max3A_597 = arith.maximumf %max3A_493, %get3A_596 : vector<16xf32>
        %add3A_598 = arith.addf %add3A_494, %get3A_596 : vector<16xf32>
        %mul3A_599 = arith.mulf %get3A_596, %get3A_596 : vector<16xf32>
        %add3A_600 = arith.addf %add3A_496, %mul3A_599 : vector<16xf32>
        %mul3A_601 = arith.constant 24 : i32
        %mul3A_602 = arith.muli %scan3A_212, %mul3A_601 : i32
        %add3A_603 = arith.addi %add3A_211, %mul3A_602 : i32
        %add3A_604 = arith.constant 3 : i32
        %add3A_605 = arith.addi %add3A_603, %add3A_604 : i32
        %get3A_606 = arith.index_cast %add3A_605 : i32 to index
        %get3A_607 = arith.constant 96 : index
        %get3A_608 = tpu.vector_load %arg8[%get3A_606, %get3A_607] {strides = array<i32>} : memref<768x128xf32, #tpu.memory_space<vmem>>, vector<1x16xf32>,
        %get3A_609 = vector.shape_cast %get3A_608 : vector<1x16xf32> to vector<16xf32>
        %max3A_610 = arith.maximumf %max3A_506, %get3A_609 : vector<16xf32>
        %add3A_611 = arith.addf %add3A_507, %get3A_609 : vector<16xf32>
        %mul3A_612 = arith.mulf %get3A_609, %get3A_609 : vector<16xf32>
        %add3A_613 = arith.addf %add3A_509, %mul3A_612 : vector<16xf32>
        %mul3A_614 = arith.constant 24 : i32
        %mul3A_615 = arith.muli %scan3A_212, %mul3A_614 : i32
        %add3A_616 = arith.addi %add3A_211, %mul3A_615 : i32
        %add3A_617 = arith.constant 3 : i32
        %add3A_618 = arith.addi %add3A_616, %add3A_617 : i32
        %get3A_619 = arith.index_cast %add3A_618 : i32 to index
        %get3A_620 = arith.constant 112 : index
        %get3A_621 = tpu.vector_load %arg8[%get3A_619, %get3A_620] {strides = array<i32>} : memref<768x128xf32, #tpu.memory_space<vmem>>, vector<1x16xf32>,
        %get3A_622 = vector.shape_cast %get3A_621 : vector<1x16xf32> to vector<16xf32>
        %max3A_623 = arith.maximumf %max3A_519, %get3A_622 : vector<16xf32>
        %add3A_624 = arith.addf %add3A_520, %get3A_622 : vector<16xf32>
        %mul3A_625 = arith.mulf %get3A_622, %get3A_622 : vector<16xf32>
        %add3A_626 = arith.addf %add3A_522, %mul3A_625 : vector<16xf32>
        %mul3A_627 = arith.constant 24 : i32
        %mul3A_628 = arith.muli %scan3A_212, %mul3A_627 : i32
        %add3A_629 = arith.addi %add3A_211, %mul3A_628 : i32
        %add3A_630 = arith.constant 4 : i32
        %add3A_631 = arith.addi %add3A_629, %add3A_630 : i32
        %get3A_632 = arith.index_cast %add3A_631 : i32 to index
        %get3A_633 = arith.constant 0 : index
        %get3A_634 = tpu.vector_load %arg8[%get3A_632, %get3A_633] {strides = array<i32>} : memref<768x128xf32, #tpu.memory_space<vmem>>, vector<1x16xf32>,
        %get3A_635 = vector.shape_cast %get3A_634 : vector<1x16xf32> to vector<16xf32>
        %max3A_636 = arith.maximumf %max3A_532, %get3A_635 : vector<16xf32>
        %add3A_637 = arith.addf %add3A_533, %get3A_635 : vector<16xf32>
        %mul3A_638 = arith.mulf %get3A_635, %get3A_635 : vector<16xf32>
        %add3A_639 = arith.addf %add3A_535, %mul3A_638 : vector<16xf32>
        %mul3A_640 = arith.constant 24 : i32
        %mul3A_641 = arith.muli %scan3A_212, %mul3A_640 : i32
        %add3A_642 = arith.addi %add3A_211, %mul3A_641 : i32
        %add3A_643 = arith.constant 4 : i32
        %add3A_644 = arith.addi %add3A_642, %add3A_643 : i32
        %get3A_645 = arith.index_cast %add3A_644 : i32 to index
        %get3A_646 = arith.constant 16 : index
        %get3A_647 = tpu.vector_load %arg8[%get3A_645, %get3A_646] {strides = array<i32>} : memref<768x128xf32, #tpu.memory_space<vmem>>, vector<1x16xf32>,
        %get3A_648 = vector.shape_cast %get3A_647 : vector<1x16xf32> to vector<16xf32>
        %max3A_649 = arith.maximumf %max3A_545, %get3A_648 : vector<16xf32>
        %add3A_650 = arith.addf %add3A_546, %get3A_648 : vector<16xf32>
        %mul3A_651 = arith.mulf %get3A_648, %get3A_648 : vector<16xf32>
        %add3A_652 = arith.addf %add3A_548, %mul3A_651 : vector<16xf32>
        %mul3A_653 = arith.constant 24 : i32
        %mul3A_654 = arith.muli %scan3A_212, %mul3A_653 : i32
        %add3A_655 = arith.addi %add3A_211, %mul3A_654 : i32
        %add3A_656 = arith.constant 4 : i32
        %add3A_657 = arith.addi %add3A_655, %add3A_656 : i32
        %get3A_658 = arith.index_cast %add3A_657 : i32 to index
        %get3A_659 = arith.constant 32 : index
        %get3A_660 = tpu.vector_load %arg8[%get3A_658, %get3A_659] {strides = array<i32>} : memref<768x128xf32, #tpu.memory_space<vmem>>, vector<1x16xf32>,
        %get3A_661 = vector.shape_cast %get3A_660 : vector<1x16xf32> to vector<16xf32>
        %max3A_662 = arith.maximumf %max3A_558, %get3A_661 : vector<16xf32>
        %add3A_663 = arith.addf %add3A_559, %get3A_661 : vector<16xf32>
        %mul3A_664 = arith.mulf %get3A_661, %get3A_661 : vector<16xf32>
        %add3A_665 = arith.addf %add3A_561, %mul3A_664 : vector<16xf32>
        %mul3A_666 = arith.constant 24 : i32
        %mul3A_667 = arith.muli %scan3A_212, %mul3A_666 : i32
        %add3A_668 = arith.addi %add3A_211, %mul3A_667 : i32
        %add3A_669 = arith.constant 4 : i32
        %add3A_670 = arith.addi %add3A_668, %add3A_669 : i32
        %get3A_671 = arith.index_cast %add3A_670 : i32 to index
        %get3A_672 = arith.constant 48 : index
        %get3A_673 = tpu.vector_load %arg8[%get3A_671, %get3A_672] {strides = array<i32>} : memref<768x128xf32, #tpu.memory_space<vmem>>, vector<1x16xf32>,
        %get3A_674 = vector.shape_cast %get3A_673 : vector<1x16xf32> to vector<16xf32>
        %max3A_675 = arith.maximumf %max3A_571, %get3A_674 : vector<16xf32>
        %add3A_676 = arith.addf %add3A_572, %get3A_674 : vector<16xf32>
        %mul3A_677 = arith.mulf %get3A_674, %get3A_674 : vector<16xf32>
        %add3A_678 = arith.addf %add3A_574, %mul3A_677 : vector<16xf32>
        %mul3A_679 = arith.constant 24 : i32
        %mul3A_680 = arith.muli %scan3A_212, %mul3A_679 : i32
        %add3A_681 = arith.addi %add3A_211, %mul3A_680 : i32
        %add3A_682 = arith.constant 4 : i32
        %add3A_683 = arith.addi %add3A_681, %add3A_682 : i32
        %get3A_684 = arith.index_cast %add3A_683 : i32 to index
        %get3A_685 = arith.constant 64 : index
        %get3A_686 = tpu.vector_load %arg8[%get3A_684, %get3A_685] {strides = array<i32>} : memref<768x128xf32, #tpu.memory_space<vmem>>, vector<1x16xf32>,
        %get3A_687 = vector.shape_cast %get3A_686 : vector<1x16xf32> to vector<16xf32>
        %max3A_688 = arith.maximumf %max3A_584, %get3A_687 : vector<16xf32>
        %add3A_689 = arith.addf %add3A_585, %get3A_687 : vector<16xf32>
        %mul3A_690 = arith.mulf %get3A_687, %get3A_687 : vector<16xf32>
        %add3A_691 = arith.addf %add3A_587, %mul3A_690 : vector<16xf32>
        %mul3A_692 = arith.constant 24 : i32
        %mul3A_693 = arith.muli %scan3A_212, %mul3A_692 : i32
        %add3A_694 = arith.addi %add3A_211, %mul3A_693 : i32
        %add3A_695 = arith.constant 4 : i32
        %add3A_696 = arith.addi %add3A_694, %add3A_695 : i32
        %get3A_697 = arith.index_cast %add3A_696 : i32 to index
        %get3A_698 = arith.constant 80 : index
        %get3A_699 = tpu.vector_load %arg8[%get3A_697, %get3A_698] {strides = array<i32>} : memref<768x128xf32, #tpu.memory_space<vmem>>, vector<1x16xf32>,
        %get3A_700 = vector.shape_cast %get3A_699 : vector<1x16xf32> to vector<16xf32>
        %max3A_701 = arith.maximumf %max3A_597, %get3A_700 : vector<16xf32>
        %add3A_702 = arith.addf %add3A_598, %get3A_700 : vector<16xf32>
        %mul3A_703 = arith.mulf %get3A_700, %get3A_700 : vector<16xf32>
        %add3A_704 = arith.addf %add3A_600, %mul3A_703 : vector<16xf32>
        %mul3A_705 = arith.constant 24 : i32
        %mul3A_706 = arith.muli %scan3A_212, %mul3A_705 : i32
        %add3A_707 = arith.addi %add3A_211, %mul3A_706 : i32
        %add3A_708 = arith.constant 4 : i32
        %add3A_709 = arith.addi %add3A_707, %add3A_708 : i32
        %get3A_710 = arith.index_cast %add3A_709 : i32 to index
        %get3A_711 = arith.constant 96 : index
        %get3A_712 = tpu.vector_load %arg8[%get3A_710, %get3A_711] {strides = array<i32>} : memref<768x128xf32, #tpu.memory_space<vmem>>, vector<1x16xf32>,
        %get3A_713 = vector.shape_cast %get3A_712 : vector<1x16xf32> to vector<16xf32>
        %max3A_714 = arith.maximumf %max3A_610, %get3A_713 : vector<16xf32>
        %add3A_715 = arith.addf %add3A_611, %get3A_713 : vector<16xf32>
        %mul3A_716 = arith.mulf %get3A_713, %get3A_713 : vector<16xf32>
        %add3A_717 = arith.addf %add3A_613, %mul3A_716 : vector<16xf32>
        %mul3A_718 = arith.constant 24 : i32
        %mul3A_719 = arith.muli %scan3A_212, %mul3A_718 : i32
        %add3A_720 = arith.addi %add3A_211, %mul3A_719 : i32
        %add3A_721 = arith.constant 4 : i32
        %add3A_722 = arith.addi %add3A_720, %add3A_721 : i32
        %get3A_723 = arith.index_cast %add3A_722 : i32 to index
        %get3A_724 = arith.constant 112 : index
        %get3A_725 = tpu.vector_load %arg8[%get3A_723, %get3A_724] {strides = array<i32>} : memref<768x128xf32, #tpu.memory_space<vmem>>, vector<1x16xf32>,
        %get3A_726 = vector.shape_cast %get3A_725 : vector<1x16xf32> to vector<16xf32>
        %max3A_727 = arith.maximumf %max3A_623, %get3A_726 : vector<16xf32>
        %add3A_728 = arith.addf %add3A_624, %get3A_726 : vector<16xf32>
        %mul3A_729 = arith.mulf %get3A_726, %get3A_726 : vector<16xf32>
        %add3A_730 = arith.addf %add3A_626, %mul3A_729 : vector<16xf32>
        %mul3A_731 = arith.constant 24 : i32
        %mul3A_732 = arith.muli %scan3A_212, %mul3A_731 : i32
        %add3A_733 = arith.addi %add3A_211, %mul3A_732 : i32
        %add3A_734 = arith.constant 5 : i32
        %add3A_735 = arith.addi %add3A_733, %add3A_734 : i32
        %get3A_736 = arith.index_cast %add3A_735 : i32 to index
        %get3A_737 = arith.constant 0 : index
        %get3A_738 = tpu.vector_load %arg8[%get3A_736, %get3A_737] {strides = array<i32>} : memref<768x128xf32, #tpu.memory_space<vmem>>, vector<1x16xf32>,
        %get3A_739 = vector.shape_cast %get3A_738 : vector<1x16xf32> to vector<16xf32>
        %max3A_740 = arith.maximumf %max3A_636, %get3A_739 : vector<16xf32>
        %add3A_741 = arith.addf %add3A_637, %get3A_739 : vector<16xf32>
        %mul3A_742 = arith.mulf %get3A_739, %get3A_739 : vector<16xf32>
        %add3A_743 = arith.addf %add3A_639, %mul3A_742 : vector<16xf32>
        %mul3A_744 = arith.constant 24 : i32
        %mul3A_745 = arith.muli %scan3A_212, %mul3A_744 : i32
        %add3A_746 = arith.addi %add3A_211, %mul3A_745 : i32
        %add3A_747 = arith.constant 5 : i32
        %add3A_748 = arith.addi %add3A_746, %add3A_747 : i32
        %get3A_749 = arith.index_cast %add3A_748 : i32 to index
        %get3A_750 = arith.constant 16 : index
        %get3A_751 = tpu.vector_load %arg8[%get3A_749, %get3A_750] {strides = array<i32>} : memref<768x128xf32, #tpu.memory_space<vmem>>, vector<1x16xf32>,
        %get3A_752 = vector.shape_cast %get3A_751 : vector<1x16xf32> to vector<16xf32>
        %max3A_753 = arith.maximumf %max3A_649, %get3A_752 : vector<16xf32>
        %add3A_754 = arith.addf %add3A_650, %get3A_752 : vector<16xf32>
        %mul3A_755 = arith.mulf %get3A_752, %get3A_752 : vector<16xf32>
        %add3A_756 = arith.addf %add3A_652, %mul3A_755 : vector<16xf32>
        %mul3A_757 = arith.constant 24 : i32
        %mul3A_758 = arith.muli %scan3A_212, %mul3A_757 : i32
        %add3A_759 = arith.addi %add3A_211, %mul3A_758 : i32
        %add3A_760 = arith.constant 5 : i32
        %add3A_761 = arith.addi %add3A_759, %add3A_760 : i32
        %get3A_762 = arith.index_cast %add3A_761 : i32 to index
        %get3A_763 = arith.constant 32 : index
        %get3A_764 = tpu.vector_load %arg8[%get3A_762, %get3A_763] {strides = array<i32>} : memref<768x128xf32, #tpu.memory_space<vmem>>, vector<1x16xf32>,
        %get3A_765 = vector.shape_cast %get3A_764 : vector<1x16xf32> to vector<16xf32>
        %max3A_766 = arith.maximumf %max3A_662, %get3A_765 : vector<16xf32>
        %add3A_767 = arith.addf %add3A_663, %get3A_765 : vector<16xf32>
        %mul3A_768 = arith.mulf %get3A_765, %get3A_765 : vector<16xf32>
        %add3A_769 = arith.addf %add3A_665, %mul3A_768 : vector<16xf32>
        %mul3A_770 = arith.constant 24 : i32
        %mul3A_771 = arith.muli %scan3A_212, %mul3A_770 : i32
        %add3A_772 = arith.addi %add3A_211, %mul3A_771 : i32
        %add3A_773 = arith.constant 5 : i32
        %add3A_774 = arith.addi %add3A_772, %add3A_773 : i32
        %get3A_775 = arith.index_cast %add3A_774 : i32 to index
        %get3A_776 = arith.constant 48 : index
        %get3A_777 = tpu.vector_load %arg8[%get3A_775, %get3A_776] {strides = array<i32>} : memref<768x128xf32, #tpu.memory_space<vmem>>, vector<1x16xf32>,
        %get3A_778 = vector.shape_cast %get3A_777 : vector<1x16xf32> to vector<16xf32>
        %max3A_779 = arith.maximumf %max3A_675, %get3A_778 : vector<16xf32>
        %add3A_780 = arith.addf %add3A_676, %get3A_778 : vector<16xf32>
        %mul3A_781 = arith.mulf %get3A_778, %get3A_778 : vector<16xf32>
        %add3A_782 = arith.addf %add3A_678, %mul3A_781 : vector<16xf32>
        %mul3A_783 = arith.constant 24 : i32
        %mul3A_784 = arith.muli %scan3A_212, %mul3A_783 : i32
        %add3A_785 = arith.addi %add3A_211, %mul3A_784 : i32
        %add3A_786 = arith.constant 5 : i32
        %add3A_787 = arith.addi %add3A_785, %add3A_786 : i32
        %get3A_788 = arith.index_cast %add3A_787 : i32 to index
        %get3A_789 = arith.constant 64 : index
        %get3A_790 = tpu.vector_load %arg8[%get3A_788, %get3A_789] {strides = array<i32>} : memref<768x128xf32, #tpu.memory_space<vmem>>, vector<1x16xf32>,
        %get3A_791 = vector.shape_cast %get3A_790 : vector<1x16xf32> to vector<16xf32>
        %max3A_792 = arith.maximumf %max3A_688, %get3A_791 : vector<16xf32>
        %add3A_793 = arith.addf %add3A_689, %get3A_791 : vector<16xf32>
        %mul3A_794 = arith.mulf %get3A_791, %get3A_791 : vector<16xf32>
        %add3A_795 = arith.addf %add3A_691, %mul3A_794 : vector<16xf32>
        %mul3A_796 = arith.constant 24 : i32
        %mul3A_797 = arith.muli %scan3A_212, %mul3A_796 : i32
        %add3A_798 = arith.addi %add3A_211, %mul3A_797 : i32
        %add3A_799 = arith.constant 5 : i32
        %add3A_800 = arith.addi %add3A_798, %add3A_799 : i32
        %get3A_801 = arith.index_cast %add3A_800 : i32 to index
        %get3A_802 = arith.constant 80 : index
        %get3A_803 = tpu.vector_load %arg8[%get3A_801, %get3A_802] {strides = array<i32>} : memref<768x128xf32, #tpu.memory_space<vmem>>, vector<1x16xf32>,
        %get3A_804 = vector.shape_cast %get3A_803 : vector<1x16xf32> to vector<16xf32>
        %max3A_805 = arith.maximumf %max3A_701, %get3A_804 : vector<16xf32>
        %add3A_806 = arith.addf %add3A_702, %get3A_804 : vector<16xf32>
        %mul3A_807 = arith.mulf %get3A_804, %get3A_804 : vector<16xf32>
        %add3A_808 = arith.addf %add3A_704, %mul3A_807 : vector<16xf32>
        %mul3A_809 = arith.constant 24 : i32
        %mul3A_810 = arith.muli %scan3A_212, %mul3A_809 : i32
        %add3A_811 = arith.addi %add3A_211, %mul3A_810 : i32
        %add3A_812 = arith.constant 5 : i32
        %add3A_813 = arith.addi %add3A_811, %add3A_812 : i32
        %get3A_814 = arith.index_cast %add3A_813 : i32 to index
        %get3A_815 = arith.constant 96 : index
        %get3A_816 = tpu.vector_load %arg8[%get3A_814, %get3A_815] {strides = array<i32>} : memref<768x128xf32, #tpu.memory_space<vmem>>, vector<1x16xf32>,
        %get3A_817 = vector.shape_cast %get3A_816 : vector<1x16xf32> to vector<16xf32>
        %max3A_818 = arith.maximumf %max3A_714, %get3A_817 : vector<16xf32>
        %add3A_819 = arith.addf %add3A_715, %get3A_817 : vector<16xf32>
        %mul3A_820 = arith.mulf %get3A_817, %get3A_817 : vector<16xf32>
        %add3A_821 = arith.addf %add3A_717, %mul3A_820 : vector<16xf32>
        %mul3A_822 = arith.constant 24 : i32
        %mul3A_823 = arith.muli %scan3A_212, %mul3A_822 : i32
        %add3A_824 = arith.addi %add3A_211, %mul3A_823 : i32
        %add3A_825 = arith.constant 5 : i32
        %add3A_826 = arith.addi %add3A_824, %add3A_825 : i32
        %get3A_827 = arith.index_cast %add3A_826 : i32 to index
        %get3A_828 = arith.constant 112 : index
        %get3A_829 = tpu.vector_load %arg8[%get3A_827, %get3A_828] {strides = array<i32>} : memref<768x128xf32, #tpu.memory_space<vmem>>, vector<1x16xf32>,
        %get3A_830 = vector.shape_cast %get3A_829 : vector<1x16xf32> to vector<16xf32>
        %max3A_831 = arith.maximumf %max3A_727, %get3A_830 : vector<16xf32>
        %add3A_832 = arith.addf %add3A_728, %get3A_830 : vector<16xf32>
        %mul3A_833 = arith.mulf %get3A_830, %get3A_830 : vector<16xf32>
        %add3A_834 = arith.addf %add3A_730, %mul3A_833 : vector<16xf32>
        %mul3A_835 = arith.constant 24 : i32
        %mul3A_836 = arith.muli %scan3A_212, %mul3A_835 : i32
        %add3A_837 = arith.addi %add3A_211, %mul3A_836 : i32
        %add3A_838 = arith.constant 6 : i32
        %add3A_839 = arith.addi %add3A_837, %add3A_838 : i32
        %get3A_840 = arith.index_cast %add3A_839 : i32 to index
        %get3A_841 = arith.constant 0 : index
        %get3A_842 = tpu.vector_load %arg8[%get3A_840, %get3A_841] {strides = array<i32>} : memref<768x128xf32, #tpu.memory_space<vmem>>, vector<1x16xf32>,
        %get3A_843 = vector.shape_cast %get3A_842 : vector<1x16xf32> to vector<16xf32>
        %max3A_844 = arith.maximumf %max3A_740, %get3A_843 : vector<16xf32>
        %add3A_845 = arith.addf %add3A_741, %get3A_843 : vector<16xf32>
        %mul3A_846 = arith.mulf %get3A_843, %get3A_843 : vector<16xf32>
        %add3A_847 = arith.addf %add3A_743, %mul3A_846 : vector<16xf32>
        %mul3A_848 = arith.constant 24 : i32
        %mul3A_849 = arith.muli %scan3A_212, %mul3A_848 : i32
        %add3A_850 = arith.addi %add3A_211, %mul3A_849 : i32
        %add3A_851 = arith.constant 6 : i32
        %add3A_852 = arith.addi %add3A_850, %add3A_851 : i32
        %get3A_853 = arith.index_cast %add3A_852 : i32 to index
        %get3A_854 = arith.constant 16 : index
        %get3A_855 = tpu.vector_load %arg8[%get3A_853, %get3A_854] {strides = array<i32>} : memref<768x128xf32, #tpu.memory_space<vmem>>, vector<1x16xf32>,
        %get3A_856 = vector.shape_cast %get3A_855 : vector<1x16xf32> to vector<16xf32>
        %max3A_857 = arith.maximumf %max3A_753, %get3A_856 : vector<16xf32>
        %add3A_858 = arith.addf %add3A_754, %get3A_856 : vector<16xf32>
        %mul3A_859 = arith.mulf %get3A_856, %get3A_856 : vector<16xf32>
        %add3A_860 = arith.addf %add3A_756, %mul3A_859 : vector<16xf32>
        %mul3A_861 = arith.constant 24 : i32
        %mul3A_862 = arith.muli %scan3A_212, %mul3A_861 : i32
        %add3A_863 = arith.addi %add3A_211, %mul3A_862 : i32
        %add3A_864 = arith.constant 6 : i32
        %add3A_865 = arith.addi %add3A_863, %add3A_864 : i32
        %get3A_866 = arith.index_cast %add3A_865 : i32 to index
        %get3A_867 = arith.constant 32 : index
        %get3A_868 = tpu.vector_load %arg8[%get3A_866, %get3A_867] {strides = array<i32>} : memref<768x128xf32, #tpu.memory_space<vmem>>, vector<1x16xf32>,
        %get3A_869 = vector.shape_cast %get3A_868 : vector<1x16xf32> to vector<16xf32>
        %max3A_870 = arith.maximumf %max3A_766, %get3A_869 : vector<16xf32>
        %add3A_871 = arith.addf %add3A_767, %get3A_869 : vector<16xf32>
        %mul3A_872 = arith.mulf %get3A_869, %get3A_869 : vector<16xf32>
        %add3A_873 = arith.addf %add3A_769, %mul3A_872 : vector<16xf32>
        %mul3A_874 = arith.constant 24 : i32
        %mul3A_875 = arith.muli %scan3A_212, %mul3A_874 : i32
        %add3A_876 = arith.addi %add3A_211, %mul3A_875 : i32
        %add3A_877 = arith.constant 6 : i32
        %add3A_878 = arith.addi %add3A_876, %add3A_877 : i32
        %get3A_879 = arith.index_cast %add3A_878 : i32 to index
        %get3A_880 = arith.constant 48 : index
        %get3A_881 = tpu.vector_load %arg8[%get3A_879, %get3A_880] {strides = array<i32>} : memref<768x128xf32, #tpu.memory_space<vmem>>, vector<1x16xf32>,
        %get3A_882 = vector.shape_cast %get3A_881 : vector<1x16xf32> to vector<16xf32>
        %max3A_883 = arith.maximumf %max3A_779, %get3A_882 : vector<16xf32>
        %add3A_884 = arith.addf %add3A_780, %get3A_882 : vector<16xf32>
        %mul3A_885 = arith.mulf %get3A_882, %get3A_882 : vector<16xf32>
        %add3A_886 = arith.addf %add3A_782, %mul3A_885 : vector<16xf32>
        %mul3A_887 = arith.constant 24 : i32
        %mul3A_888 = arith.muli %scan3A_212, %mul3A_887 : i32
        %add3A_889 = arith.addi %add3A_211, %mul3A_888 : i32
        %add3A_890 = arith.constant 6 : i32
        %add3A_891 = arith.addi %add3A_889, %add3A_890 : i32
        %get3A_892 = arith.index_cast %add3A_891 : i32 to index
        %get3A_893 = arith.constant 64 : index
        %get3A_894 = tpu.vector_load %arg8[%get3A_892, %get3A_893] {strides = array<i32>} : memref<768x128xf32, #tpu.memory_space<vmem>>, vector<1x16xf32>,
        %get3A_895 = vector.shape_cast %get3A_894 : vector<1x16xf32> to vector<16xf32>
        %max3A_896 = arith.maximumf %max3A_792, %get3A_895 : vector<16xf32>
        %add3A_897 = arith.addf %add3A_793, %get3A_895 : vector<16xf32>
        %mul3A_898 = arith.mulf %get3A_895, %get3A_895 : vector<16xf32>
        %add3A_899 = arith.addf %add3A_795, %mul3A_898 : vector<16xf32>
        %mul3A_900 = arith.constant 24 : i32
        %mul3A_901 = arith.muli %scan3A_212, %mul3A_900 : i32
        %add3A_902 = arith.addi %add3A_211, %mul3A_901 : i32
        %add3A_903 = arith.constant 6 : i32
        %add3A_904 = arith.addi %add3A_902, %add3A_903 : i32
        %get3A_905 = arith.index_cast %add3A_904 : i32 to index
        %get3A_906 = arith.constant 80 : index
        %get3A_907 = tpu.vector_load %arg8[%get3A_905, %get3A_906] {strides = array<i32>} : memref<768x128xf32, #tpu.memory_space<vmem>>, vector<1x16xf32>,
        %get3A_908 = vector.shape_cast %get3A_907 : vector<1x16xf32> to vector<16xf32>
        %max3A_909 = arith.maximumf %max3A_805, %get3A_908 : vector<16xf32>
        %add3A_910 = arith.addf %add3A_806, %get3A_908 : vector<16xf32>
        %mul3A_911 = arith.mulf %get3A_908, %get3A_908 : vector<16xf32>
        %add3A_912 = arith.addf %add3A_808, %mul3A_911 : vector<16xf32>
        %mul3A_913 = arith.constant 24 : i32
        %mul3A_914 = arith.muli %scan3A_212, %mul3A_913 : i32
        %add3A_915 = arith.addi %add3A_211, %mul3A_914 : i32
        %add3A_916 = arith.constant 6 : i32
        %add3A_917 = arith.addi %add3A_915, %add3A_916 : i32
        %get3A_918 = arith.index_cast %add3A_917 : i32 to index
        %get3A_919 = arith.constant 96 : index
        %get3A_920 = tpu.vector_load %arg8[%get3A_918, %get3A_919] {strides = array<i32>} : memref<768x128xf32, #tpu.memory_space<vmem>>, vector<1x16xf32>,
        %get3A_921 = vector.shape_cast %get3A_920 : vector<1x16xf32> to vector<16xf32>
        %max3A_922 = arith.maximumf %max3A_818, %get3A_921 : vector<16xf32>
        %add3A_923 = arith.addf %add3A_819, %get3A_921 : vector<16xf32>
        %mul3A_924 = arith.mulf %get3A_921, %get3A_921 : vector<16xf32>
        %add3A_925 = arith.addf %add3A_821, %mul3A_924 : vector<16xf32>
        %mul3A_926 = arith.constant 24 : i32
        %mul3A_927 = arith.muli %scan3A_212, %mul3A_926 : i32
        %add3A_928 = arith.addi %add3A_211, %mul3A_927 : i32
        %add3A_929 = arith.constant 6 : i32
        %add3A_930 = arith.addi %add3A_928, %add3A_929 : i32
        %get3A_931 = arith.index_cast %add3A_930 : i32 to index
        %get3A_932 = arith.constant 112 : index
        %get3A_933 = tpu.vector_load %arg8[%get3A_931, %get3A_932] {strides = array<i32>} : memref<768x128xf32, #tpu.memory_space<vmem>>, vector<1x16xf32>,
        %get3A_934 = vector.shape_cast %get3A_933 : vector<1x16xf32> to vector<16xf32>
        %max3A_935 = arith.maximumf %max3A_831, %get3A_934 : vector<16xf32>
        %add3A_936 = arith.addf %add3A_832, %get3A_934 : vector<16xf32>
        %mul3A_937 = arith.mulf %get3A_934, %get3A_934 : vector<16xf32>
        %add3A_938 = arith.addf %add3A_834, %mul3A_937 : vector<16xf32>
        %mul3A_939 = arith.constant 24 : i32
        %mul3A_940 = arith.muli %scan3A_212, %mul3A_939 : i32
        %add3A_941 = arith.addi %add3A_211, %mul3A_940 : i32
        %add3A_942 = arith.constant 7 : i32
        %add3A_943 = arith.addi %add3A_941, %add3A_942 : i32
        %get3A_944 = arith.index_cast %add3A_943 : i32 to index
        %get3A_945 = arith.constant 0 : index
        %get3A_946 = tpu.vector_load %arg8[%get3A_944, %get3A_945] {strides = array<i32>} : memref<768x128xf32, #tpu.memory_space<vmem>>, vector<1x16xf32>,
        %get3A_947 = vector.shape_cast %get3A_946 : vector<1x16xf32> to vector<16xf32>
        %max3A_948 = arith.maximumf %max3A_844, %get3A_947 : vector<16xf32>
        %add3A_949 = arith.addf %add3A_845, %get3A_947 : vector<16xf32>
        %mul3A_950 = arith.mulf %get3A_947, %get3A_947 : vector<16xf32>
        %add3A_951 = arith.addf %add3A_847, %mul3A_950 : vector<16xf32>
        %mul3A_952 = arith.constant 24 : i32
        %mul3A_953 = arith.muli %scan3A_212, %mul3A_952 : i32
        %add3A_954 = arith.addi %add3A_211, %mul3A_953 : i32
        %add3A_955 = arith.constant 7 : i32
        %add3A_956 = arith.addi %add3A_954, %add3A_955 : i32
        %get3A_957 = arith.index_cast %add3A_956 : i32 to index
        %get3A_958 = arith.constant 16 : index
        %get3A_959 = tpu.vector_load %arg8[%get3A_957, %get3A_958] {strides = array<i32>} : memref<768x128xf32, #tpu.memory_space<vmem>>, vector<1x16xf32>,
        %get3A_960 = vector.shape_cast %get3A_959 : vector<1x16xf32> to vector<16xf32>
        %max3A_961 = arith.maximumf %max3A_857, %get3A_960 : vector<16xf32>
        %add3A_962 = arith.addf %add3A_858, %get3A_960 : vector<16xf32>
        %mul3A_963 = arith.mulf %get3A_960, %get3A_960 : vector<16xf32>
        %add3A_964 = arith.addf %add3A_860, %mul3A_963 : vector<16xf32>
        %mul3A_965 = arith.constant 24 : i32
        %mul3A_966 = arith.muli %scan3A_212, %mul3A_965 : i32
        %add3A_967 = arith.addi %add3A_211, %mul3A_966 : i32
        %add3A_968 = arith.constant 7 : i32
        %add3A_969 = arith.addi %add3A_967, %add3A_968 : i32
        %get3A_970 = arith.index_cast %add3A_969 : i32 to index
        %get3A_971 = arith.constant 32 : index
        %get3A_972 = tpu.vector_load %arg8[%get3A_970, %get3A_971] {strides = array<i32>} : memref<768x128xf32, #tpu.memory_space<vmem>>, vector<1x16xf32>,
        %get3A_973 = vector.shape_cast %get3A_972 : vector<1x16xf32> to vector<16xf32>
        %max3A_974 = arith.maximumf %max3A_870, %get3A_973 : vector<16xf32>
        %add3A_975 = arith.addf %add3A_871, %get3A_973 : vector<16xf32>
        %mul3A_976 = arith.mulf %get3A_973, %get3A_973 : vector<16xf32>
        %add3A_977 = arith.addf %add3A_873, %mul3A_976 : vector<16xf32>
        %mul3A_978 = arith.constant 24 : i32
        %mul3A_979 = arith.muli %scan3A_212, %mul3A_978 : i32
        %add3A_980 = arith.addi %add3A_211, %mul3A_979 : i32
        %add3A_981 = arith.constant 7 : i32
        %add3A_982 = arith.addi %add3A_980, %add3A_981 : i32
        %get3A_983 = arith.index_cast %add3A_982 : i32 to index
        %get3A_984 = arith.constant 48 : index
        %get3A_985 = tpu.vector_load %arg8[%get3A_983, %get3A_984] {strides = array<i32>} : memref<768x128xf32, #tpu.memory_space<vmem>>, vector<1x16xf32>,
        %get3A_986 = vector.shape_cast %get3A_985 : vector<1x16xf32> to vector<16xf32>
        %max3A_987 = arith.maximumf %max3A_883, %get3A_986 : vector<16xf32>
        %add3A_988 = arith.addf %add3A_884, %get3A_986 : vector<16xf32>
        %mul3A_989 = arith.mulf %get3A_986, %get3A_986 : vector<16xf32>
        %add3A_990 = arith.addf %add3A_886, %mul3A_989 : vector<16xf32>
        %mul3A_991 = arith.constant 24 : i32
        %mul3A_992 = arith.muli %scan3A_212, %mul3A_991 : i32
        %add3A_993 = arith.addi %add3A_211, %mul3A_992 : i32
        %add3A_994 = arith.constant 7 : i32
        %add3A_995 = arith.addi %add3A_993, %add3A_994 : i32
        %get3A_996 = arith.index_cast %add3A_995 : i32 to index
        %get3A_997 = arith.constant 64 : index
        %get3A_998 = tpu.vector_load %arg8[%get3A_996, %get3A_997] {strides = array<i32>} : memref<768x128xf32, #tpu.memory_space<vmem>>, vector<1x16xf32>,
        %get3A_999 = vector.shape_cast %get3A_998 : vector<1x16xf32> to vector<16xf32>
        %max3A_1000 = arith.maximumf %max3A_896, %get3A_999 : vector<16xf32>
        %add3A_1001 = arith.addf %add3A_897, %get3A_999 : vector<16xf32>
        %mul3A_1002 = arith.mulf %get3A_999, %get3A_999 : vector<16xf32>
        %add3A_1003 = arith.addf %add3A_899, %mul3A_1002 : vector<16xf32>
        %mul3A_1004 = arith.constant 24 : i32
        %mul3A_1005 = arith.muli %scan3A_212, %mul3A_1004 : i32
        %add3A_1006 = arith.addi %add3A_211, %mul3A_1005 : i32
        %add3A_1007 = arith.constant 7 : i32
        %add3A_1008 = arith.addi %add3A_1006, %add3A_1007 : i32
        %get3A_1009 = arith.index_cast %add3A_1008 : i32 to index
        %get3A_1010 = arith.constant 80 : index
        %get3A_1011 = tpu.vector_load %arg8[%get3A_1009, %get3A_1010] {strides = array<i32>} : memref<768x128xf32, #tpu.memory_space<vmem>>, vector<1x16xf32>,
        %get3A_1012 = vector.shape_cast %get3A_1011 : vector<1x16xf32> to vector<16xf32>
        %max3A_1013 = arith.maximumf %max3A_909, %get3A_1012 : vector<16xf32>
        %add3A_1014 = arith.addf %add3A_910, %get3A_1012 : vector<16xf32>
        %mul3A_1015 = arith.mulf %get3A_1012, %get3A_1012 : vector<16xf32>
        %add3A_1016 = arith.addf %add3A_912, %mul3A_1015 : vector<16xf32>
        %mul3A_1017 = arith.constant 24 : i32
        %mul3A_1018 = arith.muli %scan3A_212, %mul3A_1017 : i32
        %add3A_1019 = arith.addi %add3A_211, %mul3A_1018 : i32
        %add3A_1020 = arith.constant 7 : i32
        %add3A_1021 = arith.addi %add3A_1019, %add3A_1020 : i32
        %get3A_1022 = arith.index_cast %add3A_1021 : i32 to index
        %get3A_1023 = arith.constant 96 : index
        %get3A_1024 = tpu.vector_load %arg8[%get3A_1022, %get3A_1023] {strides = array<i32>} : memref<768x128xf32, #tpu.memory_space<vmem>>, vector<1x16xf32>,
        %get3A_1025 = vector.shape_cast %get3A_1024 : vector<1x16xf32> to vector<16xf32>
        %max3A_1026 = arith.maximumf %max3A_922, %get3A_1025 : vector<16xf32>
        %add3A_1027 = arith.addf %add3A_923, %get3A_1025 : vector<16xf32>
        %mul3A_1028 = arith.mulf %get3A_1025, %get3A_1025 : vector<16xf32>
        %add3A_1029 = arith.addf %add3A_925, %mul3A_1028 : vector<16xf32>
        %mul3A_1030 = arith.constant 24 : i32
        %mul3A_1031 = arith.muli %scan3A_212, %mul3A_1030 : i32
        %add3A_1032 = arith.addi %add3A_211, %mul3A_1031 : i32
        %add3A_1033 = arith.constant 7 : i32
        %add3A_1034 = arith.addi %add3A_1032, %add3A_1033 : i32
        %get3A_1035 = arith.index_cast %add3A_1034 : i32 to index
        %get3A_1036 = arith.constant 112 : index
        %get3A_1037 = tpu.vector_load %arg8[%get3A_1035, %get3A_1036] {strides = array<i32>} : memref<768x128xf32, #tpu.memory_space<vmem>>, vector<1x16xf32>,
        %get3A_1038 = vector.shape_cast %get3A_1037 : vector<1x16xf32> to vector<16xf32>
        %max3A_1039 = arith.maximumf %max3A_935, %get3A_1038 : vector<16xf32>
        %add3A_1040 = arith.addf %add3A_936, %get3A_1038 : vector<16xf32>
        %mul3A_1041 = arith.mulf %get3A_1038, %get3A_1038 : vector<16xf32>
        %add3A_1042 = arith.addf %add3A_938, %mul3A_1041 : vector<16xf32>
        %mul3A_1043 = arith.constant 24 : i32
        %mul3A_1044 = arith.muli %scan3A_212, %mul3A_1043 : i32
        %add3A_1045 = arith.addi %add3A_211, %mul3A_1044 : i32
        %add3A_1046 = arith.constant 8 : i32
        %add3A_1047 = arith.addi %add3A_1045, %add3A_1046 : i32
        %get3A_1048 = arith.index_cast %add3A_1047 : i32 to index
        %get3A_1049 = arith.constant 0 : index
        %get3A_1050 = tpu.vector_load %arg8[%get3A_1048, %get3A_1049] {strides = array<i32>} : memref<768x128xf32, #tpu.memory_space<vmem>>, vector<1x16xf32>,
        %get3A_1051 = vector.shape_cast %get3A_1050 : vector<1x16xf32> to vector<16xf32>
        %max3A_1052 = arith.maximumf %max3A_948, %get3A_1051 : vector<16xf32>
        %add3A_1053 = arith.addf %add3A_949, %get3A_1051 : vector<16xf32>
        %mul3A_1054 = arith.mulf %get3A_1051, %get3A_1051 : vector<16xf32>
        %add3A_1055 = arith.addf %add3A_951, %mul3A_1054 : vector<16xf32>
        %mul3A_1056 = arith.constant 24 : i32
        %mul3A_1057 = arith.muli %scan3A_212, %mul3A_1056 : i32
        %add3A_1058 = arith.addi %add3A_211, %mul3A_1057 : i32
        %add3A_1059 = arith.constant 8 : i32
        %add3A_1060 = arith.addi %add3A_1058, %add3A_1059 : i32
        %get3A_1061 = arith.index_cast %add3A_1060 : i32 to index
        %get3A_1062 = arith.constant 16 : index
        %get3A_1063 = tpu.vector_load %arg8[%get3A_1061, %get3A_1062] {strides = array<i32>} : memref<768x128xf32, #tpu.memory_space<vmem>>, vector<1x16xf32>,
        %get3A_1064 = vector.shape_cast %get3A_1063 : vector<1x16xf32> to vector<16xf32>
        %max3A_1065 = arith.maximumf %max3A_961, %get3A_1064 : vector<16xf32>
        %add3A_1066 = arith.addf %add3A_962, %get3A_1064 : vector<16xf32>
        %mul3A_1067 = arith.mulf %get3A_1064, %get3A_1064 : vector<16xf32>
        %add3A_1068 = arith.addf %add3A_964, %mul3A_1067 : vector<16xf32>
        %mul3A_1069 = arith.constant 24 : i32
        %mul3A_1070 = arith.muli %scan3A_212, %mul3A_1069 : i32
        %add3A_1071 = arith.addi %add3A_211, %mul3A_1070 : i32
        %add3A_1072 = arith.constant 8 : i32
        %add3A_1073 = arith.addi %add3A_1071, %add3A_1072 : i32
        %get3A_1074 = arith.index_cast %add3A_1073 : i32 to index
        %get3A_1075 = arith.constant 32 : index
        %get3A_1076 = tpu.vector_load %arg8[%get3A_1074, %get3A_1075] {strides = array<i32>} : memref<768x128xf32, #tpu.memory_space<vmem>>, vector<1x16xf32>,
        %get3A_1077 = vector.shape_cast %get3A_1076 : vector<1x16xf32> to vector<16xf32>
        %max3A_1078 = arith.maximumf %max3A_974, %get3A_1077 : vector<16xf32>
        %add3A_1079 = arith.addf %add3A_975, %get3A_1077 : vector<16xf32>
        %mul3A_1080 = arith.mulf %get3A_1077, %get3A_1077 : vector<16xf32>
        %add3A_1081 = arith.addf %add3A_977, %mul3A_1080 : vector<16xf32>
        %mul3A_1082 = arith.constant 24 : i32
        %mul3A_1083 = arith.muli %scan3A_212, %mul3A_1082 : i32
        %add3A_1084 = arith.addi %add3A_211, %mul3A_1083 : i32
        %add3A_1085 = arith.constant 8 : i32
        %add3A_1086 = arith.addi %add3A_1084, %add3A_1085 : i32
        %get3A_1087 = arith.index_cast %add3A_1086 : i32 to index
        %get3A_1088 = arith.constant 48 : index
        %get3A_1089 = tpu.vector_load %arg8[%get3A_1087, %get3A_1088] {strides = array<i32>} : memref<768x128xf32, #tpu.memory_space<vmem>>, vector<1x16xf32>,
        %get3A_1090 = vector.shape_cast %get3A_1089 : vector<1x16xf32> to vector<16xf32>
        %max3A_1091 = arith.maximumf %max3A_987, %get3A_1090 : vector<16xf32>
        %add3A_1092 = arith.addf %add3A_988, %get3A_1090 : vector<16xf32>
        %mul3A_1093 = arith.mulf %get3A_1090, %get3A_1090 : vector<16xf32>
        %add3A_1094 = arith.addf %add3A_990, %mul3A_1093 : vector<16xf32>
        %mul3A_1095 = arith.constant 24 : i32
        %mul3A_1096 = arith.muli %scan3A_212, %mul3A_1095 : i32
        %add3A_1097 = arith.addi %add3A_211, %mul3A_1096 : i32
        %add3A_1098 = arith.constant 8 : i32
        %add3A_1099 = arith.addi %add3A_1097, %add3A_1098 : i32
        %get3A_1100 = arith.index_cast %add3A_1099 : i32 to index
        %get3A_1101 = arith.constant 64 : index
        %get3A_1102 = tpu.vector_load %arg8[%get3A_1100, %get3A_1101] {strides = array<i32>} : memref<768x128xf32, #tpu.memory_space<vmem>>, vector<1x16xf32>,
        %get3A_1103 = vector.shape_cast %get3A_1102 : vector<1x16xf32> to vector<16xf32>
        %max3A_1104 = arith.maximumf %max3A_1000, %get3A_1103 : vector<16xf32>
        %add3A_1105 = arith.addf %add3A_1001, %get3A_1103 : vector<16xf32>
        %mul3A_1106 = arith.mulf %get3A_1103, %get3A_1103 : vector<16xf32>
        %add3A_1107 = arith.addf %add3A_1003, %mul3A_1106 : vector<16xf32>
        %mul3A_1108 = arith.constant 24 : i32
        %mul3A_1109 = arith.muli %scan3A_212, %mul3A_1108 : i32
        %add3A_1110 = arith.addi %add3A_211, %mul3A_1109 : i32
        %add3A_1111 = arith.constant 8 : i32
        %add3A_1112 = arith.addi %add3A_1110, %add3A_1111 : i32
        %get3A_1113 = arith.index_cast %add3A_1112 : i32 to index
        %get3A_1114 = arith.constant 80 : index
        %get3A_1115 = tpu.vector_load %arg8[%get3A_1113, %get3A_1114] {strides = array<i32>} : memref<768x128xf32, #tpu.memory_space<vmem>>, vector<1x16xf32>,
        %get3A_1116 = vector.shape_cast %get3A_1115 : vector<1x16xf32> to vector<16xf32>
        %max3A_1117 = arith.maximumf %max3A_1013, %get3A_1116 : vector<16xf32>
        %add3A_1118 = arith.addf %add3A_1014, %get3A_1116 : vector<16xf32>
        %mul3A_1119 = arith.mulf %get3A_1116, %get3A_1116 : vector<16xf32>
        %add3A_1120 = arith.addf %add3A_1016, %mul3A_1119 : vector<16xf32>
        %mul3A_1121 = arith.constant 24 : i32
        %mul3A_1122 = arith.muli %scan3A_212, %mul3A_1121 : i32
        %add3A_1123 = arith.addi %add3A_211, %mul3A_1122 : i32
        %add3A_1124 = arith.constant 8 : i32
        %add3A_1125 = arith.addi %add3A_1123, %add3A_1124 : i32
        %get3A_1126 = arith.index_cast %add3A_1125 : i32 to index
        %get3A_1127 = arith.constant 96 : index
        %get3A_1128 = tpu.vector_load %arg8[%get3A_1126, %get3A_1127] {strides = array<i32>} : memref<768x128xf32, #tpu.memory_space<vmem>>, vector<1x16xf32>,
        %get3A_1129 = vector.shape_cast %get3A_1128 : vector<1x16xf32> to vector<16xf32>
        %max3A_1130 = arith.maximumf %max3A_1026, %get3A_1129 : vector<16xf32>
        %add3A_1131 = arith.addf %add3A_1027, %get3A_1129 : vector<16xf32>
        %mul3A_1132 = arith.mulf %get3A_1129, %get3A_1129 : vector<16xf32>
        %add3A_1133 = arith.addf %add3A_1029, %mul3A_1132 : vector<16xf32>
        %mul3A_1134 = arith.constant 24 : i32
        %mul3A_1135 = arith.muli %scan3A_212, %mul3A_1134 : i32
        %add3A_1136 = arith.addi %add3A_211, %mul3A_1135 : i32
        %add3A_1137 = arith.constant 8 : i32
        %add3A_1138 = arith.addi %add3A_1136, %add3A_1137 : i32
        %get3A_1139 = arith.index_cast %add3A_1138 : i32 to index
        %get3A_1140 = arith.constant 112 : index
        %get3A_1141 = tpu.vector_load %arg8[%get3A_1139, %get3A_1140] {strides = array<i32>} : memref<768x128xf32, #tpu.memory_space<vmem>>, vector<1x16xf32>,
        %get3A_1142 = vector.shape_cast %get3A_1141 : vector<1x16xf32> to vector<16xf32>
        %max3A_1143 = arith.maximumf %max3A_1039, %get3A_1142 : vector<16xf32>
        %add3A_1144 = arith.addf %add3A_1040, %get3A_1142 : vector<16xf32>
        %mul3A_1145 = arith.mulf %get3A_1142, %get3A_1142 : vector<16xf32>
        %add3A_1146 = arith.addf %add3A_1042, %mul3A_1145 : vector<16xf32>
        %mul3A_1147 = arith.constant 24 : i32
        %mul3A_1148 = arith.muli %scan3A_212, %mul3A_1147 : i32
        %add3A_1149 = arith.addi %add3A_211, %mul3A_1148 : i32
        %add3A_1150 = arith.constant 9 : i32
        %add3A_1151 = arith.addi %add3A_1149, %add3A_1150 : i32
        %get3A_1152 = arith.index_cast %add3A_1151 : i32 to index
        %get3A_1153 = arith.constant 0 : index
        %get3A_1154 = tpu.vector_load %arg8[%get3A_1152, %get3A_1153] {strides = array<i32>} : memref<768x128xf32, #tpu.memory_space<vmem>>, vector<1x16xf32>,
        %get3A_1155 = vector.shape_cast %get3A_1154 : vector<1x16xf32> to vector<16xf32>
        %max3A_1156 = arith.maximumf %max3A_1052, %get3A_1155 : vector<16xf32>
        %add3A_1157 = arith.addf %add3A_1053, %get3A_1155 : vector<16xf32>
        %mul3A_1158 = arith.mulf %get3A_1155, %get3A_1155 : vector<16xf32>
        %add3A_1159 = arith.addf %add3A_1055, %mul3A_1158 : vector<16xf32>
        %mul3A_1160 = arith.constant 24 : i32
        %mul3A_1161 = arith.muli %scan3A_212, %mul3A_1160 : i32
        %add3A_1162 = arith.addi %add3A_211, %mul3A_1161 : i32
        %add3A_1163 = arith.constant 9 : i32
        %add3A_1164 = arith.addi %add3A_1162, %add3A_1163 : i32
        %get3A_1165 = arith.index_cast %add3A_1164 : i32 to index
        %get3A_1166 = arith.constant 16 : index
        %get3A_1167 = tpu.vector_load %arg8[%get3A_1165, %get3A_1166] {strides = array<i32>} : memref<768x128xf32, #tpu.memory_space<vmem>>, vector<1x16xf32>,
        %get3A_1168 = vector.shape_cast %get3A_1167 : vector<1x16xf32> to vector<16xf32>
        %max3A_1169 = arith.maximumf %max3A_1065, %get3A_1168 : vector<16xf32>
        %add3A_1170 = arith.addf %add3A_1066, %get3A_1168 : vector<16xf32>
        %mul3A_1171 = arith.mulf %get3A_1168, %get3A_1168 : vector<16xf32>
        %add3A_1172 = arith.addf %add3A_1068, %mul3A_1171 : vector<16xf32>
        %mul3A_1173 = arith.constant 24 : i32
        %mul3A_1174 = arith.muli %scan3A_212, %mul3A_1173 : i32
        %add3A_1175 = arith.addi %add3A_211, %mul3A_1174 : i32
        %add3A_1176 = arith.constant 9 : i32
        %add3A_1177 = arith.addi %add3A_1175, %add3A_1176 : i32
        %get3A_1178 = arith.index_cast %add3A_1177 : i32 to index
        %get3A_1179 = arith.constant 32 : index
        %get3A_1180 = tpu.vector_load %arg8[%get3A_1178, %get3A_1179] {strides = array<i32>} : memref<768x128xf32, #tpu.memory_space<vmem>>, vector<1x16xf32>,
        %get3A_1181 = vector.shape_cast %get3A_1180 : vector<1x16xf32> to vector<16xf32>
        %max3A_1182 = arith.maximumf %max3A_1078, %get3A_1181 : vector<16xf32>
        %add3A_1183 = arith.addf %add3A_1079, %get3A_1181 : vector<16xf32>
        %mul3A_1184 = arith.mulf %get3A_1181, %get3A_1181 : vector<16xf32>
        %add3A_1185 = arith.addf %add3A_1081, %mul3A_1184 : vector<16xf32>
        %mul3A_1186 = arith.constant 24 : i32
        %mul3A_1187 = arith.muli %scan3A_212, %mul3A_1186 : i32
        %add3A_1188 = arith.addi %add3A_211, %mul3A_1187 : i32
        %add3A_1189 = arith.constant 9 : i32
        %add3A_1190 = arith.addi %add3A_1188, %add3A_1189 : i32
        %get3A_1191 = arith.index_cast %add3A_1190 : i32 to index
        %get3A_1192 = arith.constant 48 : index
        %get3A_1193 = tpu.vector_load %arg8[%get3A_1191, %get3A_1192] {strides = array<i32>} : memref<768x128xf32, #tpu.memory_space<vmem>>, vector<1x16xf32>,
        %get3A_1194 = vector.shape_cast %get3A_1193 : vector<1x16xf32> to vector<16xf32>
        %max3A_1195 = arith.maximumf %max3A_1091, %get3A_1194 : vector<16xf32>
        %add3A_1196 = arith.addf %add3A_1092, %get3A_1194 : vector<16xf32>
        %mul3A_1197 = arith.mulf %get3A_1194, %get3A_1194 : vector<16xf32>
        %add3A_1198 = arith.addf %add3A_1094, %mul3A_1197 : vector<16xf32>
        %mul3A_1199 = arith.constant 24 : i32
        %mul3A_1200 = arith.muli %scan3A_212, %mul3A_1199 : i32
        %add3A_1201 = arith.addi %add3A_211, %mul3A_1200 : i32
        %add3A_1202 = arith.constant 9 : i32
        %add3A_1203 = arith.addi %add3A_1201, %add3A_1202 : i32
        %get3A_1204 = arith.index_cast %add3A_1203 : i32 to index
        %get3A_1205 = arith.constant 64 : index
        %get3A_1206 = tpu.vector_load %arg8[%get3A_1204, %get3A_1205] {strides = array<i32>} : memref<768x128xf32, #tpu.memory_space<vmem>>, vector<1x16xf32>,
        %get3A_1207 = vector.shape_cast %get3A_1206 : vector<1x16xf32> to vector<16xf32>
        %max3A_1208 = arith.maximumf %max3A_1104, %get3A_1207 : vector<16xf32>
        %add3A_1209 = arith.addf %add3A_1105, %get3A_1207 : vector<16xf32>
        %mul3A_1210 = arith.mulf %get3A_1207, %get3A_1207 : vector<16xf32>
        %add3A_1211 = arith.addf %add3A_1107, %mul3A_1210 : vector<16xf32>
        %mul3A_1212 = arith.constant 24 : i32
        %mul3A_1213 = arith.muli %scan3A_212, %mul3A_1212 : i32
        %add3A_1214 = arith.addi %add3A_211, %mul3A_1213 : i32
        %add3A_1215 = arith.constant 9 : i32
        %add3A_1216 = arith.addi %add3A_1214, %add3A_1215 : i32
        %get3A_1217 = arith.index_cast %add3A_1216 : i32 to index
        %get3A_1218 = arith.constant 80 : index
        %get3A_1219 = tpu.vector_load %arg8[%get3A_1217, %get3A_1218] {strides = array<i32>} : memref<768x128xf32, #tpu.memory_space<vmem>>, vector<1x16xf32>,
        %get3A_1220 = vector.shape_cast %get3A_1219 : vector<1x16xf32> to vector<16xf32>
        %max3A_1221 = arith.maximumf %max3A_1117, %get3A_1220 : vector<16xf32>
        %add3A_1222 = arith.addf %add3A_1118, %get3A_1220 : vector<16xf32>
        %mul3A_1223 = arith.mulf %get3A_1220, %get3A_1220 : vector<16xf32>
        %add3A_1224 = arith.addf %add3A_1120, %mul3A_1223 : vector<16xf32>
        %mul3A_1225 = arith.constant 24 : i32
        %mul3A_1226 = arith.muli %scan3A_212, %mul3A_1225 : i32
        %add3A_1227 = arith.addi %add3A_211, %mul3A_1226 : i32
        %add3A_1228 = arith.constant 9 : i32
        %add3A_1229 = arith.addi %add3A_1227, %add3A_1228 : i32
        %get3A_1230 = arith.index_cast %add3A_1229 : i32 to index
        %get3A_1231 = arith.constant 96 : index
        %get3A_1232 = tpu.vector_load %arg8[%get3A_1230, %get3A_1231] {strides = array<i32>} : memref<768x128xf32, #tpu.memory_space<vmem>>, vector<1x16xf32>,
        %get3A_1233 = vector.shape_cast %get3A_1232 : vector<1x16xf32> to vector<16xf32>
        %max3A_1234 = arith.maximumf %max3A_1130, %get3A_1233 : vector<16xf32>
        %add3A_1235 = arith.addf %add3A_1131, %get3A_1233 : vector<16xf32>
        %mul3A_1236 = arith.mulf %get3A_1233, %get3A_1233 : vector<16xf32>
        %add3A_1237 = arith.addf %add3A_1133, %mul3A_1236 : vector<16xf32>
        %mul3A_1238 = arith.constant 24 : i32
        %mul3A_1239 = arith.muli %scan3A_212, %mul3A_1238 : i32
        %add3A_1240 = arith.addi %add3A_211, %mul3A_1239 : i32
        %add3A_1241 = arith.constant 9 : i32
        %add3A_1242 = arith.addi %add3A_1240, %add3A_1241 : i32
        %get3A_1243 = arith.index_cast %add3A_1242 : i32 to index
        %get3A_1244 = arith.constant 112 : index
        %get3A_1245 = tpu.vector_load %arg8[%get3A_1243, %get3A_1244] {strides = array<i32>} : memref<768x128xf32, #tpu.memory_space<vmem>>, vector<1x16xf32>,
        %get3A_1246 = vector.shape_cast %get3A_1245 : vector<1x16xf32> to vector<16xf32>
        %max3A_1247 = arith.maximumf %max3A_1143, %get3A_1246 : vector<16xf32>
        %add3A_1248 = arith.addf %add3A_1144, %get3A_1246 : vector<16xf32>
        %mul3A_1249 = arith.mulf %get3A_1246, %get3A_1246 : vector<16xf32>
        %add3A_1250 = arith.addf %add3A_1146, %mul3A_1249 : vector<16xf32>
        %mul3A_1251 = arith.constant 24 : i32
        %mul3A_1252 = arith.muli %scan3A_212, %mul3A_1251 : i32
        %add3A_1253 = arith.addi %add3A_211, %mul3A_1252 : i32
        %add3A_1254 = arith.constant 10 : i32
        %add3A_1255 = arith.addi %add3A_1253, %add3A_1254 : i32
        %get3A_1256 = arith.index_cast %add3A_1255 : i32 to index
        %get3A_1257 = arith.constant 0 : index
        %get3A_1258 = tpu.vector_load %arg8[%get3A_1256, %get3A_1257] {strides = array<i32>} : memref<768x128xf32, #tpu.memory_space<vmem>>, vector<1x16xf32>,
        %get3A_1259 = vector.shape_cast %get3A_1258 : vector<1x16xf32> to vector<16xf32>
        %max3A_1260 = arith.maximumf %max3A_1156, %get3A_1259 : vector<16xf32>
        %add3A_1261 = arith.addf %add3A_1157, %get3A_1259 : vector<16xf32>
        %mul3A_1262 = arith.mulf %get3A_1259, %get3A_1259 : vector<16xf32>
        %add3A_1263 = arith.addf %add3A_1159, %mul3A_1262 : vector<16xf32>
        %mul3A_1264 = arith.constant 24 : i32
        %mul3A_1265 = arith.muli %scan3A_212, %mul3A_1264 : i32
        %add3A_1266 = arith.addi %add3A_211, %mul3A_1265 : i32
        %add3A_1267 = arith.constant 10 : i32
        %add3A_1268 = arith.addi %add3A_1266, %add3A_1267 : i32
        %get3A_1269 = arith.index_cast %add3A_1268 : i32 to index
        %get3A_1270 = arith.constant 16 : index
        %get3A_1271 = tpu.vector_load %arg8[%get3A_1269, %get3A_1270] {strides = array<i32>} : memref<768x128xf32, #tpu.memory_space<vmem>>, vector<1x16xf32>,
        %get3A_1272 = vector.shape_cast %get3A_1271 : vector<1x16xf32> to vector<16xf32>
        %max3A_1273 = arith.maximumf %max3A_1169, %get3A_1272 : vector<16xf32>
        %add3A_1274 = arith.addf %add3A_1170, %get3A_1272 : vector<16xf32>
        %mul3A_1275 = arith.mulf %get3A_1272, %get3A_1272 : vector<16xf32>
        %add3A_1276 = arith.addf %add3A_1172, %mul3A_1275 : vector<16xf32>
        %mul3A_1277 = arith.constant 24 : i32
        %mul3A_1278 = arith.muli %scan3A_212, %mul3A_1277 : i32
        %add3A_1279 = arith.addi %add3A_211, %mul3A_1278 : i32
        %add3A_1280 = arith.constant 10 : i32
        %add3A_1281 = arith.addi %add3A_1279, %add3A_1280 : i32
        %get3A_1282 = arith.index_cast %add3A_1281 : i32 to index
        %get3A_1283 = arith.constant 32 : index
        %get3A_1284 = tpu.vector_load %arg8[%get3A_1282, %get3A_1283] {strides = array<i32>} : memref<768x128xf32, #tpu.memory_space<vmem>>, vector<1x16xf32>,
        %get3A_1285 = vector.shape_cast %get3A_1284 : vector<1x16xf32> to vector<16xf32>
        %max3A_1286 = arith.maximumf %max3A_1182, %get3A_1285 : vector<16xf32>
        %add3A_1287 = arith.addf %add3A_1183, %get3A_1285 : vector<16xf32>
        %mul3A_1288 = arith.mulf %get3A_1285, %get3A_1285 : vector<16xf32>
        %add3A_1289 = arith.addf %add3A_1185, %mul3A_1288 : vector<16xf32>
        %mul3A_1290 = arith.constant 24 : i32
        %mul3A_1291 = arith.muli %scan3A_212, %mul3A_1290 : i32
        %add3A_1292 = arith.addi %add3A_211, %mul3A_1291 : i32
        %add3A_1293 = arith.constant 10 : i32
        %add3A_1294 = arith.addi %add3A_1292, %add3A_1293 : i32
        %get3A_1295 = arith.index_cast %add3A_1294 : i32 to index
        %get3A_1296 = arith.constant 48 : index
        %get3A_1297 = tpu.vector_load %arg8[%get3A_1295, %get3A_1296] {strides = array<i32>} : memref<768x128xf32, #tpu.memory_space<vmem>>, vector<1x16xf32>,
        %get3A_1298 = vector.shape_cast %get3A_1297 : vector<1x16xf32> to vector<16xf32>
        %max3A_1299 = arith.maximumf %max3A_1195, %get3A_1298 : vector<16xf32>
        %add3A_1300 = arith.addf %add3A_1196, %get3A_1298 : vector<16xf32>
        %mul3A_1301 = arith.mulf %get3A_1298, %get3A_1298 : vector<16xf32>
        %add3A_1302 = arith.addf %add3A_1198, %mul3A_1301 : vector<16xf32>
        %mul3A_1303 = arith.constant 24 : i32
        %mul3A_1304 = arith.muli %scan3A_212, %mul3A_1303 : i32
        %add3A_1305 = arith.addi %add3A_211, %mul3A_1304 : i32
        %add3A_1306 = arith.constant 10 : i32
        %add3A_1307 = arith.addi %add3A_1305, %add3A_1306 : i32
        %get3A_1308 = arith.index_cast %add3A_1307 : i32 to index
        %get3A_1309 = arith.constant 64 : index
        %get3A_1310 = tpu.vector_load %arg8[%get3A_1308, %get3A_1309] {strides = array<i32>} : memref<768x128xf32, #tpu.memory_space<vmem>>, vector<1x16xf32>,
        %get3A_1311 = vector.shape_cast %get3A_1310 : vector<1x16xf32> to vector<16xf32>
        %max3A_1312 = arith.maximumf %max3A_1208, %get3A_1311 : vector<16xf32>
        %add3A_1313 = arith.addf %add3A_1209, %get3A_1311 : vector<16xf32>
        %mul3A_1314 = arith.mulf %get3A_1311, %get3A_1311 : vector<16xf32>
        %add3A_1315 = arith.addf %add3A_1211, %mul3A_1314 : vector<16xf32>
        %mul3A_1316 = arith.constant 24 : i32
        %mul3A_1317 = arith.muli %scan3A_212, %mul3A_1316 : i32
        %add3A_1318 = arith.addi %add3A_211, %mul3A_1317 : i32
        %add3A_1319 = arith.constant 10 : i32
        %add3A_1320 = arith.addi %add3A_1318, %add3A_1319 : i32
        %get3A_1321 = arith.index_cast %add3A_1320 : i32 to index
        %get3A_1322 = arith.constant 80 : index
        %get3A_1323 = tpu.vector_load %arg8[%get3A_1321, %get3A_1322] {strides = array<i32>} : memref<768x128xf32, #tpu.memory_space<vmem>>, vector<1x16xf32>,
        %get3A_1324 = vector.shape_cast %get3A_1323 : vector<1x16xf32> to vector<16xf32>
        %max3A_1325 = arith.maximumf %max3A_1221, %get3A_1324 : vector<16xf32>
        %add3A_1326 = arith.addf %add3A_1222, %get3A_1324 : vector<16xf32>
        %mul3A_1327 = arith.mulf %get3A_1324, %get3A_1324 : vector<16xf32>
        %add3A_1328 = arith.addf %add3A_1224, %mul3A_1327 : vector<16xf32>
        %mul3A_1329 = arith.constant 24 : i32
        %mul3A_1330 = arith.muli %scan3A_212, %mul3A_1329 : i32
        %add3A_1331 = arith.addi %add3A_211, %mul3A_1330 : i32
        %add3A_1332 = arith.constant 10 : i32
        %add3A_1333 = arith.addi %add3A_1331, %add3A_1332 : i32
        %get3A_1334 = arith.index_cast %add3A_1333 : i32 to index
        %get3A_1335 = arith.constant 96 : index
        %get3A_1336 = tpu.vector_load %arg8[%get3A_1334, %get3A_1335] {strides = array<i32>} : memref<768x128xf32, #tpu.memory_space<vmem>>, vector<1x16xf32>,
        %get3A_1337 = vector.shape_cast %get3A_1336 : vector<1x16xf32> to vector<16xf32>
        %max3A_1338 = arith.maximumf %max3A_1234, %get3A_1337 : vector<16xf32>
        %add3A_1339 = arith.addf %add3A_1235, %get3A_1337 : vector<16xf32>
        %mul3A_1340 = arith.mulf %get3A_1337, %get3A_1337 : vector<16xf32>
        %add3A_1341 = arith.addf %add3A_1237, %mul3A_1340 : vector<16xf32>
        %mul3A_1342 = arith.constant 24 : i32
        %mul3A_1343 = arith.muli %scan3A_212, %mul3A_1342 : i32
        %add3A_1344 = arith.addi %add3A_211, %mul3A_1343 : i32
        %add3A_1345 = arith.constant 10 : i32
        %add3A_1346 = arith.addi %add3A_1344, %add3A_1345 : i32
        %get3A_1347 = arith.index_cast %add3A_1346 : i32 to index
        %get3A_1348 = arith.constant 112 : index
        %get3A_1349 = tpu.vector_load %arg8[%get3A_1347, %get3A_1348] {strides = array<i32>} : memref<768x128xf32, #tpu.memory_space<vmem>>, vector<1x16xf32>,
        %get3A_1350 = vector.shape_cast %get3A_1349 : vector<1x16xf32> to vector<16xf32>
        %max3A_1351 = arith.maximumf %max3A_1247, %get3A_1350 : vector<16xf32>
        %add3A_1352 = arith.addf %add3A_1248, %get3A_1350 : vector<16xf32>
        %mul3A_1353 = arith.mulf %get3A_1350, %get3A_1350 : vector<16xf32>
        %add3A_1354 = arith.addf %add3A_1250, %mul3A_1353 : vector<16xf32>
        %mul3A_1355 = arith.constant 24 : i32
        %mul3A_1356 = arith.muli %scan3A_212, %mul3A_1355 : i32
        %add3A_1357 = arith.addi %add3A_211, %mul3A_1356 : i32
        %add3A_1358 = arith.constant 11 : i32
        %add3A_1359 = arith.addi %add3A_1357, %add3A_1358 : i32
        %get3A_1360 = arith.index_cast %add3A_1359 : i32 to index
        %get3A_1361 = arith.constant 0 : index
        %get3A_1362 = tpu.vector_load %arg8[%get3A_1360, %get3A_1361] {strides = array<i32>} : memref<768x128xf32, #tpu.memory_space<vmem>>, vector<1x16xf32>,
        %get3A_1363 = vector.shape_cast %get3A_1362 : vector<1x16xf32> to vector<16xf32>
        %max3A_1364 = arith.maximumf %max3A_1260, %get3A_1363 : vector<16xf32>
        %add3A_1365 = arith.addf %add3A_1261, %get3A_1363 : vector<16xf32>
        %mul3A_1366 = arith.mulf %get3A_1363, %get3A_1363 : vector<16xf32>
        %add3A_1367 = arith.addf %add3A_1263, %mul3A_1366 : vector<16xf32>
        %mul3A_1368 = arith.constant 24 : i32
        %mul3A_1369 = arith.muli %scan3A_212, %mul3A_1368 : i32
        %add3A_1370 = arith.addi %add3A_211, %mul3A_1369 : i32
        %add3A_1371 = arith.constant 11 : i32
        %add3A_1372 = arith.addi %add3A_1370, %add3A_1371 : i32
        %get3A_1373 = arith.index_cast %add3A_1372 : i32 to index
        %get3A_1374 = arith.constant 16 : index
        %get3A_1375 = tpu.vector_load %arg8[%get3A_1373, %get3A_1374] {strides = array<i32>} : memref<768x128xf32, #tpu.memory_space<vmem>>, vector<1x16xf32>,
        %get3A_1376 = vector.shape_cast %get3A_1375 : vector<1x16xf32> to vector<16xf32>
        %max3A_1377 = arith.maximumf %max3A_1273, %get3A_1376 : vector<16xf32>
        %add3A_1378 = arith.addf %add3A_1274, %get3A_1376 : vector<16xf32>
        %mul3A_1379 = arith.mulf %get3A_1376, %get3A_1376 : vector<16xf32>
        %add3A_1380 = arith.addf %add3A_1276, %mul3A_1379 : vector<16xf32>
        %mul3A_1381 = arith.constant 24 : i32
        %mul3A_1382 = arith.muli %scan3A_212, %mul3A_1381 : i32
        %add3A_1383 = arith.addi %add3A_211, %mul3A_1382 : i32
        %add3A_1384 = arith.constant 11 : i32
        %add3A_1385 = arith.addi %add3A_1383, %add3A_1384 : i32
        %get3A_1386 = arith.index_cast %add3A_1385 : i32 to index
        %get3A_1387 = arith.constant 32 : index
        %get3A_1388 = tpu.vector_load %arg8[%get3A_1386, %get3A_1387] {strides = array<i32>} : memref<768x128xf32, #tpu.memory_space<vmem>>, vector<1x16xf32>,
        %get3A_1389 = vector.shape_cast %get3A_1388 : vector<1x16xf32> to vector<16xf32>
        %max3A_1390 = arith.maximumf %max3A_1286, %get3A_1389 : vector<16xf32>
        %add3A_1391 = arith.addf %add3A_1287, %get3A_1389 : vector<16xf32>
        %mul3A_1392 = arith.mulf %get3A_1389, %get3A_1389 : vector<16xf32>
        %add3A_1393 = arith.addf %add3A_1289, %mul3A_1392 : vector<16xf32>
        %mul3A_1394 = arith.constant 24 : i32
        %mul3A_1395 = arith.muli %scan3A_212, %mul3A_1394 : i32
        %add3A_1396 = arith.addi %add3A_211, %mul3A_1395 : i32
        %add3A_1397 = arith.constant 11 : i32
        %add3A_1398 = arith.addi %add3A_1396, %add3A_1397 : i32
        %get3A_1399 = arith.index_cast %add3A_1398 : i32 to index
        %get3A_1400 = arith.constant 48 : index
        %get3A_1401 = tpu.vector_load %arg8[%get3A_1399, %get3A_1400] {strides = array<i32>} : memref<768x128xf32, #tpu.memory_space<vmem>>, vector<1x16xf32>,
        %get3A_1402 = vector.shape_cast %get3A_1401 : vector<1x16xf32> to vector<16xf32>
        %max3A_1403 = arith.maximumf %max3A_1299, %get3A_1402 : vector<16xf32>
        %add3A_1404 = arith.addf %add3A_1300, %get3A_1402 : vector<16xf32>
        %mul3A_1405 = arith.mulf %get3A_1402, %get3A_1402 : vector<16xf32>
        %add3A_1406 = arith.addf %add3A_1302, %mul3A_1405 : vector<16xf32>
        %mul3A_1407 = arith.constant 24 : i32
        %mul3A_1408 = arith.muli %scan3A_212, %mul3A_1407 : i32
        %add3A_1409 = arith.addi %add3A_211, %mul3A_1408 : i32
        %add3A_1410 = arith.constant 11 : i32
        %add3A_1411 = arith.addi %add3A_1409, %add3A_1410 : i32
        %get3A_1412 = arith.index_cast %add3A_1411 : i32 to index
        %get3A_1413 = arith.constant 64 : index
        %get3A_1414 = tpu.vector_load %arg8[%get3A_1412, %get3A_1413] {strides = array<i32>} : memref<768x128xf32, #tpu.memory_space<vmem>>, vector<1x16xf32>,
        %get3A_1415 = vector.shape_cast %get3A_1414 : vector<1x16xf32> to vector<16xf32>
        %max3A_1416 = arith.maximumf %max3A_1312, %get3A_1415 : vector<16xf32>
        %add3A_1417 = arith.addf %add3A_1313, %get3A_1415 : vector<16xf32>
        %mul3A_1418 = arith.mulf %get3A_1415, %get3A_1415 : vector<16xf32>
        %add3A_1419 = arith.addf %add3A_1315, %mul3A_1418 : vector<16xf32>
        %mul3A_1420 = arith.constant 24 : i32
        %mul3A_1421 = arith.muli %scan3A_212, %mul3A_1420 : i32
        %add3A_1422 = arith.addi %add3A_211, %mul3A_1421 : i32
        %add3A_1423 = arith.constant 11 : i32
        %add3A_1424 = arith.addi %add3A_1422, %add3A_1423 : i32
        %get3A_1425 = arith.index_cast %add3A_1424 : i32 to index
        %get3A_1426 = arith.constant 80 : index
        %get3A_1427 = tpu.vector_load %arg8[%get3A_1425, %get3A_1426] {strides = array<i32>} : memref<768x128xf32, #tpu.memory_space<vmem>>, vector<1x16xf32>,
        %get3A_1428 = vector.shape_cast %get3A_1427 : vector<1x16xf32> to vector<16xf32>
        %max3A_1429 = arith.maximumf %max3A_1325, %get3A_1428 : vector<16xf32>
        %add3A_1430 = arith.addf %add3A_1326, %get3A_1428 : vector<16xf32>
        %mul3A_1431 = arith.mulf %get3A_1428, %get3A_1428 : vector<16xf32>
        %add3A_1432 = arith.addf %add3A_1328, %mul3A_1431 : vector<16xf32>
        %mul3A_1433 = arith.constant 24 : i32
        %mul3A_1434 = arith.muli %scan3A_212, %mul3A_1433 : i32
        %add3A_1435 = arith.addi %add3A_211, %mul3A_1434 : i32
        %add3A_1436 = arith.constant 11 : i32
        %add3A_1437 = arith.addi %add3A_1435, %add3A_1436 : i32
        %get3A_1438 = arith.index_cast %add3A_1437 : i32 to index
        %get3A_1439 = arith.constant 96 : index
        %get3A_1440 = tpu.vector_load %arg8[%get3A_1438, %get3A_1439] {strides = array<i32>} : memref<768x128xf32, #tpu.memory_space<vmem>>, vector<1x16xf32>,
        %get3A_1441 = vector.shape_cast %get3A_1440 : vector<1x16xf32> to vector<16xf32>
        %max3A_1442 = arith.maximumf %max3A_1338, %get3A_1441 : vector<16xf32>
        %add3A_1443 = arith.addf %add3A_1339, %get3A_1441 : vector<16xf32>
        %mul3A_1444 = arith.mulf %get3A_1441, %get3A_1441 : vector<16xf32>
        %add3A_1445 = arith.addf %add3A_1341, %mul3A_1444 : vector<16xf32>
        %mul3A_1446 = arith.constant 24 : i32
        %mul3A_1447 = arith.muli %scan3A_212, %mul3A_1446 : i32
        %add3A_1448 = arith.addi %add3A_211, %mul3A_1447 : i32
        %add3A_1449 = arith.constant 11 : i32
        %add3A_1450 = arith.addi %add3A_1448, %add3A_1449 : i32
        %get3A_1451 = arith.index_cast %add3A_1450 : i32 to index
        %get3A_1452 = arith.constant 112 : index
        %get3A_1453 = tpu.vector_load %arg8[%get3A_1451, %get3A_1452] {strides = array<i32>} : memref<768x128xf32, #tpu.memory_space<vmem>>, vector<1x16xf32>,
        %get3A_1454 = vector.shape_cast %get3A_1453 : vector<1x16xf32> to vector<16xf32>
        %max3A_1455 = arith.maximumf %max3A_1351, %get3A_1454 : vector<16xf32>
        %add3A_1456 = arith.addf %add3A_1352, %get3A_1454 : vector<16xf32>
        %mul3A_1457 = arith.mulf %get3A_1454, %get3A_1454 : vector<16xf32>
        %add3A_1458 = arith.addf %add3A_1354, %mul3A_1457 : vector<16xf32>
        %mul3A_1459 = arith.constant 24 : i32
        %mul3A_1460 = arith.muli %scan3A_212, %mul3A_1459 : i32
        %add3A_1461 = arith.addi %add3A_211, %mul3A_1460 : i32
        %add3A_1462 = arith.constant 12 : i32
        %add3A_1463 = arith.addi %add3A_1461, %add3A_1462 : i32
        %get3A_1464 = arith.index_cast %add3A_1463 : i32 to index
        %get3A_1465 = arith.constant 0 : index
        %get3A_1466 = tpu.vector_load %arg8[%get3A_1464, %get3A_1465] {strides = array<i32>} : memref<768x128xf32, #tpu.memory_space<vmem>>, vector<1x16xf32>,
        %get3A_1467 = vector.shape_cast %get3A_1466 : vector<1x16xf32> to vector<16xf32>
        %max3A_1468 = arith.maximumf %max3A_1364, %get3A_1467 : vector<16xf32>
        %add3A_1469 = arith.addf %add3A_1365, %get3A_1467 : vector<16xf32>
        %mul3A_1470 = arith.mulf %get3A_1467, %get3A_1467 : vector<16xf32>
        %add3A_1471 = arith.addf %add3A_1367, %mul3A_1470 : vector<16xf32>
        %mul3A_1472 = arith.constant 24 : i32
        %mul3A_1473 = arith.muli %scan3A_212, %mul3A_1472 : i32
        %add3A_1474 = arith.addi %add3A_211, %mul3A_1473 : i32
        %add3A_1475 = arith.constant 12 : i32
        %add3A_1476 = arith.addi %add3A_1474, %add3A_1475 : i32
        %get3A_1477 = arith.index_cast %add3A_1476 : i32 to index
        %get3A_1478 = arith.constant 16 : index
        %get3A_1479 = tpu.vector_load %arg8[%get3A_1477, %get3A_1478] {strides = array<i32>} : memref<768x128xf32, #tpu.memory_space<vmem>>, vector<1x16xf32>,
        %get3A_1480 = vector.shape_cast %get3A_1479 : vector<1x16xf32> to vector<16xf32>
        %max3A_1481 = arith.maximumf %max3A_1377, %get3A_1480 : vector<16xf32>
        %add3A_1482 = arith.addf %add3A_1378, %get3A_1480 : vector<16xf32>
        %mul3A_1483 = arith.mulf %get3A_1480, %get3A_1480 : vector<16xf32>
        %add3A_1484 = arith.addf %add3A_1380, %mul3A_1483 : vector<16xf32>
        %mul3A_1485 = arith.constant 24 : i32
        %mul3A_1486 = arith.muli %scan3A_212, %mul3A_1485 : i32
        %add3A_1487 = arith.addi %add3A_211, %mul3A_1486 : i32
        %add3A_1488 = arith.constant 12 : i32
        %add3A_1489 = arith.addi %add3A_1487, %add3A_1488 : i32
        %get3A_1490 = arith.index_cast %add3A_1489 : i32 to index
        %get3A_1491 = arith.constant 32 : index
        %get3A_1492 = tpu.vector_load %arg8[%get3A_1490, %get3A_1491] {strides = array<i32>} : memref<768x128xf32, #tpu.memory_space<vmem>>, vector<1x16xf32>,
        %get3A_1493 = vector.shape_cast %get3A_1492 : vector<1x16xf32> to vector<16xf32>
        %max3A_1494 = arith.maximumf %max3A_1390, %get3A_1493 : vector<16xf32>
        %add3A_1495 = arith.addf %add3A_1391, %get3A_1493 : vector<16xf32>
        %mul3A_1496 = arith.mulf %get3A_1493, %get3A_1493 : vector<16xf32>
        %add3A_1497 = arith.addf %add3A_1393, %mul3A_1496 : vector<16xf32>
        %mul3A_1498 = arith.constant 24 : i32
        %mul3A_1499 = arith.muli %scan3A_212, %mul3A_1498 : i32
        %add3A_1500 = arith.addi %add3A_211, %mul3A_1499 : i32
        %add3A_1501 = arith.constant 12 : i32
        %add3A_1502 = arith.addi %add3A_1500, %add3A_1501 : i32
        %get3A_1503 = arith.index_cast %add3A_1502 : i32 to index
        %get3A_1504 = arith.constant 48 : index
        %get3A_1505 = tpu.vector_load %arg8[%get3A_1503, %get3A_1504] {strides = array<i32>} : memref<768x128xf32, #tpu.memory_space<vmem>>, vector<1x16xf32>,
        %get3A_1506 = vector.shape_cast %get3A_1505 : vector<1x16xf32> to vector<16xf32>
        %max3A_1507 = arith.maximumf %max3A_1403, %get3A_1506 : vector<16xf32>
        %add3A_1508 = arith.addf %add3A_1404, %get3A_1506 : vector<16xf32>
        %mul3A_1509 = arith.mulf %get3A_1506, %get3A_1506 : vector<16xf32>
        %add3A_1510 = arith.addf %add3A_1406, %mul3A_1509 : vector<16xf32>
        %mul3A_1511 = arith.constant 24 : i32
        %mul3A_1512 = arith.muli %scan3A_212, %mul3A_1511 : i32
        %add3A_1513 = arith.addi %add3A_211, %mul3A_1512 : i32
        %add3A_1514 = arith.constant 12 : i32
        %add3A_1515 = arith.addi %add3A_1513, %add3A_1514 : i32
        %get3A_1516 = arith.index_cast %add3A_1515 : i32 to index
        %get3A_1517 = arith.constant 64 : index
        %get3A_1518 = tpu.vector_load %arg8[%get3A_1516, %get3A_1517] {strides = array<i32>} : memref<768x128xf32, #tpu.memory_space<vmem>>, vector<1x16xf32>,
        %get3A_1519 = vector.shape_cast %get3A_1518 : vector<1x16xf32> to vector<16xf32>
        %max3A_1520 = arith.maximumf %max3A_1416, %get3A_1519 : vector<16xf32>
        %add3A_1521 = arith.addf %add3A_1417, %get3A_1519 : vector<16xf32>
        %mul3A_1522 = arith.mulf %get3A_1519, %get3A_1519 : vector<16xf32>
        %add3A_1523 = arith.addf %add3A_1419, %mul3A_1522 : vector<16xf32>
        %mul3A_1524 = arith.constant 24 : i32
        %mul3A_1525 = arith.muli %scan3A_212, %mul3A_1524 : i32
        %add3A_1526 = arith.addi %add3A_211, %mul3A_1525 : i32
        %add3A_1527 = arith.constant 12 : i32
        %add3A_1528 = arith.addi %add3A_1526, %add3A_1527 : i32
        %get3A_1529 = arith.index_cast %add3A_1528 : i32 to index
        %get3A_1530 = arith.constant 80 : index
        %get3A_1531 = tpu.vector_load %arg8[%get3A_1529, %get3A_1530] {strides = array<i32>} : memref<768x128xf32, #tpu.memory_space<vmem>>, vector<1x16xf32>,
        %get3A_1532 = vector.shape_cast %get3A_1531 : vector<1x16xf32> to vector<16xf32>
        %max3A_1533 = arith.maximumf %max3A_1429, %get3A_1532 : vector<16xf32>
        %add3A_1534 = arith.addf %add3A_1430, %get3A_1532 : vector<16xf32>
        %mul3A_1535 = arith.mulf %get3A_1532, %get3A_1532 : vector<16xf32>
        %add3A_1536 = arith.addf %add3A_1432, %mul3A_1535 : vector<16xf32>
        %mul3A_1537 = arith.constant 24 : i32
        %mul3A_1538 = arith.muli %scan3A_212, %mul3A_1537 : i32
        %add3A_1539 = arith.addi %add3A_211, %mul3A_1538 : i32
        %add3A_1540 = arith.constant 12 : i32
        %add3A_1541 = arith.addi %add3A_1539, %add3A_1540 : i32
        %get3A_1542 = arith.index_cast %add3A_1541 : i32 to index
        %get3A_1543 = arith.constant 96 : index
        %get3A_1544 = tpu.vector_load %arg8[%get3A_1542, %get3A_1543] {strides = array<i32>} : memref<768x128xf32, #tpu.memory_space<vmem>>, vector<1x16xf32>,
        %get3A_1545 = vector.shape_cast %get3A_1544 : vector<1x16xf32> to vector<16xf32>
        %max3A_1546 = arith.maximumf %max3A_1442, %get3A_1545 : vector<16xf32>
        %add3A_1547 = arith.addf %add3A_1443, %get3A_1545 : vector<16xf32>
        %mul3A_1548 = arith.mulf %get3A_1545, %get3A_1545 : vector<16xf32>
        %add3A_1549 = arith.addf %add3A_1445, %mul3A_1548 : vector<16xf32>
        %mul3A_1550 = arith.constant 24 : i32
        %mul3A_1551 = arith.muli %scan3A_212, %mul3A_1550 : i32
        %add3A_1552 = arith.addi %add3A_211, %mul3A_1551 : i32
        %add3A_1553 = arith.constant 12 : i32
        %add3A_1554 = arith.addi %add3A_1552, %add3A_1553 : i32
        %get3A_1555 = arith.index_cast %add3A_1554 : i32 to index
        %get3A_1556 = arith.constant 112 : index
        %get3A_1557 = tpu.vector_load %arg8[%get3A_1555, %get3A_1556] {strides = array<i32>} : memref<768x128xf32, #tpu.memory_space<vmem>>, vector<1x16xf32>,
        %get3A_1558 = vector.shape_cast %get3A_1557 : vector<1x16xf32> to vector<16xf32>
        %max3A_1559 = arith.maximumf %max3A_1455, %get3A_1558 : vector<16xf32>
        %add3A_1560 = arith.addf %add3A_1456, %get3A_1558 : vector<16xf32>
        %mul3A_1561 = arith.mulf %get3A_1558, %get3A_1558 : vector<16xf32>
        %add3A_1562 = arith.addf %add3A_1458, %mul3A_1561 : vector<16xf32>
        %mul3A_1563 = arith.constant 24 : i32
        %mul3A_1564 = arith.muli %scan3A_212, %mul3A_1563 : i32
        %add3A_1565 = arith.addi %add3A_211, %mul3A_1564 : i32
        %add3A_1566 = arith.constant 13 : i32
        %add3A_1567 = arith.addi %add3A_1565, %add3A_1566 : i32
        %get3A_1568 = arith.index_cast %add3A_1567 : i32 to index
        %get3A_1569 = arith.constant 0 : index
        %get3A_1570 = tpu.vector_load %arg8[%get3A_1568, %get3A_1569] {strides = array<i32>} : memref<768x128xf32, #tpu.memory_space<vmem>>, vector<1x16xf32>,
        %get3A_1571 = vector.shape_cast %get3A_1570 : vector<1x16xf32> to vector<16xf32>
        %max3A_1572 = arith.maximumf %max3A_1468, %get3A_1571 : vector<16xf32>
        %add3A_1573 = arith.addf %add3A_1469, %get3A_1571 : vector<16xf32>
        %mul3A_1574 = arith.mulf %get3A_1571, %get3A_1571 : vector<16xf32>
        %add3A_1575 = arith.addf %add3A_1471, %mul3A_1574 : vector<16xf32>
        %mul3A_1576 = arith.constant 24 : i32
        %mul3A_1577 = arith.muli %scan3A_212, %mul3A_1576 : i32
        %add3A_1578 = arith.addi %add3A_211, %mul3A_1577 : i32
        %add3A_1579 = arith.constant 13 : i32
        %add3A_1580 = arith.addi %add3A_1578, %add3A_1579 : i32
        %get3A_1581 = arith.index_cast %add3A_1580 : i32 to index
        %get3A_1582 = arith.constant 16 : index
        %get3A_1583 = tpu.vector_load %arg8[%get3A_1581, %get3A_1582] {strides = array<i32>} : memref<768x128xf32, #tpu.memory_space<vmem>>, vector<1x16xf32>,
        %get3A_1584 = vector.shape_cast %get3A_1583 : vector<1x16xf32> to vector<16xf32>
        %max3A_1585 = arith.maximumf %max3A_1481, %get3A_1584 : vector<16xf32>
        %add3A_1586 = arith.addf %add3A_1482, %get3A_1584 : vector<16xf32>
        %mul3A_1587 = arith.mulf %get3A_1584, %get3A_1584 : vector<16xf32>
        %add3A_1588 = arith.addf %add3A_1484, %mul3A_1587 : vector<16xf32>
        %mul3A_1589 = arith.constant 24 : i32
        %mul3A_1590 = arith.muli %scan3A_212, %mul3A_1589 : i32
        %add3A_1591 = arith.addi %add3A_211, %mul3A_1590 : i32
        %add3A_1592 = arith.constant 13 : i32
        %add3A_1593 = arith.addi %add3A_1591, %add3A_1592 : i32
        %get3A_1594 = arith.index_cast %add3A_1593 : i32 to index
        %get3A_1595 = arith.constant 32 : index
        %get3A_1596 = tpu.vector_load %arg8[%get3A_1594, %get3A_1595] {strides = array<i32>} : memref<768x128xf32, #tpu.memory_space<vmem>>, vector<1x16xf32>,
        %get3A_1597 = vector.shape_cast %get3A_1596 : vector<1x16xf32> to vector<16xf32>
        %max3A_1598 = arith.maximumf %max3A_1494, %get3A_1597 : vector<16xf32>
        %add3A_1599 = arith.addf %add3A_1495, %get3A_1597 : vector<16xf32>
        %mul3A_1600 = arith.mulf %get3A_1597, %get3A_1597 : vector<16xf32>
        %add3A_1601 = arith.addf %add3A_1497, %mul3A_1600 : vector<16xf32>
        %mul3A_1602 = arith.constant 24 : i32
        %mul3A_1603 = arith.muli %scan3A_212, %mul3A_1602 : i32
        %add3A_1604 = arith.addi %add3A_211, %mul3A_1603 : i32
        %add3A_1605 = arith.constant 13 : i32
        %add3A_1606 = arith.addi %add3A_1604, %add3A_1605 : i32
        %get3A_1607 = arith.index_cast %add3A_1606 : i32 to index
        %get3A_1608 = arith.constant 48 : index
        %get3A_1609 = tpu.vector_load %arg8[%get3A_1607, %get3A_1608] {strides = array<i32>} : memref<768x128xf32, #tpu.memory_space<vmem>>, vector<1x16xf32>,
        %get3A_1610 = vector.shape_cast %get3A_1609 : vector<1x16xf32> to vector<16xf32>
        %max3A_1611 = arith.maximumf %max3A_1507, %get3A_1610 : vector<16xf32>
        %add3A_1612 = arith.addf %add3A_1508, %get3A_1610 : vector<16xf32>
        %mul3A_1613 = arith.mulf %get3A_1610, %get3A_1610 : vector<16xf32>
        %add3A_1614 = arith.addf %add3A_1510, %mul3A_1613 : vector<16xf32>
        %mul3A_1615 = arith.constant 24 : i32
        %mul3A_1616 = arith.muli %scan3A_212, %mul3A_1615 : i32
        %add3A_1617 = arith.addi %add3A_211, %mul3A_1616 : i32
        %add3A_1618 = arith.constant 13 : i32
        %add3A_1619 = arith.addi %add3A_1617, %add3A_1618 : i32
        %get3A_1620 = arith.index_cast %add3A_1619 : i32 to index
        %get3A_1621 = arith.constant 64 : index
        %get3A_1622 = tpu.vector_load %arg8[%get3A_1620, %get3A_1621] {strides = array<i32>} : memref<768x128xf32, #tpu.memory_space<vmem>>, vector<1x16xf32>,
        %get3A_1623 = vector.shape_cast %get3A_1622 : vector<1x16xf32> to vector<16xf32>
        %max3A_1624 = arith.maximumf %max3A_1520, %get3A_1623 : vector<16xf32>
        %add3A_1625 = arith.addf %add3A_1521, %get3A_1623 : vector<16xf32>
        %mul3A_1626 = arith.mulf %get3A_1623, %get3A_1623 : vector<16xf32>
        %add3A_1627 = arith.addf %add3A_1523, %mul3A_1626 : vector<16xf32>
        %mul3A_1628 = arith.constant 24 : i32
        %mul3A_1629 = arith.muli %scan3A_212, %mul3A_1628 : i32
        %add3A_1630 = arith.addi %add3A_211, %mul3A_1629 : i32
        %add3A_1631 = arith.constant 13 : i32
        %add3A_1632 = arith.addi %add3A_1630, %add3A_1631 : i32
        %get3A_1633 = arith.index_cast %add3A_1632 : i32 to index
        %get3A_1634 = arith.constant 80 : index
        %get3A_1635 = tpu.vector_load %arg8[%get3A_1633, %get3A_1634] {strides = array<i32>} : memref<768x128xf32, #tpu.memory_space<vmem>>, vector<1x16xf32>,
        %get3A_1636 = vector.shape_cast %get3A_1635 : vector<1x16xf32> to vector<16xf32>
        %max3A_1637 = arith.maximumf %max3A_1533, %get3A_1636 : vector<16xf32>
        %add3A_1638 = arith.addf %add3A_1534, %get3A_1636 : vector<16xf32>
        %mul3A_1639 = arith.mulf %get3A_1636, %get3A_1636 : vector<16xf32>
        %add3A_1640 = arith.addf %add3A_1536, %mul3A_1639 : vector<16xf32>
        %mul3A_1641 = arith.constant 24 : i32
        %mul3A_1642 = arith.muli %scan3A_212, %mul3A_1641 : i32
        %add3A_1643 = arith.addi %add3A_211, %mul3A_1642 : i32
        %add3A_1644 = arith.constant 13 : i32
        %add3A_1645 = arith.addi %add3A_1643, %add3A_1644 : i32
        %get3A_1646 = arith.index_cast %add3A_1645 : i32 to index
        %get3A_1647 = arith.constant 96 : index
        %get3A_1648 = tpu.vector_load %arg8[%get3A_1646, %get3A_1647] {strides = array<i32>} : memref<768x128xf32, #tpu.memory_space<vmem>>, vector<1x16xf32>,
        %get3A_1649 = vector.shape_cast %get3A_1648 : vector<1x16xf32> to vector<16xf32>
        %max3A_1650 = arith.maximumf %max3A_1546, %get3A_1649 : vector<16xf32>
        %add3A_1651 = arith.addf %add3A_1547, %get3A_1649 : vector<16xf32>
        %mul3A_1652 = arith.mulf %get3A_1649, %get3A_1649 : vector<16xf32>
        %add3A_1653 = arith.addf %add3A_1549, %mul3A_1652 : vector<16xf32>
        %mul3A_1654 = arith.constant 24 : i32
        %mul3A_1655 = arith.muli %scan3A_212, %mul3A_1654 : i32
        %add3A_1656 = arith.addi %add3A_211, %mul3A_1655 : i32
        %add3A_1657 = arith.constant 13 : i32
        %add3A_1658 = arith.addi %add3A_1656, %add3A_1657 : i32
        %get3A_1659 = arith.index_cast %add3A_1658 : i32 to index
        %get3A_1660 = arith.constant 112 : index
        %get3A_1661 = tpu.vector_load %arg8[%get3A_1659, %get3A_1660] {strides = array<i32>} : memref<768x128xf32, #tpu.memory_space<vmem>>, vector<1x16xf32>,
        %get3A_1662 = vector.shape_cast %get3A_1661 : vector<1x16xf32> to vector<16xf32>
        %max3A_1663 = arith.maximumf %max3A_1559, %get3A_1662 : vector<16xf32>
        %add3A_1664 = arith.addf %add3A_1560, %get3A_1662 : vector<16xf32>
        %mul3A_1665 = arith.mulf %get3A_1662, %get3A_1662 : vector<16xf32>
        %add3A_1666 = arith.addf %add3A_1562, %mul3A_1665 : vector<16xf32>
        %mul3A_1667 = arith.constant 24 : i32
        %mul3A_1668 = arith.muli %scan3A_212, %mul3A_1667 : i32
        %add3A_1669 = arith.addi %add3A_211, %mul3A_1668 : i32
        %add3A_1670 = arith.constant 14 : i32
        %add3A_1671 = arith.addi %add3A_1669, %add3A_1670 : i32
        %get3A_1672 = arith.index_cast %add3A_1671 : i32 to index
        %get3A_1673 = arith.constant 0 : index
        %get3A_1674 = tpu.vector_load %arg8[%get3A_1672, %get3A_1673] {strides = array<i32>} : memref<768x128xf32, #tpu.memory_space<vmem>>, vector<1x16xf32>,
        %get3A_1675 = vector.shape_cast %get3A_1674 : vector<1x16xf32> to vector<16xf32>
        %max3A_1676 = arith.maximumf %max3A_1572, %get3A_1675 : vector<16xf32>
        %add3A_1677 = arith.addf %add3A_1573, %get3A_1675 : vector<16xf32>
        %mul3A_1678 = arith.mulf %get3A_1675, %get3A_1675 : vector<16xf32>
        %add3A_1679 = arith.addf %add3A_1575, %mul3A_1678 : vector<16xf32>
        %mul3A_1680 = arith.constant 24 : i32
        %mul3A_1681 = arith.muli %scan3A_212, %mul3A_1680 : i32
        %add3A_1682 = arith.addi %add3A_211, %mul3A_1681 : i32
        %add3A_1683 = arith.constant 14 : i32
        %add3A_1684 = arith.addi %add3A_1682, %add3A_1683 : i32
        %get3A_1685 = arith.index_cast %add3A_1684 : i32 to index
        %get3A_1686 = arith.constant 16 : index
        %get3A_1687 = tpu.vector_load %arg8[%get3A_1685, %get3A_1686] {strides = array<i32>} : memref<768x128xf32, #tpu.memory_space<vmem>>, vector<1x16xf32>,
        %get3A_1688 = vector.shape_cast %get3A_1687 : vector<1x16xf32> to vector<16xf32>
        %max3A_1689 = arith.maximumf %max3A_1585, %get3A_1688 : vector<16xf32>
        %add3A_1690 = arith.addf %add3A_1586, %get3A_1688 : vector<16xf32>
        %mul3A_1691 = arith.mulf %get3A_1688, %get3A_1688 : vector<16xf32>
        %add3A_1692 = arith.addf %add3A_1588, %mul3A_1691 : vector<16xf32>
        %mul3A_1693 = arith.constant 24 : i32
        %mul3A_1694 = arith.muli %scan3A_212, %mul3A_1693 : i32
        %add3A_1695 = arith.addi %add3A_211, %mul3A_1694 : i32
        %add3A_1696 = arith.constant 14 : i32
        %add3A_1697 = arith.addi %add3A_1695, %add3A_1696 : i32
        %get3A_1698 = arith.index_cast %add3A_1697 : i32 to index
        %get3A_1699 = arith.constant 32 : index
        %get3A_1700 = tpu.vector_load %arg8[%get3A_1698, %get3A_1699] {strides = array<i32>} : memref<768x128xf32, #tpu.memory_space<vmem>>, vector<1x16xf32>,
        %get3A_1701 = vector.shape_cast %get3A_1700 : vector<1x16xf32> to vector<16xf32>
        %max3A_1702 = arith.maximumf %max3A_1598, %get3A_1701 : vector<16xf32>
        %add3A_1703 = arith.addf %add3A_1599, %get3A_1701 : vector<16xf32>
        %mul3A_1704 = arith.mulf %get3A_1701, %get3A_1701 : vector<16xf32>
        %add3A_1705 = arith.addf %add3A_1601, %mul3A_1704 : vector<16xf32>
        %mul3A_1706 = arith.constant 24 : i32
        %mul3A_1707 = arith.muli %scan3A_212, %mul3A_1706 : i32
        %add3A_1708 = arith.addi %add3A_211, %mul3A_1707 : i32
        %add3A_1709 = arith.constant 14 : i32
        %add3A_1710 = arith.addi %add3A_1708, %add3A_1709 : i32
        %get3A_1711 = arith.index_cast %add3A_1710 : i32 to index
        %get3A_1712 = arith.constant 48 : index
        %get3A_1713 = tpu.vector_load %arg8[%get3A_1711, %get3A_1712] {strides = array<i32>} : memref<768x128xf32, #tpu.memory_space<vmem>>, vector<1x16xf32>,
        %get3A_1714 = vector.shape_cast %get3A_1713 : vector<1x16xf32> to vector<16xf32>
        %max3A_1715 = arith.maximumf %max3A_1611, %get3A_1714 : vector<16xf32>
        %add3A_1716 = arith.addf %add3A_1612, %get3A_1714 : vector<16xf32>
        %mul3A_1717 = arith.mulf %get3A_1714, %get3A_1714 : vector<16xf32>
        %add3A_1718 = arith.addf %add3A_1614, %mul3A_1717 : vector<16xf32>
        %mul3A_1719 = arith.constant 24 : i32
        %mul3A_1720 = arith.muli %scan3A_212, %mul3A_1719 : i32
        %add3A_1721 = arith.addi %add3A_211, %mul3A_1720 : i32
        %add3A_1722 = arith.constant 14 : i32
        %add3A_1723 = arith.addi %add3A_1721, %add3A_1722 : i32
        %get3A_1724 = arith.index_cast %add3A_1723 : i32 to index
        %get3A_1725 = arith.constant 64 : index
        %get3A_1726 = tpu.vector_load %arg8[%get3A_1724, %get3A_1725] {strides = array<i32>} : memref<768x128xf32, #tpu.memory_space<vmem>>, vector<1x16xf32>,
        %get3A_1727 = vector.shape_cast %get3A_1726 : vector<1x16xf32> to vector<16xf32>
        %max3A_1728 = arith.maximumf %max3A_1624, %get3A_1727 : vector<16xf32>
        %add3A_1729 = arith.addf %add3A_1625, %get3A_1727 : vector<16xf32>
        %mul3A_1730 = arith.mulf %get3A_1727, %get3A_1727 : vector<16xf32>
        %add3A_1731 = arith.addf %add3A_1627, %mul3A_1730 : vector<16xf32>
        %mul3A_1732 = arith.constant 24 : i32
        %mul3A_1733 = arith.muli %scan3A_212, %mul3A_1732 : i32
        %add3A_1734 = arith.addi %add3A_211, %mul3A_1733 : i32
        %add3A_1735 = arith.constant 14 : i32
        %add3A_1736 = arith.addi %add3A_1734, %add3A_1735 : i32
        %get3A_1737 = arith.index_cast %add3A_1736 : i32 to index
        %get3A_1738 = arith.constant 80 : index
        %get3A_1739 = tpu.vector_load %arg8[%get3A_1737, %get3A_1738] {strides = array<i32>} : memref<768x128xf32, #tpu.memory_space<vmem>>, vector<1x16xf32>,
        %get3A_1740 = vector.shape_cast %get3A_1739 : vector<1x16xf32> to vector<16xf32>
        %max3A_1741 = arith.maximumf %max3A_1637, %get3A_1740 : vector<16xf32>
        %add3A_1742 = arith.addf %add3A_1638, %get3A_1740 : vector<16xf32>
        %mul3A_1743 = arith.mulf %get3A_1740, %get3A_1740 : vector<16xf32>
        %add3A_1744 = arith.addf %add3A_1640, %mul3A_1743 : vector<16xf32>
        %mul3A_1745 = arith.constant 24 : i32
        %mul3A_1746 = arith.muli %scan3A_212, %mul3A_1745 : i32
        %add3A_1747 = arith.addi %add3A_211, %mul3A_1746 : i32
        %add3A_1748 = arith.constant 14 : i32
        %add3A_1749 = arith.addi %add3A_1747, %add3A_1748 : i32
        %get3A_1750 = arith.index_cast %add3A_1749 : i32 to index
        %get3A_1751 = arith.constant 96 : index
        %get3A_1752 = tpu.vector_load %arg8[%get3A_1750, %get3A_1751] {strides = array<i32>} : memref<768x128xf32, #tpu.memory_space<vmem>>, vector<1x16xf32>,
        %get3A_1753 = vector.shape_cast %get3A_1752 : vector<1x16xf32> to vector<16xf32>
        %max3A_1754 = arith.maximumf %max3A_1650, %get3A_1753 : vector<16xf32>
        %add3A_1755 = arith.addf %add3A_1651, %get3A_1753 : vector<16xf32>
        %mul3A_1756 = arith.mulf %get3A_1753, %get3A_1753 : vector<16xf32>
        %add3A_1757 = arith.addf %add3A_1653, %mul3A_1756 : vector<16xf32>
        %mul3A_1758 = arith.constant 24 : i32
        %mul3A_1759 = arith.muli %scan3A_212, %mul3A_1758 : i32
        %add3A_1760 = arith.addi %add3A_211, %mul3A_1759 : i32
        %add3A_1761 = arith.constant 14 : i32
        %add3A_1762 = arith.addi %add3A_1760, %add3A_1761 : i32
        %get3A_1763 = arith.index_cast %add3A_1762 : i32 to index
        %get3A_1764 = arith.constant 112 : index
        %get3A_1765 = tpu.vector_load %arg8[%get3A_1763, %get3A_1764] {strides = array<i32>} : memref<768x128xf32, #tpu.memory_space<vmem>>, vector<1x16xf32>,
        %get3A_1766 = vector.shape_cast %get3A_1765 : vector<1x16xf32> to vector<16xf32>
        %max3A_1767 = arith.maximumf %max3A_1663, %get3A_1766 : vector<16xf32>
        %add3A_1768 = arith.addf %add3A_1664, %get3A_1766 : vector<16xf32>
        %mul3A_1769 = arith.mulf %get3A_1766, %get3A_1766 : vector<16xf32>
        %add3A_1770 = arith.addf %add3A_1666, %mul3A_1769 : vector<16xf32>
        %mul3A_1771 = arith.constant 24 : i32
        %mul3A_1772 = arith.muli %scan3A_212, %mul3A_1771 : i32
        %add3A_1773 = arith.addi %add3A_211, %mul3A_1772 : i32
        %add3A_1774 = arith.constant 15 : i32
        %add3A_1775 = arith.addi %add3A_1773, %add3A_1774 : i32
        %get3A_1776 = arith.index_cast %add3A_1775 : i32 to index
        %get3A_1777 = arith.constant 0 : index
        %get3A_1778 = tpu.vector_load %arg8[%get3A_1776, %get3A_1777] {strides = array<i32>} : memref<768x128xf32, #tpu.memory_space<vmem>>, vector<1x16xf32>,
        %get3A_1779 = vector.shape_cast %get3A_1778 : vector<1x16xf32> to vector<16xf32>
        %max3A_1780 = arith.maximumf %max3A_1676, %get3A_1779 : vector<16xf32>
        %add3A_1781 = arith.addf %add3A_1677, %get3A_1779 : vector<16xf32>
        %mul3A_1782 = arith.mulf %get3A_1779, %get3A_1779 : vector<16xf32>
        %add3A_1783 = arith.addf %add3A_1679, %mul3A_1782 : vector<16xf32>
        %mul3A_1784 = arith.constant 24 : i32
        %mul3A_1785 = arith.muli %scan3A_212, %mul3A_1784 : i32
        %add3A_1786 = arith.addi %add3A_211, %mul3A_1785 : i32
        %add3A_1787 = arith.constant 15 : i32
        %add3A_1788 = arith.addi %add3A_1786, %add3A_1787 : i32
        %get3A_1789 = arith.index_cast %add3A_1788 : i32 to index
        %get3A_1790 = arith.constant 16 : index
        %get3A_1791 = tpu.vector_load %arg8[%get3A_1789, %get3A_1790] {strides = array<i32>} : memref<768x128xf32, #tpu.memory_space<vmem>>, vector<1x16xf32>,
        %get3A_1792 = vector.shape_cast %get3A_1791 : vector<1x16xf32> to vector<16xf32>
        %max3A_1793 = arith.maximumf %max3A_1689, %get3A_1792 : vector<16xf32>
        %add3A_1794 = arith.addf %add3A_1690, %get3A_1792 : vector<16xf32>
        %mul3A_1795 = arith.mulf %get3A_1792, %get3A_1792 : vector<16xf32>
        %add3A_1796 = arith.addf %add3A_1692, %mul3A_1795 : vector<16xf32>
        %mul3A_1797 = arith.constant 24 : i32
        %mul3A_1798 = arith.muli %scan3A_212, %mul3A_1797 : i32
        %add3A_1799 = arith.addi %add3A_211, %mul3A_1798 : i32
        %add3A_1800 = arith.constant 15 : i32
        %add3A_1801 = arith.addi %add3A_1799, %add3A_1800 : i32
        %get3A_1802 = arith.index_cast %add3A_1801 : i32 to index
        %get3A_1803 = arith.constant 32 : index
        %get3A_1804 = tpu.vector_load %arg8[%get3A_1802, %get3A_1803] {strides = array<i32>} : memref<768x128xf32, #tpu.memory_space<vmem>>, vector<1x16xf32>,
        %get3A_1805 = vector.shape_cast %get3A_1804 : vector<1x16xf32> to vector<16xf32>
        %max3A_1806 = arith.maximumf %max3A_1702, %get3A_1805 : vector<16xf32>
        %add3A_1807 = arith.addf %add3A_1703, %get3A_1805 : vector<16xf32>
        %mul3A_1808 = arith.mulf %get3A_1805, %get3A_1805 : vector<16xf32>
        %add3A_1809 = arith.addf %add3A_1705, %mul3A_1808 : vector<16xf32>
        %mul3A_1810 = arith.constant 24 : i32
        %mul3A_1811 = arith.muli %scan3A_212, %mul3A_1810 : i32
        %add3A_1812 = arith.addi %add3A_211, %mul3A_1811 : i32
        %add3A_1813 = arith.constant 15 : i32
        %add3A_1814 = arith.addi %add3A_1812, %add3A_1813 : i32
        %get3A_1815 = arith.index_cast %add3A_1814 : i32 to index
        %get3A_1816 = arith.constant 48 : index
        %get3A_1817 = tpu.vector_load %arg8[%get3A_1815, %get3A_1816] {strides = array<i32>} : memref<768x128xf32, #tpu.memory_space<vmem>>, vector<1x16xf32>,
        %get3A_1818 = vector.shape_cast %get3A_1817 : vector<1x16xf32> to vector<16xf32>
        %max3A_1819 = arith.maximumf %max3A_1715, %get3A_1818 : vector<16xf32>
        %add3A_1820 = arith.addf %add3A_1716, %get3A_1818 : vector<16xf32>
        %mul3A_1821 = arith.mulf %get3A_1818, %get3A_1818 : vector<16xf32>
        %add3A_1822 = arith.addf %add3A_1718, %mul3A_1821 : vector<16xf32>
        %mul3A_1823 = arith.constant 24 : i32
        %mul3A_1824 = arith.muli %scan3A_212, %mul3A_1823 : i32
        %add3A_1825 = arith.addi %add3A_211, %mul3A_1824 : i32
        %add3A_1826 = arith.constant 15 : i32
        %add3A_1827 = arith.addi %add3A_1825, %add3A_1826 : i32
        %get3A_1828 = arith.index_cast %add3A_1827 : i32 to index
        %get3A_1829 = arith.constant 64 : index
        %get3A_1830 = tpu.vector_load %arg8[%get3A_1828, %get3A_1829] {strides = array<i32>} : memref<768x128xf32, #tpu.memory_space<vmem>>, vector<1x16xf32>,
        %get3A_1831 = vector.shape_cast %get3A_1830 : vector<1x16xf32> to vector<16xf32>
        %max3A_1832 = arith.maximumf %max3A_1728, %get3A_1831 : vector<16xf32>
        %add3A_1833 = arith.addf %add3A_1729, %get3A_1831 : vector<16xf32>
        %mul3A_1834 = arith.mulf %get3A_1831, %get3A_1831 : vector<16xf32>
        %add3A_1835 = arith.addf %add3A_1731, %mul3A_1834 : vector<16xf32>
        %mul3A_1836 = arith.constant 24 : i32
        %mul3A_1837 = arith.muli %scan3A_212, %mul3A_1836 : i32
        %add3A_1838 = arith.addi %add3A_211, %mul3A_1837 : i32
        %add3A_1839 = arith.constant 15 : i32
        %add3A_1840 = arith.addi %add3A_1838, %add3A_1839 : i32
        %get3A_1841 = arith.index_cast %add3A_1840 : i32 to index
        %get3A_1842 = arith.constant 80 : index
        %get3A_1843 = tpu.vector_load %arg8[%get3A_1841, %get3A_1842] {strides = array<i32>} : memref<768x128xf32, #tpu.memory_space<vmem>>, vector<1x16xf32>,
        %get3A_1844 = vector.shape_cast %get3A_1843 : vector<1x16xf32> to vector<16xf32>
        %max3A_1845 = arith.maximumf %max3A_1741, %get3A_1844 : vector<16xf32>
        %add3A_1846 = arith.addf %add3A_1742, %get3A_1844 : vector<16xf32>
        %mul3A_1847 = arith.mulf %get3A_1844, %get3A_1844 : vector<16xf32>
        %add3A_1848 = arith.addf %add3A_1744, %mul3A_1847 : vector<16xf32>
        %mul3A_1849 = arith.constant 24 : i32
        %mul3A_1850 = arith.muli %scan3A_212, %mul3A_1849 : i32
        %add3A_1851 = arith.addi %add3A_211, %mul3A_1850 : i32
        %add3A_1852 = arith.constant 15 : i32
        %add3A_1853 = arith.addi %add3A_1851, %add3A_1852 : i32
        %get3A_1854 = arith.index_cast %add3A_1853 : i32 to index
        %get3A_1855 = arith.constant 96 : index
        %get3A_1856 = tpu.vector_load %arg8[%get3A_1854, %get3A_1855] {strides = array<i32>} : memref<768x128xf32, #tpu.memory_space<vmem>>, vector<1x16xf32>,
        %get3A_1857 = vector.shape_cast %get3A_1856 : vector<1x16xf32> to vector<16xf32>
        %max3A_1858 = arith.maximumf %max3A_1754, %get3A_1857 : vector<16xf32>
        %add3A_1859 = arith.addf %add3A_1755, %get3A_1857 : vector<16xf32>
        %mul3A_1860 = arith.mulf %get3A_1857, %get3A_1857 : vector<16xf32>
        %add3A_1861 = arith.addf %add3A_1757, %mul3A_1860 : vector<16xf32>
        %mul3A_1862 = arith.constant 24 : i32
        %mul3A_1863 = arith.muli %scan3A_212, %mul3A_1862 : i32
        %add3A_1864 = arith.addi %add3A_211, %mul3A_1863 : i32
        %add3A_1865 = arith.constant 15 : i32
        %add3A_1866 = arith.addi %add3A_1864, %add3A_1865 : i32
        %get3A_1867 = arith.index_cast %add3A_1866 : i32 to index
        %get3A_1868 = arith.constant 112 : index
        %get3A_1869 = tpu.vector_load %arg8[%get3A_1867, %get3A_1868] {strides = array<i32>} : memref<768x128xf32, #tpu.memory_space<vmem>>, vector<1x16xf32>,
        %get3A_1870 = vector.shape_cast %get3A_1869 : vector<1x16xf32> to vector<16xf32>
        %max3A_1871 = arith.maximumf %max3A_1767, %get3A_1870 : vector<16xf32>
        %add3A_1872 = arith.addf %add3A_1768, %get3A_1870 : vector<16xf32>
        %mul3A_1873 = arith.mulf %get3A_1870, %get3A_1870 : vector<16xf32>
        %add3A_1874 = arith.addf %add3A_1770, %mul3A_1873 : vector<16xf32>
        %mul3A_1875 = arith.constant 24 : i32
        %mul3A_1876 = arith.muli %scan3A_212, %mul3A_1875 : i32
        %add3A_1877 = arith.addi %add3A_211, %mul3A_1876 : i32
        %add3A_1878 = arith.constant 16 : i32
        %add3A_1879 = arith.addi %add3A_1877, %add3A_1878 : i32
        %get3A_1880 = arith.index_cast %add3A_1879 : i32 to index
        %get3A_1881 = arith.constant 0 : index
        %get3A_1882 = tpu.vector_load %arg8[%get3A_1880, %get3A_1881] {strides = array<i32>} : memref<768x128xf32, #tpu.memory_space<vmem>>, vector<1x16xf32>,
        %get3A_1883 = vector.shape_cast %get3A_1882 : vector<1x16xf32> to vector<16xf32>
        %max3A_1884 = arith.maximumf %max3A_1780, %get3A_1883 : vector<16xf32>
        %add3A_1885 = arith.addf %add3A_1781, %get3A_1883 : vector<16xf32>
        %mul3A_1886 = arith.mulf %get3A_1883, %get3A_1883 : vector<16xf32>
        %add3A_1887 = arith.addf %add3A_1783, %mul3A_1886 : vector<16xf32>
        %mul3A_1888 = arith.constant 24 : i32
        %mul3A_1889 = arith.muli %scan3A_212, %mul3A_1888 : i32
        %add3A_1890 = arith.addi %add3A_211, %mul3A_1889 : i32
        %add3A_1891 = arith.constant 16 : i32
        %add3A_1892 = arith.addi %add3A_1890, %add3A_1891 : i32
        %get3A_1893 = arith.index_cast %add3A_1892 : i32 to index
        %get3A_1894 = arith.constant 16 : index
        %get3A_1895 = tpu.vector_load %arg8[%get3A_1893, %get3A_1894] {strides = array<i32>} : memref<768x128xf32, #tpu.memory_space<vmem>>, vector<1x16xf32>,
        %get3A_1896 = vector.shape_cast %get3A_1895 : vector<1x16xf32> to vector<16xf32>
        %max3A_1897 = arith.maximumf %max3A_1793, %get3A_1896 : vector<16xf32>
        %add3A_1898 = arith.addf %add3A_1794, %get3A_1896 : vector<16xf32>
        %mul3A_1899 = arith.mulf %get3A_1896, %get3A_1896 : vector<16xf32>
        %add3A_1900 = arith.addf %add3A_1796, %mul3A_1899 : vector<16xf32>
        %mul3A_1901 = arith.constant 24 : i32
        %mul3A_1902 = arith.muli %scan3A_212, %mul3A_1901 : i32
        %add3A_1903 = arith.addi %add3A_211, %mul3A_1902 : i32
        %add3A_1904 = arith.constant 16 : i32
        %add3A_1905 = arith.addi %add3A_1903, %add3A_1904 : i32
        %get3A_1906 = arith.index_cast %add3A_1905 : i32 to index
        %get3A_1907 = arith.constant 32 : index
        %get3A_1908 = tpu.vector_load %arg8[%get3A_1906, %get3A_1907] {strides = array<i32>} : memref<768x128xf32, #tpu.memory_space<vmem>>, vector<1x16xf32>,
        %get3A_1909 = vector.shape_cast %get3A_1908 : vector<1x16xf32> to vector<16xf32>
        %max3A_1910 = arith.maximumf %max3A_1806, %get3A_1909 : vector<16xf32>
        %add3A_1911 = arith.addf %add3A_1807, %get3A_1909 : vector<16xf32>
        %mul3A_1912 = arith.mulf %get3A_1909, %get3A_1909 : vector<16xf32>
        %add3A_1913 = arith.addf %add3A_1809, %mul3A_1912 : vector<16xf32>
        %mul3A_1914 = arith.constant 24 : i32
        %mul3A_1915 = arith.muli %scan3A_212, %mul3A_1914 : i32
        %add3A_1916 = arith.addi %add3A_211, %mul3A_1915 : i32
        %add3A_1917 = arith.constant 16 : i32
        %add3A_1918 = arith.addi %add3A_1916, %add3A_1917 : i32
        %get3A_1919 = arith.index_cast %add3A_1918 : i32 to index
        %get3A_1920 = arith.constant 48 : index
        %get3A_1921 = tpu.vector_load %arg8[%get3A_1919, %get3A_1920] {strides = array<i32>} : memref<768x128xf32, #tpu.memory_space<vmem>>, vector<1x16xf32>,
        %get3A_1922 = vector.shape_cast %get3A_1921 : vector<1x16xf32> to vector<16xf32>
        %max3A_1923 = arith.maximumf %max3A_1819, %get3A_1922 : vector<16xf32>
        %add3A_1924 = arith.addf %add3A_1820, %get3A_1922 : vector<16xf32>
        %mul3A_1925 = arith.mulf %get3A_1922, %get3A_1922 : vector<16xf32>
        %add3A_1926 = arith.addf %add3A_1822, %mul3A_1925 : vector<16xf32>
        %mul3A_1927 = arith.constant 24 : i32
        %mul3A_1928 = arith.muli %scan3A_212, %mul3A_1927 : i32
        %add3A_1929 = arith.addi %add3A_211, %mul3A_1928 : i32
        %add3A_1930 = arith.constant 16 : i32
        %add3A_1931 = arith.addi %add3A_1929, %add3A_1930 : i32
        %get3A_1932 = arith.index_cast %add3A_1931 : i32 to index
        %get3A_1933 = arith.constant 64 : index
        %get3A_1934 = tpu.vector_load %arg8[%get3A_1932, %get3A_1933] {strides = array<i32>} : memref<768x128xf32, #tpu.memory_space<vmem>>, vector<1x16xf32>,
        %get3A_1935 = vector.shape_cast %get3A_1934 : vector<1x16xf32> to vector<16xf32>
        %max3A_1936 = arith.maximumf %max3A_1832, %get3A_1935 : vector<16xf32>
        %add3A_1937 = arith.addf %add3A_1833, %get3A_1935 : vector<16xf32>
        %mul3A_1938 = arith.mulf %get3A_1935, %get3A_1935 : vector<16xf32>
        %add3A_1939 = arith.addf %add3A_1835, %mul3A_1938 : vector<16xf32>
        %mul3A_1940 = arith.constant 24 : i32
        %mul3A_1941 = arith.muli %scan3A_212, %mul3A_1940 : i32
        %add3A_1942 = arith.addi %add3A_211, %mul3A_1941 : i32
        %add3A_1943 = arith.constant 16 : i32
        %add3A_1944 = arith.addi %add3A_1942, %add3A_1943 : i32
        %get3A_1945 = arith.index_cast %add3A_1944 : i32 to index
        %get3A_1946 = arith.constant 80 : index
        %get3A_1947 = tpu.vector_load %arg8[%get3A_1945, %get3A_1946] {strides = array<i32>} : memref<768x128xf32, #tpu.memory_space<vmem>>, vector<1x16xf32>,
        %get3A_1948 = vector.shape_cast %get3A_1947 : vector<1x16xf32> to vector<16xf32>
        %max3A_1949 = arith.maximumf %max3A_1845, %get3A_1948 : vector<16xf32>
        %add3A_1950 = arith.addf %add3A_1846, %get3A_1948 : vector<16xf32>
        %mul3A_1951 = arith.mulf %get3A_1948, %get3A_1948 : vector<16xf32>
        %add3A_1952 = arith.addf %add3A_1848, %mul3A_1951 : vector<16xf32>
        %mul3A_1953 = arith.constant 24 : i32
        %mul3A_1954 = arith.muli %scan3A_212, %mul3A_1953 : i32
        %add3A_1955 = arith.addi %add3A_211, %mul3A_1954 : i32
        %add3A_1956 = arith.constant 16 : i32
        %add3A_1957 = arith.addi %add3A_1955, %add3A_1956 : i32
        %get3A_1958 = arith.index_cast %add3A_1957 : i32 to index
        %get3A_1959 = arith.constant 96 : index
        %get3A_1960 = tpu.vector_load %arg8[%get3A_1958, %get3A_1959] {strides = array<i32>} : memref<768x128xf32, #tpu.memory_space<vmem>>, vector<1x16xf32>,
        %get3A_1961 = vector.shape_cast %get3A_1960 : vector<1x16xf32> to vector<16xf32>
        %max3A_1962 = arith.maximumf %max3A_1858, %get3A_1961 : vector<16xf32>
        %add3A_1963 = arith.addf %add3A_1859, %get3A_1961 : vector<16xf32>
        %mul3A_1964 = arith.mulf %get3A_1961, %get3A_1961 : vector<16xf32>
        %add3A_1965 = arith.addf %add3A_1861, %mul3A_1964 : vector<16xf32>
        %mul3A_1966 = arith.constant 24 : i32
        %mul3A_1967 = arith.muli %scan3A_212, %mul3A_1966 : i32
        %add3A_1968 = arith.addi %add3A_211, %mul3A_1967 : i32
        %add3A_1969 = arith.constant 16 : i32
        %add3A_1970 = arith.addi %add3A_1968, %add3A_1969 : i32
        %get3A_1971 = arith.index_cast %add3A_1970 : i32 to index
        %get3A_1972 = arith.constant 112 : index
        %get3A_1973 = tpu.vector_load %arg8[%get3A_1971, %get3A_1972] {strides = array<i32>} : memref<768x128xf32, #tpu.memory_space<vmem>>, vector<1x16xf32>,
        %get3A_1974 = vector.shape_cast %get3A_1973 : vector<1x16xf32> to vector<16xf32>
        %max3A_1975 = arith.maximumf %max3A_1871, %get3A_1974 : vector<16xf32>
        %add3A_1976 = arith.addf %add3A_1872, %get3A_1974 : vector<16xf32>
        %mul3A_1977 = arith.mulf %get3A_1974, %get3A_1974 : vector<16xf32>
        %add3A_1978 = arith.addf %add3A_1874, %mul3A_1977 : vector<16xf32>
        %mul3A_1979 = arith.constant 24 : i32
        %mul3A_1980 = arith.muli %scan3A_212, %mul3A_1979 : i32
        %add3A_1981 = arith.addi %add3A_211, %mul3A_1980 : i32
        %add3A_1982 = arith.constant 17 : i32
        %add3A_1983 = arith.addi %add3A_1981, %add3A_1982 : i32
        %get3A_1984 = arith.index_cast %add3A_1983 : i32 to index
        %get3A_1985 = arith.constant 0 : index
        %get3A_1986 = tpu.vector_load %arg8[%get3A_1984, %get3A_1985] {strides = array<i32>} : memref<768x128xf32, #tpu.memory_space<vmem>>, vector<1x16xf32>,
        %get3A_1987 = vector.shape_cast %get3A_1986 : vector<1x16xf32> to vector<16xf32>
        %max3A_1988 = arith.maximumf %max3A_1884, %get3A_1987 : vector<16xf32>
        %add3A_1989 = arith.addf %add3A_1885, %get3A_1987 : vector<16xf32>
        %mul3A_1990 = arith.mulf %get3A_1987, %get3A_1987 : vector<16xf32>
        %add3A_1991 = arith.addf %add3A_1887, %mul3A_1990 : vector<16xf32>
        %mul3A_1992 = arith.constant 24 : i32
        %mul3A_1993 = arith.muli %scan3A_212, %mul3A_1992 : i32
        %add3A_1994 = arith.addi %add3A_211, %mul3A_1993 : i32
        %add3A_1995 = arith.constant 17 : i32
        %add3A_1996 = arith.addi %add3A_1994, %add3A_1995 : i32
        %get3A_1997 = arith.index_cast %add3A_1996 : i32 to index
        %get3A_1998 = arith.constant 16 : index
        %get3A_1999 = tpu.vector_load %arg8[%get3A_1997, %get3A_1998] {strides = array<i32>} : memref<768x128xf32, #tpu.memory_space<vmem>>, vector<1x16xf32>,
        %get3A_2000 = vector.shape_cast %get3A_1999 : vector<1x16xf32> to vector<16xf32>
        %max3A_2001 = arith.maximumf %max3A_1897, %get3A_2000 : vector<16xf32>
        %add3A_2002 = arith.addf %add3A_1898, %get3A_2000 : vector<16xf32>
        %mul3A_2003 = arith.mulf %get3A_2000, %get3A_2000 : vector<16xf32>
        %add3A_2004 = arith.addf %add3A_1900, %mul3A_2003 : vector<16xf32>
        %mul3A_2005 = arith.constant 24 : i32
        %mul3A_2006 = arith.muli %scan3A_212, %mul3A_2005 : i32
        %add3A_2007 = arith.addi %add3A_211, %mul3A_2006 : i32
        %add3A_2008 = arith.constant 17 : i32
        %add3A_2009 = arith.addi %add3A_2007, %add3A_2008 : i32
        %get3A_2010 = arith.index_cast %add3A_2009 : i32 to index
        %get3A_2011 = arith.constant 32 : index
        %get3A_2012 = tpu.vector_load %arg8[%get3A_2010, %get3A_2011] {strides = array<i32>} : memref<768x128xf32, #tpu.memory_space<vmem>>, vector<1x16xf32>,
        %get3A_2013 = vector.shape_cast %get3A_2012 : vector<1x16xf32> to vector<16xf32>
        %max3A_2014 = arith.maximumf %max3A_1910, %get3A_2013 : vector<16xf32>
        %add3A_2015 = arith.addf %add3A_1911, %get3A_2013 : vector<16xf32>
        %mul3A_2016 = arith.mulf %get3A_2013, %get3A_2013 : vector<16xf32>
        %add3A_2017 = arith.addf %add3A_1913, %mul3A_2016 : vector<16xf32>
        %mul3A_2018 = arith.constant 24 : i32
        %mul3A_2019 = arith.muli %scan3A_212, %mul3A_2018 : i32
        %add3A_2020 = arith.addi %add3A_211, %mul3A_2019 : i32
        %add3A_2021 = arith.constant 17 : i32
        %add3A_2022 = arith.addi %add3A_2020, %add3A_2021 : i32
        %get3A_2023 = arith.index_cast %add3A_2022 : i32 to index
        %get3A_2024 = arith.constant 48 : index
        %get3A_2025 = tpu.vector_load %arg8[%get3A_2023, %get3A_2024] {strides = array<i32>} : memref<768x128xf32, #tpu.memory_space<vmem>>, vector<1x16xf32>,
        %get3A_2026 = vector.shape_cast %get3A_2025 : vector<1x16xf32> to vector<16xf32>
        %max3A_2027 = arith.maximumf %max3A_1923, %get3A_2026 : vector<16xf32>
        %add3A_2028 = arith.addf %add3A_1924, %get3A_2026 : vector<16xf32>
        %mul3A_2029 = arith.mulf %get3A_2026, %get3A_2026 : vector<16xf32>
        %add3A_2030 = arith.addf %add3A_1926, %mul3A_2029 : vector<16xf32>
        %mul3A_2031 = arith.constant 24 : i32
        %mul3A_2032 = arith.muli %scan3A_212, %mul3A_2031 : i32
        %add3A_2033 = arith.addi %add3A_211, %mul3A_2032 : i32
        %add3A_2034 = arith.constant 17 : i32
        %add3A_2035 = arith.addi %add3A_2033, %add3A_2034 : i32
        %get3A_2036 = arith.index_cast %add3A_2035 : i32 to index
        %get3A_2037 = arith.constant 64 : index
        %get3A_2038 = tpu.vector_load %arg8[%get3A_2036, %get3A_2037] {strides = array<i32>} : memref<768x128xf32, #tpu.memory_space<vmem>>, vector<1x16xf32>,
        %get3A_2039 = vector.shape_cast %get3A_2038 : vector<1x16xf32> to vector<16xf32>
        %max3A_2040 = arith.maximumf %max3A_1936, %get3A_2039 : vector<16xf32>
        %add3A_2041 = arith.addf %add3A_1937, %get3A_2039 : vector<16xf32>
        %mul3A_2042 = arith.mulf %get3A_2039, %get3A_2039 : vector<16xf32>
        %add3A_2043 = arith.addf %add3A_1939, %mul3A_2042 : vector<16xf32>
        %mul3A_2044 = arith.constant 24 : i32
        %mul3A_2045 = arith.muli %scan3A_212, %mul3A_2044 : i32
        %add3A_2046 = arith.addi %add3A_211, %mul3A_2045 : i32
        %add3A_2047 = arith.constant 17 : i32
        %add3A_2048 = arith.addi %add3A_2046, %add3A_2047 : i32
        %get3A_2049 = arith.index_cast %add3A_2048 : i32 to index
        %get3A_2050 = arith.constant 80 : index
        %get3A_2051 = tpu.vector_load %arg8[%get3A_2049, %get3A_2050] {strides = array<i32>} : memref<768x128xf32, #tpu.memory_space<vmem>>, vector<1x16xf32>,
        %get3A_2052 = vector.shape_cast %get3A_2051 : vector<1x16xf32> to vector<16xf32>
        %max3A_2053 = arith.maximumf %max3A_1949, %get3A_2052 : vector<16xf32>
        %add3A_2054 = arith.addf %add3A_1950, %get3A_2052 : vector<16xf32>
        %mul3A_2055 = arith.mulf %get3A_2052, %get3A_2052 : vector<16xf32>
        %add3A_2056 = arith.addf %add3A_1952, %mul3A_2055 : vector<16xf32>
        %mul3A_2057 = arith.constant 24 : i32
        %mul3A_2058 = arith.muli %scan3A_212, %mul3A_2057 : i32
        %add3A_2059 = arith.addi %add3A_211, %mul3A_2058 : i32
        %add3A_2060 = arith.constant 17 : i32
        %add3A_2061 = arith.addi %add3A_2059, %add3A_2060 : i32
        %get3A_2062 = arith.index_cast %add3A_2061 : i32 to index
        %get3A_2063 = arith.constant 96 : index
        %get3A_2064 = tpu.vector_load %arg8[%get3A_2062, %get3A_2063] {strides = array<i32>} : memref<768x128xf32, #tpu.memory_space<vmem>>, vector<1x16xf32>,
        %get3A_2065 = vector.shape_cast %get3A_2064 : vector<1x16xf32> to vector<16xf32>
        %max3A_2066 = arith.maximumf %max3A_1962, %get3A_2065 : vector<16xf32>
        %add3A_2067 = arith.addf %add3A_1963, %get3A_2065 : vector<16xf32>
        %mul3A_2068 = arith.mulf %get3A_2065, %get3A_2065 : vector<16xf32>
        %add3A_2069 = arith.addf %add3A_1965, %mul3A_2068 : vector<16xf32>
        %mul3A_2070 = arith.constant 24 : i32
        %mul3A_2071 = arith.muli %scan3A_212, %mul3A_2070 : i32
        %add3A_2072 = arith.addi %add3A_211, %mul3A_2071 : i32
        %add3A_2073 = arith.constant 17 : i32
        %add3A_2074 = arith.addi %add3A_2072, %add3A_2073 : i32
        %get3A_2075 = arith.index_cast %add3A_2074 : i32 to index
        %get3A_2076 = arith.constant 112 : index
        %get3A_2077 = tpu.vector_load %arg8[%get3A_2075, %get3A_2076] {strides = array<i32>} : memref<768x128xf32, #tpu.memory_space<vmem>>, vector<1x16xf32>,
        %get3A_2078 = vector.shape_cast %get3A_2077 : vector<1x16xf32> to vector<16xf32>
        %max3A_2079 = arith.maximumf %max3A_1975, %get3A_2078 : vector<16xf32>
        %add3A_2080 = arith.addf %add3A_1976, %get3A_2078 : vector<16xf32>
        %mul3A_2081 = arith.mulf %get3A_2078, %get3A_2078 : vector<16xf32>
        %add3A_2082 = arith.addf %add3A_1978, %mul3A_2081 : vector<16xf32>
        %mul3A_2083 = arith.constant 24 : i32
        %mul3A_2084 = arith.muli %scan3A_212, %mul3A_2083 : i32
        %add3A_2085 = arith.addi %add3A_211, %mul3A_2084 : i32
        %add3A_2086 = arith.constant 18 : i32
        %add3A_2087 = arith.addi %add3A_2085, %add3A_2086 : i32
        %get3A_2088 = arith.index_cast %add3A_2087 : i32 to index
        %get3A_2089 = arith.constant 0 : index
        %get3A_2090 = tpu.vector_load %arg8[%get3A_2088, %get3A_2089] {strides = array<i32>} : memref<768x128xf32, #tpu.memory_space<vmem>>, vector<1x16xf32>,
        %get3A_2091 = vector.shape_cast %get3A_2090 : vector<1x16xf32> to vector<16xf32>
        %max3A_2092 = arith.maximumf %max3A_1988, %get3A_2091 : vector<16xf32>
        %add3A_2093 = arith.addf %add3A_1989, %get3A_2091 : vector<16xf32>
        %mul3A_2094 = arith.mulf %get3A_2091, %get3A_2091 : vector<16xf32>
        %add3A_2095 = arith.addf %add3A_1991, %mul3A_2094 : vector<16xf32>
        %mul3A_2096 = arith.constant 24 : i32
        %mul3A_2097 = arith.muli %scan3A_212, %mul3A_2096 : i32
        %add3A_2098 = arith.addi %add3A_211, %mul3A_2097 : i32
        %add3A_2099 = arith.constant 18 : i32
        %add3A_2100 = arith.addi %add3A_2098, %add3A_2099 : i32
        %get3A_2101 = arith.index_cast %add3A_2100 : i32 to index
        %get3A_2102 = arith.constant 16 : index
        %get3A_2103 = tpu.vector_load %arg8[%get3A_2101, %get3A_2102] {strides = array<i32>} : memref<768x128xf32, #tpu.memory_space<vmem>>, vector<1x16xf32>,
        %get3A_2104 = vector.shape_cast %get3A_2103 : vector<1x16xf32> to vector<16xf32>
        %max3A_2105 = arith.maximumf %max3A_2001, %get3A_2104 : vector<16xf32>
        %add3A_2106 = arith.addf %add3A_2002, %get3A_2104 : vector<16xf32>
        %mul3A_2107 = arith.mulf %get3A_2104, %get3A_2104 : vector<16xf32>
        %add3A_2108 = arith.addf %add3A_2004, %mul3A_2107 : vector<16xf32>
        %mul3A_2109 = arith.constant 24 : i32
        %mul3A_2110 = arith.muli %scan3A_212, %mul3A_2109 : i32
        %add3A_2111 = arith.addi %add3A_211, %mul3A_2110 : i32
        %add3A_2112 = arith.constant 18 : i32
        %add3A_2113 = arith.addi %add3A_2111, %add3A_2112 : i32
        %get3A_2114 = arith.index_cast %add3A_2113 : i32 to index
        %get3A_2115 = arith.constant 32 : index
        %get3A_2116 = tpu.vector_load %arg8[%get3A_2114, %get3A_2115] {strides = array<i32>} : memref<768x128xf32, #tpu.memory_space<vmem>>, vector<1x16xf32>,
        %get3A_2117 = vector.shape_cast %get3A_2116 : vector<1x16xf32> to vector<16xf32>
        %max3A_2118 = arith.maximumf %max3A_2014, %get3A_2117 : vector<16xf32>
        %add3A_2119 = arith.addf %add3A_2015, %get3A_2117 : vector<16xf32>
        %mul3A_2120 = arith.mulf %get3A_2117, %get3A_2117 : vector<16xf32>
        %add3A_2121 = arith.addf %add3A_2017, %mul3A_2120 : vector<16xf32>
        %mul3A_2122 = arith.constant 24 : i32
        %mul3A_2123 = arith.muli %scan3A_212, %mul3A_2122 : i32
        %add3A_2124 = arith.addi %add3A_211, %mul3A_2123 : i32
        %add3A_2125 = arith.constant 18 : i32
        %add3A_2126 = arith.addi %add3A_2124, %add3A_2125 : i32
        %get3A_2127 = arith.index_cast %add3A_2126 : i32 to index
        %get3A_2128 = arith.constant 48 : index
        %get3A_2129 = tpu.vector_load %arg8[%get3A_2127, %get3A_2128] {strides = array<i32>} : memref<768x128xf32, #tpu.memory_space<vmem>>, vector<1x16xf32>,
        %get3A_2130 = vector.shape_cast %get3A_2129 : vector<1x16xf32> to vector<16xf32>
        %max3A_2131 = arith.maximumf %max3A_2027, %get3A_2130 : vector<16xf32>
        %add3A_2132 = arith.addf %add3A_2028, %get3A_2130 : vector<16xf32>
        %mul3A_2133 = arith.mulf %get3A_2130, %get3A_2130 : vector<16xf32>
        %add3A_2134 = arith.addf %add3A_2030, %mul3A_2133 : vector<16xf32>
        %mul3A_2135 = arith.constant 24 : i32
        %mul3A_2136 = arith.muli %scan3A_212, %mul3A_2135 : i32
        %add3A_2137 = arith.addi %add3A_211, %mul3A_2136 : i32
        %add3A_2138 = arith.constant 18 : i32
        %add3A_2139 = arith.addi %add3A_2137, %add3A_2138 : i32
        %get3A_2140 = arith.index_cast %add3A_2139 : i32 to index
        %get3A_2141 = arith.constant 64 : index
        %get3A_2142 = tpu.vector_load %arg8[%get3A_2140, %get3A_2141] {strides = array<i32>} : memref<768x128xf32, #tpu.memory_space<vmem>>, vector<1x16xf32>,
        %get3A_2143 = vector.shape_cast %get3A_2142 : vector<1x16xf32> to vector<16xf32>
        %max3A_2144 = arith.maximumf %max3A_2040, %get3A_2143 : vector<16xf32>
        %add3A_2145 = arith.addf %add3A_2041, %get3A_2143 : vector<16xf32>
        %mul3A_2146 = arith.mulf %get3A_2143, %get3A_2143 : vector<16xf32>
        %add3A_2147 = arith.addf %add3A_2043, %mul3A_2146 : vector<16xf32>
        %mul3A_2148 = arith.constant 24 : i32
        %mul3A_2149 = arith.muli %scan3A_212, %mul3A_2148 : i32
        %add3A_2150 = arith.addi %add3A_211, %mul3A_2149 : i32
        %add3A_2151 = arith.constant 18 : i32
        %add3A_2152 = arith.addi %add3A_2150, %add3A_2151 : i32
        %get3A_2153 = arith.index_cast %add3A_2152 : i32 to index
        %get3A_2154 = arith.constant 80 : index
        %get3A_2155 = tpu.vector_load %arg8[%get3A_2153, %get3A_2154] {strides = array<i32>} : memref<768x128xf32, #tpu.memory_space<vmem>>, vector<1x16xf32>,
        %get3A_2156 = vector.shape_cast %get3A_2155 : vector<1x16xf32> to vector<16xf32>
        %max3A_2157 = arith.maximumf %max3A_2053, %get3A_2156 : vector<16xf32>
        %add3A_2158 = arith.addf %add3A_2054, %get3A_2156 : vector<16xf32>
        %mul3A_2159 = arith.mulf %get3A_2156, %get3A_2156 : vector<16xf32>
        %add3A_2160 = arith.addf %add3A_2056, %mul3A_2159 : vector<16xf32>
        %mul3A_2161 = arith.constant 24 : i32
        %mul3A_2162 = arith.muli %scan3A_212, %mul3A_2161 : i32
        %add3A_2163 = arith.addi %add3A_211, %mul3A_2162 : i32
        %add3A_2164 = arith.constant 18 : i32
        %add3A_2165 = arith.addi %add3A_2163, %add3A_2164 : i32
        %get3A_2166 = arith.index_cast %add3A_2165 : i32 to index
        %get3A_2167 = arith.constant 96 : index
        %get3A_2168 = tpu.vector_load %arg8[%get3A_2166, %get3A_2167] {strides = array<i32>} : memref<768x128xf32, #tpu.memory_space<vmem>>, vector<1x16xf32>,
        %get3A_2169 = vector.shape_cast %get3A_2168 : vector<1x16xf32> to vector<16xf32>
        %max3A_2170 = arith.maximumf %max3A_2066, %get3A_2169 : vector<16xf32>
        %add3A_2171 = arith.addf %add3A_2067, %get3A_2169 : vector<16xf32>
        %mul3A_2172 = arith.mulf %get3A_2169, %get3A_2169 : vector<16xf32>
        %add3A_2173 = arith.addf %add3A_2069, %mul3A_2172 : vector<16xf32>
        %mul3A_2174 = arith.constant 24 : i32
        %mul3A_2175 = arith.muli %scan3A_212, %mul3A_2174 : i32
        %add3A_2176 = arith.addi %add3A_211, %mul3A_2175 : i32
        %add3A_2177 = arith.constant 18 : i32
        %add3A_2178 = arith.addi %add3A_2176, %add3A_2177 : i32
        %get3A_2179 = arith.index_cast %add3A_2178 : i32 to index
        %get3A_2180 = arith.constant 112 : index
        %get3A_2181 = tpu.vector_load %arg8[%get3A_2179, %get3A_2180] {strides = array<i32>} : memref<768x128xf32, #tpu.memory_space<vmem>>, vector<1x16xf32>,
        %get3A_2182 = vector.shape_cast %get3A_2181 : vector<1x16xf32> to vector<16xf32>
        %max3A_2183 = arith.maximumf %max3A_2079, %get3A_2182 : vector<16xf32>
        %add3A_2184 = arith.addf %add3A_2080, %get3A_2182 : vector<16xf32>
        %mul3A_2185 = arith.mulf %get3A_2182, %get3A_2182 : vector<16xf32>
        %add3A_2186 = arith.addf %add3A_2082, %mul3A_2185 : vector<16xf32>
        %mul3A_2187 = arith.constant 24 : i32
        %mul3A_2188 = arith.muli %scan3A_212, %mul3A_2187 : i32
        %add3A_2189 = arith.addi %add3A_211, %mul3A_2188 : i32
        %add3A_2190 = arith.constant 19 : i32
        %add3A_2191 = arith.addi %add3A_2189, %add3A_2190 : i32
        %get3A_2192 = arith.index_cast %add3A_2191 : i32 to index
        %get3A_2193 = arith.constant 0 : index
        %get3A_2194 = tpu.vector_load %arg8[%get3A_2192, %get3A_2193] {strides = array<i32>} : memref<768x128xf32, #tpu.memory_space<vmem>>, vector<1x16xf32>,
        %get3A_2195 = vector.shape_cast %get3A_2194 : vector<1x16xf32> to vector<16xf32>
        %max3A_2196 = arith.maximumf %max3A_2092, %get3A_2195 : vector<16xf32>
        %add3A_2197 = arith.addf %add3A_2093, %get3A_2195 : vector<16xf32>
        %mul3A_2198 = arith.mulf %get3A_2195, %get3A_2195 : vector<16xf32>
        %add3A_2199 = arith.addf %add3A_2095, %mul3A_2198 : vector<16xf32>
        %mul3A_2200 = arith.constant 24 : i32
        %mul3A_2201 = arith.muli %scan3A_212, %mul3A_2200 : i32
        %add3A_2202 = arith.addi %add3A_211, %mul3A_2201 : i32
        %add3A_2203 = arith.constant 19 : i32
        %add3A_2204 = arith.addi %add3A_2202, %add3A_2203 : i32
        %get3A_2205 = arith.index_cast %add3A_2204 : i32 to index
        %get3A_2206 = arith.constant 16 : index
        %get3A_2207 = tpu.vector_load %arg8[%get3A_2205, %get3A_2206] {strides = array<i32>} : memref<768x128xf32, #tpu.memory_space<vmem>>, vector<1x16xf32>,
        %get3A_2208 = vector.shape_cast %get3A_2207 : vector<1x16xf32> to vector<16xf32>
        %max3A_2209 = arith.maximumf %max3A_2105, %get3A_2208 : vector<16xf32>
        %add3A_2210 = arith.addf %add3A_2106, %get3A_2208 : vector<16xf32>
        %mul3A_2211 = arith.mulf %get3A_2208, %get3A_2208 : vector<16xf32>
        %add3A_2212 = arith.addf %add3A_2108, %mul3A_2211 : vector<16xf32>
        %mul3A_2213 = arith.constant 24 : i32
        %mul3A_2214 = arith.muli %scan3A_212, %mul3A_2213 : i32
        %add3A_2215 = arith.addi %add3A_211, %mul3A_2214 : i32
        %add3A_2216 = arith.constant 19 : i32
        %add3A_2217 = arith.addi %add3A_2215, %add3A_2216 : i32
        %get3A_2218 = arith.index_cast %add3A_2217 : i32 to index
        %get3A_2219 = arith.constant 32 : index
        %get3A_2220 = tpu.vector_load %arg8[%get3A_2218, %get3A_2219] {strides = array<i32>} : memref<768x128xf32, #tpu.memory_space<vmem>>, vector<1x16xf32>,
        %get3A_2221 = vector.shape_cast %get3A_2220 : vector<1x16xf32> to vector<16xf32>
        %max3A_2222 = arith.maximumf %max3A_2118, %get3A_2221 : vector<16xf32>
        %add3A_2223 = arith.addf %add3A_2119, %get3A_2221 : vector<16xf32>
        %mul3A_2224 = arith.mulf %get3A_2221, %get3A_2221 : vector<16xf32>
        %add3A_2225 = arith.addf %add3A_2121, %mul3A_2224 : vector<16xf32>
        %mul3A_2226 = arith.constant 24 : i32
        %mul3A_2227 = arith.muli %scan3A_212, %mul3A_2226 : i32
        %add3A_2228 = arith.addi %add3A_211, %mul3A_2227 : i32
        %add3A_2229 = arith.constant 19 : i32
        %add3A_2230 = arith.addi %add3A_2228, %add3A_2229 : i32
        %get3A_2231 = arith.index_cast %add3A_2230 : i32 to index
        %get3A_2232 = arith.constant 48 : index
        %get3A_2233 = tpu.vector_load %arg8[%get3A_2231, %get3A_2232] {strides = array<i32>} : memref<768x128xf32, #tpu.memory_space<vmem>>, vector<1x16xf32>,
        %get3A_2234 = vector.shape_cast %get3A_2233 : vector<1x16xf32> to vector<16xf32>
        %max3A_2235 = arith.maximumf %max3A_2131, %get3A_2234 : vector<16xf32>
        %add3A_2236 = arith.addf %add3A_2132, %get3A_2234 : vector<16xf32>
        %mul3A_2237 = arith.mulf %get3A_2234, %get3A_2234 : vector<16xf32>
        %add3A_2238 = arith.addf %add3A_2134, %mul3A_2237 : vector<16xf32>
        %mul3A_2239 = arith.constant 24 : i32
        %mul3A_2240 = arith.muli %scan3A_212, %mul3A_2239 : i32
        %add3A_2241 = arith.addi %add3A_211, %mul3A_2240 : i32
        %add3A_2242 = arith.constant 19 : i32
        %add3A_2243 = arith.addi %add3A_2241, %add3A_2242 : i32
        %get3A_2244 = arith.index_cast %add3A_2243 : i32 to index
        %get3A_2245 = arith.constant 64 : index
        %get3A_2246 = tpu.vector_load %arg8[%get3A_2244, %get3A_2245] {strides = array<i32>} : memref<768x128xf32, #tpu.memory_space<vmem>>, vector<1x16xf32>,
        %get3A_2247 = vector.shape_cast %get3A_2246 : vector<1x16xf32> to vector<16xf32>
        %max3A_2248 = arith.maximumf %max3A_2144, %get3A_2247 : vector<16xf32>
        %add3A_2249 = arith.addf %add3A_2145, %get3A_2247 : vector<16xf32>
        %mul3A_2250 = arith.mulf %get3A_2247, %get3A_2247 : vector<16xf32>
        %add3A_2251 = arith.addf %add3A_2147, %mul3A_2250 : vector<16xf32>
        %mul3A_2252 = arith.constant 24 : i32
        %mul3A_2253 = arith.muli %scan3A_212, %mul3A_2252 : i32
        %add3A_2254 = arith.addi %add3A_211, %mul3A_2253 : i32
        %add3A_2255 = arith.constant 19 : i32
        %add3A_2256 = arith.addi %add3A_2254, %add3A_2255 : i32
        %get3A_2257 = arith.index_cast %add3A_2256 : i32 to index
        %get3A_2258 = arith.constant 80 : index
        %get3A_2259 = tpu.vector_load %arg8[%get3A_2257, %get3A_2258] {strides = array<i32>} : memref<768x128xf32, #tpu.memory_space<vmem>>, vector<1x16xf32>,
        %get3A_2260 = vector.shape_cast %get3A_2259 : vector<1x16xf32> to vector<16xf32>
        %max3A_2261 = arith.maximumf %max3A_2157, %get3A_2260 : vector<16xf32>
        %add3A_2262 = arith.addf %add3A_2158, %get3A_2260 : vector<16xf32>
        %mul3A_2263 = arith.mulf %get3A_2260, %get3A_2260 : vector<16xf32>
        %add3A_2264 = arith.addf %add3A_2160, %mul3A_2263 : vector<16xf32>
        %mul3A_2265 = arith.constant 24 : i32
        %mul3A_2266 = arith.muli %scan3A_212, %mul3A_2265 : i32
        %add3A_2267 = arith.addi %add3A_211, %mul3A_2266 : i32
        %add3A_2268 = arith.constant 19 : i32
        %add3A_2269 = arith.addi %add3A_2267, %add3A_2268 : i32
        %get3A_2270 = arith.index_cast %add3A_2269 : i32 to index
        %get3A_2271 = arith.constant 96 : index
        %get3A_2272 = tpu.vector_load %arg8[%get3A_2270, %get3A_2271] {strides = array<i32>} : memref<768x128xf32, #tpu.memory_space<vmem>>, vector<1x16xf32>,
        %get3A_2273 = vector.shape_cast %get3A_2272 : vector<1x16xf32> to vector<16xf32>
        %max3A_2274 = arith.maximumf %max3A_2170, %get3A_2273 : vector<16xf32>
        %add3A_2275 = arith.addf %add3A_2171, %get3A_2273 : vector<16xf32>
        %mul3A_2276 = arith.mulf %get3A_2273, %get3A_2273 : vector<16xf32>
        %add3A_2277 = arith.addf %add3A_2173, %mul3A_2276 : vector<16xf32>
        %mul3A_2278 = arith.constant 24 : i32
        %mul3A_2279 = arith.muli %scan3A_212, %mul3A_2278 : i32
        %add3A_2280 = arith.addi %add3A_211, %mul3A_2279 : i32
        %add3A_2281 = arith.constant 19 : i32
        %add3A_2282 = arith.addi %add3A_2280, %add3A_2281 : i32
        %get3A_2283 = arith.index_cast %add3A_2282 : i32 to index
        %get3A_2284 = arith.constant 112 : index
        %get3A_2285 = tpu.vector_load %arg8[%get3A_2283, %get3A_2284] {strides = array<i32>} : memref<768x128xf32, #tpu.memory_space<vmem>>, vector<1x16xf32>,
        %get3A_2286 = vector.shape_cast %get3A_2285 : vector<1x16xf32> to vector<16xf32>
        %max3A_2287 = arith.maximumf %max3A_2183, %get3A_2286 : vector<16xf32>
        %add3A_2288 = arith.addf %add3A_2184, %get3A_2286 : vector<16xf32>
        %mul3A_2289 = arith.mulf %get3A_2286, %get3A_2286 : vector<16xf32>
        %add3A_2290 = arith.addf %add3A_2186, %mul3A_2289 : vector<16xf32>
        %mul3A_2291 = arith.constant 24 : i32
        %mul3A_2292 = arith.muli %scan3A_212, %mul3A_2291 : i32
        %add3A_2293 = arith.addi %add3A_211, %mul3A_2292 : i32
        %add3A_2294 = arith.constant 20 : i32
        %add3A_2295 = arith.addi %add3A_2293, %add3A_2294 : i32
        %get3A_2296 = arith.index_cast %add3A_2295 : i32 to index
        %get3A_2297 = arith.constant 0 : index
        %get3A_2298 = tpu.vector_load %arg8[%get3A_2296, %get3A_2297] {strides = array<i32>} : memref<768x128xf32, #tpu.memory_space<vmem>>, vector<1x16xf32>,
        %get3A_2299 = vector.shape_cast %get3A_2298 : vector<1x16xf32> to vector<16xf32>
        %max3A_2300 = arith.maximumf %max3A_2196, %get3A_2299 : vector<16xf32>
        %add3A_2301 = arith.addf %add3A_2197, %get3A_2299 : vector<16xf32>
        %mul3A_2302 = arith.mulf %get3A_2299, %get3A_2299 : vector<16xf32>
        %add3A_2303 = arith.addf %add3A_2199, %mul3A_2302 : vector<16xf32>
        %mul3A_2304 = arith.constant 24 : i32
        %mul3A_2305 = arith.muli %scan3A_212, %mul3A_2304 : i32
        %add3A_2306 = arith.addi %add3A_211, %mul3A_2305 : i32
        %add3A_2307 = arith.constant 20 : i32
        %add3A_2308 = arith.addi %add3A_2306, %add3A_2307 : i32
        %get3A_2309 = arith.index_cast %add3A_2308 : i32 to index
        %get3A_2310 = arith.constant 16 : index
        %get3A_2311 = tpu.vector_load %arg8[%get3A_2309, %get3A_2310] {strides = array<i32>} : memref<768x128xf32, #tpu.memory_space<vmem>>, vector<1x16xf32>,
        %get3A_2312 = vector.shape_cast %get3A_2311 : vector<1x16xf32> to vector<16xf32>
        %max3A_2313 = arith.maximumf %max3A_2209, %get3A_2312 : vector<16xf32>
        %add3A_2314 = arith.addf %add3A_2210, %get3A_2312 : vector<16xf32>
        %mul3A_2315 = arith.mulf %get3A_2312, %get3A_2312 : vector<16xf32>
        %add3A_2316 = arith.addf %add3A_2212, %mul3A_2315 : vector<16xf32>
        %mul3A_2317 = arith.constant 24 : i32
        %mul3A_2318 = arith.muli %scan3A_212, %mul3A_2317 : i32
        %add3A_2319 = arith.addi %add3A_211, %mul3A_2318 : i32
        %add3A_2320 = arith.constant 20 : i32
        %add3A_2321 = arith.addi %add3A_2319, %add3A_2320 : i32
        %get3A_2322 = arith.index_cast %add3A_2321 : i32 to index
        %get3A_2323 = arith.constant 32 : index
        %get3A_2324 = tpu.vector_load %arg8[%get3A_2322, %get3A_2323] {strides = array<i32>} : memref<768x128xf32, #tpu.memory_space<vmem>>, vector<1x16xf32>,
        %get3A_2325 = vector.shape_cast %get3A_2324 : vector<1x16xf32> to vector<16xf32>
        %max3A_2326 = arith.maximumf %max3A_2222, %get3A_2325 : vector<16xf32>
        %add3A_2327 = arith.addf %add3A_2223, %get3A_2325 : vector<16xf32>
        %mul3A_2328 = arith.mulf %get3A_2325, %get3A_2325 : vector<16xf32>
        %add3A_2329 = arith.addf %add3A_2225, %mul3A_2328 : vector<16xf32>
        %mul3A_2330 = arith.constant 24 : i32
        %mul3A_2331 = arith.muli %scan3A_212, %mul3A_2330 : i32
        %add3A_2332 = arith.addi %add3A_211, %mul3A_2331 : i32
        %add3A_2333 = arith.constant 20 : i32
        %add3A_2334 = arith.addi %add3A_2332, %add3A_2333 : i32
        %get3A_2335 = arith.index_cast %add3A_2334 : i32 to index
        %get3A_2336 = arith.constant 48 : index
        %get3A_2337 = tpu.vector_load %arg8[%get3A_2335, %get3A_2336] {strides = array<i32>} : memref<768x128xf32, #tpu.memory_space<vmem>>, vector<1x16xf32>,
        %get3A_2338 = vector.shape_cast %get3A_2337 : vector<1x16xf32> to vector<16xf32>
        %max3A_2339 = arith.maximumf %max3A_2235, %get3A_2338 : vector<16xf32>
        %add3A_2340 = arith.addf %add3A_2236, %get3A_2338 : vector<16xf32>
        %mul3A_2341 = arith.mulf %get3A_2338, %get3A_2338 : vector<16xf32>
        %add3A_2342 = arith.addf %add3A_2238, %mul3A_2341 : vector<16xf32>
        %mul3A_2343 = arith.constant 24 : i32
        %mul3A_2344 = arith.muli %scan3A_212, %mul3A_2343 : i32
        %add3A_2345 = arith.addi %add3A_211, %mul3A_2344 : i32
        %add3A_2346 = arith.constant 20 : i32
        %add3A_2347 = arith.addi %add3A_2345, %add3A_2346 : i32
        %get3A_2348 = arith.index_cast %add3A_2347 : i32 to index
        %get3A_2349 = arith.constant 64 : index
        %get3A_2350 = tpu.vector_load %arg8[%get3A_2348, %get3A_2349] {strides = array<i32>} : memref<768x128xf32, #tpu.memory_space<vmem>>, vector<1x16xf32>,
        %get3A_2351 = vector.shape_cast %get3A_2350 : vector<1x16xf32> to vector<16xf32>
        %max3A_2352 = arith.maximumf %max3A_2248, %get3A_2351 : vector<16xf32>
        %add3A_2353 = arith.addf %add3A_2249, %get3A_2351 : vector<16xf32>
        %mul3A_2354 = arith.mulf %get3A_2351, %get3A_2351 : vector<16xf32>
        %add3A_2355 = arith.addf %add3A_2251, %mul3A_2354 : vector<16xf32>
        %mul3A_2356 = arith.constant 24 : i32
        %mul3A_2357 = arith.muli %scan3A_212, %mul3A_2356 : i32
        %add3A_2358 = arith.addi %add3A_211, %mul3A_2357 : i32
        %add3A_2359 = arith.constant 20 : i32
        %add3A_2360 = arith.addi %add3A_2358, %add3A_2359 : i32
        %get3A_2361 = arith.index_cast %add3A_2360 : i32 to index
        %get3A_2362 = arith.constant 80 : index
        %get3A_2363 = tpu.vector_load %arg8[%get3A_2361, %get3A_2362] {strides = array<i32>} : memref<768x128xf32, #tpu.memory_space<vmem>>, vector<1x16xf32>,
        %get3A_2364 = vector.shape_cast %get3A_2363 : vector<1x16xf32> to vector<16xf32>
        %max3A_2365 = arith.maximumf %max3A_2261, %get3A_2364 : vector<16xf32>
        %add3A_2366 = arith.addf %add3A_2262, %get3A_2364 : vector<16xf32>
        %mul3A_2367 = arith.mulf %get3A_2364, %get3A_2364 : vector<16xf32>
        %add3A_2368 = arith.addf %add3A_2264, %mul3A_2367 : vector<16xf32>
        %mul3A_2369 = arith.constant 24 : i32
        %mul3A_2370 = arith.muli %scan3A_212, %mul3A_2369 : i32
        %add3A_2371 = arith.addi %add3A_211, %mul3A_2370 : i32
        %add3A_2372 = arith.constant 20 : i32
        %add3A_2373 = arith.addi %add3A_2371, %add3A_2372 : i32
        %get3A_2374 = arith.index_cast %add3A_2373 : i32 to index
        %get3A_2375 = arith.constant 96 : index
        %get3A_2376 = tpu.vector_load %arg8[%get3A_2374, %get3A_2375] {strides = array<i32>} : memref<768x128xf32, #tpu.memory_space<vmem>>, vector<1x16xf32>,
        %get3A_2377 = vector.shape_cast %get3A_2376 : vector<1x16xf32> to vector<16xf32>
        %max3A_2378 = arith.maximumf %max3A_2274, %get3A_2377 : vector<16xf32>
        %add3A_2379 = arith.addf %add3A_2275, %get3A_2377 : vector<16xf32>
        %mul3A_2380 = arith.mulf %get3A_2377, %get3A_2377 : vector<16xf32>
        %add3A_2381 = arith.addf %add3A_2277, %mul3A_2380 : vector<16xf32>
        %mul3A_2382 = arith.constant 24 : i32
        %mul3A_2383 = arith.muli %scan3A_212, %mul3A_2382 : i32
        %add3A_2384 = arith.addi %add3A_211, %mul3A_2383 : i32
        %add3A_2385 = arith.constant 20 : i32
        %add3A_2386 = arith.addi %add3A_2384, %add3A_2385 : i32
        %get3A_2387 = arith.index_cast %add3A_2386 : i32 to index
        %get3A_2388 = arith.constant 112 : index
        %get3A_2389 = tpu.vector_load %arg8[%get3A_2387, %get3A_2388] {strides = array<i32>} : memref<768x128xf32, #tpu.memory_space<vmem>>, vector<1x16xf32>,
        %get3A_2390 = vector.shape_cast %get3A_2389 : vector<1x16xf32> to vector<16xf32>
        %max3A_2391 = arith.maximumf %max3A_2287, %get3A_2390 : vector<16xf32>
        %add3A_2392 = arith.addf %add3A_2288, %get3A_2390 : vector<16xf32>
        %mul3A_2393 = arith.mulf %get3A_2390, %get3A_2390 : vector<16xf32>
        %add3A_2394 = arith.addf %add3A_2290, %mul3A_2393 : vector<16xf32>
        %mul3A_2395 = arith.constant 24 : i32
        %mul3A_2396 = arith.muli %scan3A_212, %mul3A_2395 : i32
        %add3A_2397 = arith.addi %add3A_211, %mul3A_2396 : i32
        %add3A_2398 = arith.constant 21 : i32
        %add3A_2399 = arith.addi %add3A_2397, %add3A_2398 : i32
        %get3A_2400 = arith.index_cast %add3A_2399 : i32 to index
        %get3A_2401 = arith.constant 0 : index
        %get3A_2402 = tpu.vector_load %arg8[%get3A_2400, %get3A_2401] {strides = array<i32>} : memref<768x128xf32, #tpu.memory_space<vmem>>, vector<1x16xf32>,
        %get3A_2403 = vector.shape_cast %get3A_2402 : vector<1x16xf32> to vector<16xf32>
        %max3A_2404 = arith.maximumf %max3A_2300, %get3A_2403 : vector<16xf32>
        %add3A_2405 = arith.addf %add3A_2301, %get3A_2403 : vector<16xf32>
        %mul3A_2406 = arith.mulf %get3A_2403, %get3A_2403 : vector<16xf32>
        %add3A_2407 = arith.addf %add3A_2303, %mul3A_2406 : vector<16xf32>
        %mul3A_2408 = arith.constant 24 : i32
        %mul3A_2409 = arith.muli %scan3A_212, %mul3A_2408 : i32
        %add3A_2410 = arith.addi %add3A_211, %mul3A_2409 : i32
        %add3A_2411 = arith.constant 21 : i32
        %add3A_2412 = arith.addi %add3A_2410, %add3A_2411 : i32
        %get3A_2413 = arith.index_cast %add3A_2412 : i32 to index
        %get3A_2414 = arith.constant 16 : index
        %get3A_2415 = tpu.vector_load %arg8[%get3A_2413, %get3A_2414] {strides = array<i32>} : memref<768x128xf32, #tpu.memory_space<vmem>>, vector<1x16xf32>,
        %get3A_2416 = vector.shape_cast %get3A_2415 : vector<1x16xf32> to vector<16xf32>
        %max3A_2417 = arith.maximumf %max3A_2313, %get3A_2416 : vector<16xf32>
        %add3A_2418 = arith.addf %add3A_2314, %get3A_2416 : vector<16xf32>
        %mul3A_2419 = arith.mulf %get3A_2416, %get3A_2416 : vector<16xf32>
        %add3A_2420 = arith.addf %add3A_2316, %mul3A_2419 : vector<16xf32>
        %mul3A_2421 = arith.constant 24 : i32
        %mul3A_2422 = arith.muli %scan3A_212, %mul3A_2421 : i32
        %add3A_2423 = arith.addi %add3A_211, %mul3A_2422 : i32
        %add3A_2424 = arith.constant 21 : i32
        %add3A_2425 = arith.addi %add3A_2423, %add3A_2424 : i32
        %get3A_2426 = arith.index_cast %add3A_2425 : i32 to index
        %get3A_2427 = arith.constant 32 : index
        %get3A_2428 = tpu.vector_load %arg8[%get3A_2426, %get3A_2427] {strides = array<i32>} : memref<768x128xf32, #tpu.memory_space<vmem>>, vector<1x16xf32>,
        %get3A_2429 = vector.shape_cast %get3A_2428 : vector<1x16xf32> to vector<16xf32>
        %max3A_2430 = arith.maximumf %max3A_2326, %get3A_2429 : vector<16xf32>
        %add3A_2431 = arith.addf %add3A_2327, %get3A_2429 : vector<16xf32>
        %mul3A_2432 = arith.mulf %get3A_2429, %get3A_2429 : vector<16xf32>
        %add3A_2433 = arith.addf %add3A_2329, %mul3A_2432 : vector<16xf32>
        %mul3A_2434 = arith.constant 24 : i32
        %mul3A_2435 = arith.muli %scan3A_212, %mul3A_2434 : i32
        %add3A_2436 = arith.addi %add3A_211, %mul3A_2435 : i32
        %add3A_2437 = arith.constant 21 : i32
        %add3A_2438 = arith.addi %add3A_2436, %add3A_2437 : i32
        %get3A_2439 = arith.index_cast %add3A_2438 : i32 to index
        %get3A_2440 = arith.constant 48 : index
        %get3A_2441 = tpu.vector_load %arg8[%get3A_2439, %get3A_2440] {strides = array<i32>} : memref<768x128xf32, #tpu.memory_space<vmem>>, vector<1x16xf32>,
        %get3A_2442 = vector.shape_cast %get3A_2441 : vector<1x16xf32> to vector<16xf32>
        %max3A_2443 = arith.maximumf %max3A_2339, %get3A_2442 : vector<16xf32>
        %add3A_2444 = arith.addf %add3A_2340, %get3A_2442 : vector<16xf32>
        %mul3A_2445 = arith.mulf %get3A_2442, %get3A_2442 : vector<16xf32>
        %add3A_2446 = arith.addf %add3A_2342, %mul3A_2445 : vector<16xf32>
        %mul3A_2447 = arith.constant 24 : i32
        %mul3A_2448 = arith.muli %scan3A_212, %mul3A_2447 : i32
        %add3A_2449 = arith.addi %add3A_211, %mul3A_2448 : i32
        %add3A_2450 = arith.constant 21 : i32
        %add3A_2451 = arith.addi %add3A_2449, %add3A_2450 : i32
        %get3A_2452 = arith.index_cast %add3A_2451 : i32 to index
        %get3A_2453 = arith.constant 64 : index
        %get3A_2454 = tpu.vector_load %arg8[%get3A_2452, %get3A_2453] {strides = array<i32>} : memref<768x128xf32, #tpu.memory_space<vmem>>, vector<1x16xf32>,
        %get3A_2455 = vector.shape_cast %get3A_2454 : vector<1x16xf32> to vector<16xf32>
        %max3A_2456 = arith.maximumf %max3A_2352, %get3A_2455 : vector<16xf32>
        %add3A_2457 = arith.addf %add3A_2353, %get3A_2455 : vector<16xf32>
        %mul3A_2458 = arith.mulf %get3A_2455, %get3A_2455 : vector<16xf32>
        %add3A_2459 = arith.addf %add3A_2355, %mul3A_2458 : vector<16xf32>
        %mul3A_2460 = arith.constant 24 : i32
        %mul3A_2461 = arith.muli %scan3A_212, %mul3A_2460 : i32
        %add3A_2462 = arith.addi %add3A_211, %mul3A_2461 : i32
        %add3A_2463 = arith.constant 21 : i32
        %add3A_2464 = arith.addi %add3A_2462, %add3A_2463 : i32
        %get3A_2465 = arith.index_cast %add3A_2464 : i32 to index
        %get3A_2466 = arith.constant 80 : index
        %get3A_2467 = tpu.vector_load %arg8[%get3A_2465, %get3A_2466] {strides = array<i32>} : memref<768x128xf32, #tpu.memory_space<vmem>>, vector<1x16xf32>,
        %get3A_2468 = vector.shape_cast %get3A_2467 : vector<1x16xf32> to vector<16xf32>
        %max3A_2469 = arith.maximumf %max3A_2365, %get3A_2468 : vector<16xf32>
        %add3A_2470 = arith.addf %add3A_2366, %get3A_2468 : vector<16xf32>
        %mul3A_2471 = arith.mulf %get3A_2468, %get3A_2468 : vector<16xf32>
        %add3A_2472 = arith.addf %add3A_2368, %mul3A_2471 : vector<16xf32>
        %mul3A_2473 = arith.constant 24 : i32
        %mul3A_2474 = arith.muli %scan3A_212, %mul3A_2473 : i32
        %add3A_2475 = arith.addi %add3A_211, %mul3A_2474 : i32
        %add3A_2476 = arith.constant 21 : i32
        %add3A_2477 = arith.addi %add3A_2475, %add3A_2476 : i32
        %get3A_2478 = arith.index_cast %add3A_2477 : i32 to index
        %get3A_2479 = arith.constant 96 : index
        %get3A_2480 = tpu.vector_load %arg8[%get3A_2478, %get3A_2479] {strides = array<i32>} : memref<768x128xf32, #tpu.memory_space<vmem>>, vector<1x16xf32>,
        %get3A_2481 = vector.shape_cast %get3A_2480 : vector<1x16xf32> to vector<16xf32>
        %max3A_2482 = arith.maximumf %max3A_2378, %get3A_2481 : vector<16xf32>
        %add3A_2483 = arith.addf %add3A_2379, %get3A_2481 : vector<16xf32>
        %mul3A_2484 = arith.mulf %get3A_2481, %get3A_2481 : vector<16xf32>
        %add3A_2485 = arith.addf %add3A_2381, %mul3A_2484 : vector<16xf32>
        %mul3A_2486 = arith.constant 24 : i32
        %mul3A_2487 = arith.muli %scan3A_212, %mul3A_2486 : i32
        %add3A_2488 = arith.addi %add3A_211, %mul3A_2487 : i32
        %add3A_2489 = arith.constant 21 : i32
        %add3A_2490 = arith.addi %add3A_2488, %add3A_2489 : i32
        %get3A_2491 = arith.index_cast %add3A_2490 : i32 to index
        %get3A_2492 = arith.constant 112 : index
        %get3A_2493 = tpu.vector_load %arg8[%get3A_2491, %get3A_2492] {strides = array<i32>} : memref<768x128xf32, #tpu.memory_space<vmem>>, vector<1x16xf32>,
        %get3A_2494 = vector.shape_cast %get3A_2493 : vector<1x16xf32> to vector<16xf32>
        %max3A_2495 = arith.maximumf %max3A_2391, %get3A_2494 : vector<16xf32>
        %add3A_2496 = arith.addf %add3A_2392, %get3A_2494 : vector<16xf32>
        %mul3A_2497 = arith.mulf %get3A_2494, %get3A_2494 : vector<16xf32>
        %add3A_2498 = arith.addf %add3A_2394, %mul3A_2497 : vector<16xf32>
        %mul3A_2499 = arith.constant 24 : i32
        %mul3A_2500 = arith.muli %scan3A_212, %mul3A_2499 : i32
        %add3A_2501 = arith.addi %add3A_211, %mul3A_2500 : i32
        %add3A_2502 = arith.constant 22 : i32
        %add3A_2503 = arith.addi %add3A_2501, %add3A_2502 : i32
        %get3A_2504 = arith.index_cast %add3A_2503 : i32 to index
        %get3A_2505 = arith.constant 0 : index
        %get3A_2506 = tpu.vector_load %arg8[%get3A_2504, %get3A_2505] {strides = array<i32>} : memref<768x128xf32, #tpu.memory_space<vmem>>, vector<1x16xf32>,
        %get3A_2507 = vector.shape_cast %get3A_2506 : vector<1x16xf32> to vector<16xf32>
        %max3A_2508 = arith.maximumf %max3A_2404, %get3A_2507 : vector<16xf32>
        %add3A_2509 = arith.addf %add3A_2405, %get3A_2507 : vector<16xf32>
        %mul3A_2510 = arith.mulf %get3A_2507, %get3A_2507 : vector<16xf32>
        %add3A_2511 = arith.addf %add3A_2407, %mul3A_2510 : vector<16xf32>
        %mul3A_2512 = arith.constant 24 : i32
        %mul3A_2513 = arith.muli %scan3A_212, %mul3A_2512 : i32
        %add3A_2514 = arith.addi %add3A_211, %mul3A_2513 : i32
        %add3A_2515 = arith.constant 22 : i32
        %add3A_2516 = arith.addi %add3A_2514, %add3A_2515 : i32
        %get3A_2517 = arith.index_cast %add3A_2516 : i32 to index
        %get3A_2518 = arith.constant 16 : index
        %get3A_2519 = tpu.vector_load %arg8[%get3A_2517, %get3A_2518] {strides = array<i32>} : memref<768x128xf32, #tpu.memory_space<vmem>>, vector<1x16xf32>,
        %get3A_2520 = vector.shape_cast %get3A_2519 : vector<1x16xf32> to vector<16xf32>
        %max3A_2521 = arith.maximumf %max3A_2417, %get3A_2520 : vector<16xf32>
        %add3A_2522 = arith.addf %add3A_2418, %get3A_2520 : vector<16xf32>
        %mul3A_2523 = arith.mulf %get3A_2520, %get3A_2520 : vector<16xf32>
        %add3A_2524 = arith.addf %add3A_2420, %mul3A_2523 : vector<16xf32>
        %mul3A_2525 = arith.constant 24 : i32
        %mul3A_2526 = arith.muli %scan3A_212, %mul3A_2525 : i32
        %add3A_2527 = arith.addi %add3A_211, %mul3A_2526 : i32
        %add3A_2528 = arith.constant 22 : i32
        %add3A_2529 = arith.addi %add3A_2527, %add3A_2528 : i32
        %get3A_2530 = arith.index_cast %add3A_2529 : i32 to index
        %get3A_2531 = arith.constant 32 : index
        %get3A_2532 = tpu.vector_load %arg8[%get3A_2530, %get3A_2531] {strides = array<i32>} : memref<768x128xf32, #tpu.memory_space<vmem>>, vector<1x16xf32>,
        %get3A_2533 = vector.shape_cast %get3A_2532 : vector<1x16xf32> to vector<16xf32>
        %max3A_2534 = arith.maximumf %max3A_2430, %get3A_2533 : vector<16xf32>
        %add3A_2535 = arith.addf %add3A_2431, %get3A_2533 : vector<16xf32>
        %mul3A_2536 = arith.mulf %get3A_2533, %get3A_2533 : vector<16xf32>
        %add3A_2537 = arith.addf %add3A_2433, %mul3A_2536 : vector<16xf32>
        %mul3A_2538 = arith.constant 24 : i32
        %mul3A_2539 = arith.muli %scan3A_212, %mul3A_2538 : i32
        %add3A_2540 = arith.addi %add3A_211, %mul3A_2539 : i32
        %add3A_2541 = arith.constant 22 : i32
        %add3A_2542 = arith.addi %add3A_2540, %add3A_2541 : i32
        %get3A_2543 = arith.index_cast %add3A_2542 : i32 to index
        %get3A_2544 = arith.constant 48 : index
        %get3A_2545 = tpu.vector_load %arg8[%get3A_2543, %get3A_2544] {strides = array<i32>} : memref<768x128xf32, #tpu.memory_space<vmem>>, vector<1x16xf32>,
        %get3A_2546 = vector.shape_cast %get3A_2545 : vector<1x16xf32> to vector<16xf32>
        %max3A_2547 = arith.maximumf %max3A_2443, %get3A_2546 : vector<16xf32>
        %add3A_2548 = arith.addf %add3A_2444, %get3A_2546 : vector<16xf32>
        %mul3A_2549 = arith.mulf %get3A_2546, %get3A_2546 : vector<16xf32>
        %add3A_2550 = arith.addf %add3A_2446, %mul3A_2549 : vector<16xf32>
        %mul3A_2551 = arith.constant 24 : i32
        %mul3A_2552 = arith.muli %scan3A_212, %mul3A_2551 : i32
        %add3A_2553 = arith.addi %add3A_211, %mul3A_2552 : i32
        %add3A_2554 = arith.constant 22 : i32
        %add3A_2555 = arith.addi %add3A_2553, %add3A_2554 : i32
        %get3A_2556 = arith.index_cast %add3A_2555 : i32 to index
        %get3A_2557 = arith.constant 64 : index
        %get3A_2558 = tpu.vector_load %arg8[%get3A_2556, %get3A_2557] {strides = array<i32>} : memref<768x128xf32, #tpu.memory_space<vmem>>, vector<1x16xf32>,
        %get3A_2559 = vector.shape_cast %get3A_2558 : vector<1x16xf32> to vector<16xf32>
        %max3A_2560 = arith.maximumf %max3A_2456, %get3A_2559 : vector<16xf32>
        %add3A_2561 = arith.addf %add3A_2457, %get3A_2559 : vector<16xf32>
        %mul3A_2562 = arith.mulf %get3A_2559, %get3A_2559 : vector<16xf32>
        %add3A_2563 = arith.addf %add3A_2459, %mul3A_2562 : vector<16xf32>
        %mul3A_2564 = arith.constant 24 : i32
        %mul3A_2565 = arith.muli %scan3A_212, %mul3A_2564 : i32
        %add3A_2566 = arith.addi %add3A_211, %mul3A_2565 : i32
        %add3A_2567 = arith.constant 22 : i32
        %add3A_2568 = arith.addi %add3A_2566, %add3A_2567 : i32
        %get3A_2569 = arith.index_cast %add3A_2568 : i32 to index
        %get3A_2570 = arith.constant 80 : index
        %get3A_2571 = tpu.vector_load %arg8[%get3A_2569, %get3A_2570] {strides = array<i32>} : memref<768x128xf32, #tpu.memory_space<vmem>>, vector<1x16xf32>,
        %get3A_2572 = vector.shape_cast %get3A_2571 : vector<1x16xf32> to vector<16xf32>
        %max3A_2573 = arith.maximumf %max3A_2469, %get3A_2572 : vector<16xf32>
        %add3A_2574 = arith.addf %add3A_2470, %get3A_2572 : vector<16xf32>
        %mul3A_2575 = arith.mulf %get3A_2572, %get3A_2572 : vector<16xf32>
        %add3A_2576 = arith.addf %add3A_2472, %mul3A_2575 : vector<16xf32>
        %mul3A_2577 = arith.constant 24 : i32
        %mul3A_2578 = arith.muli %scan3A_212, %mul3A_2577 : i32
        %add3A_2579 = arith.addi %add3A_211, %mul3A_2578 : i32
        %add3A_2580 = arith.constant 22 : i32
        %add3A_2581 = arith.addi %add3A_2579, %add3A_2580 : i32
        %get3A_2582 = arith.index_cast %add3A_2581 : i32 to index
        %get3A_2583 = arith.constant 96 : index
        %get3A_2584 = tpu.vector_load %arg8[%get3A_2582, %get3A_2583] {strides = array<i32>} : memref<768x128xf32, #tpu.memory_space<vmem>>, vector<1x16xf32>,
        %get3A_2585 = vector.shape_cast %get3A_2584 : vector<1x16xf32> to vector<16xf32>
        %max3A_2586 = arith.maximumf %max3A_2482, %get3A_2585 : vector<16xf32>
        %add3A_2587 = arith.addf %add3A_2483, %get3A_2585 : vector<16xf32>
        %mul3A_2588 = arith.mulf %get3A_2585, %get3A_2585 : vector<16xf32>
        %add3A_2589 = arith.addf %add3A_2485, %mul3A_2588 : vector<16xf32>
        %mul3A_2590 = arith.constant 24 : i32
        %mul3A_2591 = arith.muli %scan3A_212, %mul3A_2590 : i32
        %add3A_2592 = arith.addi %add3A_211, %mul3A_2591 : i32
        %add3A_2593 = arith.constant 22 : i32
        %add3A_2594 = arith.addi %add3A_2592, %add3A_2593 : i32
        %get3A_2595 = arith.index_cast %add3A_2594 : i32 to index
        %get3A_2596 = arith.constant 112 : index
        %get3A_2597 = tpu.vector_load %arg8[%get3A_2595, %get3A_2596] {strides = array<i32>} : memref<768x128xf32, #tpu.memory_space<vmem>>, vector<1x16xf32>,
        %get3A_2598 = vector.shape_cast %get3A_2597 : vector<1x16xf32> to vector<16xf32>
        %max3A_2599 = arith.maximumf %max3A_2495, %get3A_2598 : vector<16xf32>
        %add3A_2600 = arith.addf %add3A_2496, %get3A_2598 : vector<16xf32>
        %mul3A_2601 = arith.mulf %get3A_2598, %get3A_2598 : vector<16xf32>
        %add3A_2602 = arith.addf %add3A_2498, %mul3A_2601 : vector<16xf32>
        %mul3A_2603 = arith.constant 24 : i32
        %mul3A_2604 = arith.muli %scan3A_212, %mul3A_2603 : i32
        %add3A_2605 = arith.addi %add3A_211, %mul3A_2604 : i32
        %add3A_2606 = arith.constant 23 : i32
        %add3A_2607 = arith.addi %add3A_2605, %add3A_2606 : i32
        %get3A_2608 = arith.index_cast %add3A_2607 : i32 to index
        %get3A_2609 = arith.constant 0 : index
        %get3A_2610 = tpu.vector_load %arg8[%get3A_2608, %get3A_2609] {strides = array<i32>} : memref<768x128xf32, #tpu.memory_space<vmem>>, vector<1x16xf32>,
        %get3A_2611 = vector.shape_cast %get3A_2610 : vector<1x16xf32> to vector<16xf32>
        %max3A_2612 = arith.maximumf %max3A_2508, %get3A_2611 : vector<16xf32>
        %add3A_2613 = arith.addf %add3A_2509, %get3A_2611 : vector<16xf32>
        %mul3A_2614 = arith.mulf %get3A_2611, %get3A_2611 : vector<16xf32>
        %add3A_2615 = arith.addf %add3A_2511, %mul3A_2614 : vector<16xf32>
        %mul3A_2616 = arith.constant 24 : i32
        %mul3A_2617 = arith.muli %scan3A_212, %mul3A_2616 : i32
        %add3A_2618 = arith.addi %add3A_211, %mul3A_2617 : i32
        %add3A_2619 = arith.constant 23 : i32
        %add3A_2620 = arith.addi %add3A_2618, %add3A_2619 : i32
        %get3A_2621 = arith.index_cast %add3A_2620 : i32 to index
        %get3A_2622 = arith.constant 16 : index
        %get3A_2623 = tpu.vector_load %arg8[%get3A_2621, %get3A_2622] {strides = array<i32>} : memref<768x128xf32, #tpu.memory_space<vmem>>, vector<1x16xf32>,
        %get3A_2624 = vector.shape_cast %get3A_2623 : vector<1x16xf32> to vector<16xf32>
        %max3A_2625 = arith.maximumf %max3A_2521, %get3A_2624 : vector<16xf32>
        %add3A_2626 = arith.addf %add3A_2522, %get3A_2624 : vector<16xf32>
        %mul3A_2627 = arith.mulf %get3A_2624, %get3A_2624 : vector<16xf32>
        %add3A_2628 = arith.addf %add3A_2524, %mul3A_2627 : vector<16xf32>
        %mul3A_2629 = arith.constant 24 : i32
        %mul3A_2630 = arith.muli %scan3A_212, %mul3A_2629 : i32
        %add3A_2631 = arith.addi %add3A_211, %mul3A_2630 : i32
        %add3A_2632 = arith.constant 23 : i32
        %add3A_2633 = arith.addi %add3A_2631, %add3A_2632 : i32
        %get3A_2634 = arith.index_cast %add3A_2633 : i32 to index
        %get3A_2635 = arith.constant 32 : index
        %get3A_2636 = tpu.vector_load %arg8[%get3A_2634, %get3A_2635] {strides = array<i32>} : memref<768x128xf32, #tpu.memory_space<vmem>>, vector<1x16xf32>,
        %get3A_2637 = vector.shape_cast %get3A_2636 : vector<1x16xf32> to vector<16xf32>
        %max3A_2638 = arith.maximumf %max3A_2534, %get3A_2637 : vector<16xf32>
        %add3A_2639 = arith.addf %add3A_2535, %get3A_2637 : vector<16xf32>
        %mul3A_2640 = arith.mulf %get3A_2637, %get3A_2637 : vector<16xf32>
        %add3A_2641 = arith.addf %add3A_2537, %mul3A_2640 : vector<16xf32>
        %mul3A_2642 = arith.constant 24 : i32
        %mul3A_2643 = arith.muli %scan3A_212, %mul3A_2642 : i32
        %add3A_2644 = arith.addi %add3A_211, %mul3A_2643 : i32
        %add3A_2645 = arith.constant 23 : i32
        %add3A_2646 = arith.addi %add3A_2644, %add3A_2645 : i32
        %get3A_2647 = arith.index_cast %add3A_2646 : i32 to index
        %get3A_2648 = arith.constant 48 : index
        %get3A_2649 = tpu.vector_load %arg8[%get3A_2647, %get3A_2648] {strides = array<i32>} : memref<768x128xf32, #tpu.memory_space<vmem>>, vector<1x16xf32>,
        %get3A_2650 = vector.shape_cast %get3A_2649 : vector<1x16xf32> to vector<16xf32>
        %max3A_2651 = arith.maximumf %max3A_2547, %get3A_2650 : vector<16xf32>
        %add3A_2652 = arith.addf %add3A_2548, %get3A_2650 : vector<16xf32>
        %mul3A_2653 = arith.mulf %get3A_2650, %get3A_2650 : vector<16xf32>
        %add3A_2654 = arith.addf %add3A_2550, %mul3A_2653 : vector<16xf32>
        %mul3A_2655 = arith.constant 24 : i32
        %mul3A_2656 = arith.muli %scan3A_212, %mul3A_2655 : i32
        %add3A_2657 = arith.addi %add3A_211, %mul3A_2656 : i32
        %add3A_2658 = arith.constant 23 : i32
        %add3A_2659 = arith.addi %add3A_2657, %add3A_2658 : i32
        %get3A_2660 = arith.index_cast %add3A_2659 : i32 to index
        %get3A_2661 = arith.constant 64 : index
        %get3A_2662 = tpu.vector_load %arg8[%get3A_2660, %get3A_2661] {strides = array<i32>} : memref<768x128xf32, #tpu.memory_space<vmem>>, vector<1x16xf32>,
        %get3A_2663 = vector.shape_cast %get3A_2662 : vector<1x16xf32> to vector<16xf32>
        %max3A_2664 = arith.maximumf %max3A_2560, %get3A_2663 : vector<16xf32>
        %add3A_2665 = arith.addf %add3A_2561, %get3A_2663 : vector<16xf32>
        %mul3A_2666 = arith.mulf %get3A_2663, %get3A_2663 : vector<16xf32>
        %add3A_2667 = arith.addf %add3A_2563, %mul3A_2666 : vector<16xf32>
        %mul3A_2668 = arith.constant 24 : i32
        %mul3A_2669 = arith.muli %scan3A_212, %mul3A_2668 : i32
        %add3A_2670 = arith.addi %add3A_211, %mul3A_2669 : i32
        %add3A_2671 = arith.constant 23 : i32
        %add3A_2672 = arith.addi %add3A_2670, %add3A_2671 : i32
        %get3A_2673 = arith.index_cast %add3A_2672 : i32 to index
        %get3A_2674 = arith.constant 80 : index
        %get3A_2675 = tpu.vector_load %arg8[%get3A_2673, %get3A_2674] {strides = array<i32>} : memref<768x128xf32, #tpu.memory_space<vmem>>, vector<1x16xf32>,
        %get3A_2676 = vector.shape_cast %get3A_2675 : vector<1x16xf32> to vector<16xf32>
        %max3A_2677 = arith.maximumf %max3A_2573, %get3A_2676 : vector<16xf32>
        %add3A_2678 = arith.addf %add3A_2574, %get3A_2676 : vector<16xf32>
        %mul3A_2679 = arith.mulf %get3A_2676, %get3A_2676 : vector<16xf32>
        %add3A_2680 = arith.addf %add3A_2576, %mul3A_2679 : vector<16xf32>
        %mul3A_2681 = arith.constant 24 : i32
        %mul3A_2682 = arith.muli %scan3A_212, %mul3A_2681 : i32
        %add3A_2683 = arith.addi %add3A_211, %mul3A_2682 : i32
        %add3A_2684 = arith.constant 23 : i32
        %add3A_2685 = arith.addi %add3A_2683, %add3A_2684 : i32
        %get3A_2686 = arith.index_cast %add3A_2685 : i32 to index
        %get3A_2687 = arith.constant 96 : index
        %get3A_2688 = tpu.vector_load %arg8[%get3A_2686, %get3A_2687] {strides = array<i32>} : memref<768x128xf32, #tpu.memory_space<vmem>>, vector<1x16xf32>,
        %get3A_2689 = vector.shape_cast %get3A_2688 : vector<1x16xf32> to vector<16xf32>
        %max3A_2690 = arith.maximumf %max3A_2586, %get3A_2689 : vector<16xf32>
        %add3A_2691 = arith.addf %add3A_2587, %get3A_2689 : vector<16xf32>
        %mul3A_2692 = arith.mulf %get3A_2689, %get3A_2689 : vector<16xf32>
        %add3A_2693 = arith.addf %add3A_2589, %mul3A_2692 : vector<16xf32>
        %mul3A_2694 = arith.constant 24 : i32
        %mul3A_2695 = arith.muli %scan3A_212, %mul3A_2694 : i32
        %add3A_2696 = arith.addi %add3A_211, %mul3A_2695 : i32
        %add3A_2697 = arith.constant 23 : i32
        %add3A_2698 = arith.addi %add3A_2696, %add3A_2697 : i32
        %get3A_2699 = arith.index_cast %add3A_2698 : i32 to index
        %get3A_2700 = arith.constant 112 : index
        %get3A_2701 = tpu.vector_load %arg8[%get3A_2699, %get3A_2700] {strides = array<i32>} : memref<768x128xf32, #tpu.memory_space<vmem>>, vector<1x16xf32>,
        %get3A_2702 = vector.shape_cast %get3A_2701 : vector<1x16xf32> to vector<16xf32>
        %max3A_2703 = arith.maximumf %max3A_2599, %get3A_2702 : vector<16xf32>
        %add3A_2704 = arith.addf %add3A_2600, %get3A_2702 : vector<16xf32>
        %mul3A_2705 = arith.mulf %get3A_2702, %get3A_2702 : vector<16xf32>
        %add3A_2706 = arith.addf %add3A_2602, %mul3A_2705 : vector<16xf32>
        %scan3A_2707 = arith.constant 1 : i32
        %swap3A_2708 = arith.index_cast %scan3A_192 : i32 to index
        %swap3A_2709 = arith.constant 0 : index
        %swap3A_2710 = tpu.vector_load %arg9[%swap3A_2708, %swap3A_2709] {strides = array<i32>} : memref<16x128xf32, #tpu.memory_space<vmem>>, vector<1x16xf32>,
        %swap3A_2711 = vector.shape_cast %swap3A_2710 : vector<1x16xf32> to vector<16xf32>
        %swap3A_2712 = vector.shape_cast %max3A_2612 : vector<16xf32> to vector<1x16xf32>
        tpu.vector_store %arg9[%swap3A_2708, %swap3A_2709], %swap3A_2712 {strides = array<i32>} : memref<16x128xf32, #tpu.memory_space<vmem>>, vector<1x16xf32>,
        %swap3A_2713 = arith.index_cast %scan3A_192 : i32 to index
        %swap3A_2714 = arith.constant 16 : index
        %swap3A_2715 = tpu.vector_load %arg9[%swap3A_2713, %swap3A_2714] {strides = array<i32>} : memref<16x128xf32, #tpu.memory_space<vmem>>, vector<1x16xf32>,
        %swap3A_2716 = vector.shape_cast %swap3A_2715 : vector<1x16xf32> to vector<16xf32>
        %swap3A_2717 = vector.shape_cast %max3A_2625 : vector<16xf32> to vector<1x16xf32>
        tpu.vector_store %arg9[%swap3A_2713, %swap3A_2714], %swap3A_2717 {strides = array<i32>} : memref<16x128xf32, #tpu.memory_space<vmem>>, vector<1x16xf32>,
        %swap3A_2718 = arith.index_cast %scan3A_192 : i32 to index
        %swap3A_2719 = arith.constant 32 : index
        %swap3A_2720 = tpu.vector_load %arg9[%swap3A_2718, %swap3A_2719] {strides = array<i32>} : memref<16x128xf32, #tpu.memory_space<vmem>>, vector<1x16xf32>,
        %swap3A_2721 = vector.shape_cast %swap3A_2720 : vector<1x16xf32> to vector<16xf32>
        %swap3A_2722 = vector.shape_cast %max3A_2638 : vector<16xf32> to vector<1x16xf32>
        tpu.vector_store %arg9[%swap3A_2718, %swap3A_2719], %swap3A_2722 {strides = array<i32>} : memref<16x128xf32, #tpu.memory_space<vmem>>, vector<1x16xf32>,
        %swap3A_2723 = arith.index_cast %scan3A_192 : i32 to index
        %swap3A_2724 = arith.constant 48 : index
        %swap3A_2725 = tpu.vector_load %arg9[%swap3A_2723, %swap3A_2724] {strides = array<i32>} : memref<16x128xf32, #tpu.memory_space<vmem>>, vector<1x16xf32>,
        %swap3A_2726 = vector.shape_cast %swap3A_2725 : vector<1x16xf32> to vector<16xf32>
        %swap3A_2727 = vector.shape_cast %max3A_2651 : vector<16xf32> to vector<1x16xf32>
        tpu.vector_store %arg9[%swap3A_2723, %swap3A_2724], %swap3A_2727 {strides = array<i32>} : memref<16x128xf32, #tpu.memory_space<vmem>>, vector<1x16xf32>,
        %swap3A_2728 = arith.index_cast %scan3A_192 : i32 to index
        %swap3A_2729 = arith.constant 64 : index
        %swap3A_2730 = tpu.vector_load %arg9[%swap3A_2728, %swap3A_2729] {strides = array<i32>} : memref<16x128xf32, #tpu.memory_space<vmem>>, vector<1x16xf32>,
        %swap3A_2731 = vector.shape_cast %swap3A_2730 : vector<1x16xf32> to vector<16xf32>
        %swap3A_2732 = vector.shape_cast %max3A_2664 : vector<16xf32> to vector<1x16xf32>
        tpu.vector_store %arg9[%swap3A_2728, %swap3A_2729], %swap3A_2732 {strides = array<i32>} : memref<16x128xf32, #tpu.memory_space<vmem>>, vector<1x16xf32>,
        %swap3A_2733 = arith.index_cast %scan3A_192 : i32 to index
        %swap3A_2734 = arith.constant 80 : index
        %swap3A_2735 = tpu.vector_load %arg9[%swap3A_2733, %swap3A_2734] {strides = array<i32>} : memref<16x128xf32, #tpu.memory_space<vmem>>, vector<1x16xf32>,
        %swap3A_2736 = vector.shape_cast %swap3A_2735 : vector<1x16xf32> to vector<16xf32>
        %swap3A_2737 = vector.shape_cast %max3A_2677 : vector<16xf32> to vector<1x16xf32>
        tpu.vector_store %arg9[%swap3A_2733, %swap3A_2734], %swap3A_2737 {strides = array<i32>} : memref<16x128xf32, #tpu.memory_space<vmem>>, vector<1x16xf32>,
        %swap3A_2738 = arith.index_cast %scan3A_192 : i32 to index
        %swap3A_2739 = arith.constant 96 : index
        %swap3A_2740 = tpu.vector_load %arg9[%swap3A_2738, %swap3A_2739] {strides = array<i32>} : memref<16x128xf32, #tpu.memory_space<vmem>>, vector<1x16xf32>,
        %swap3A_2741 = vector.shape_cast %swap3A_2740 : vector<1x16xf32> to vector<16xf32>
        %swap3A_2742 = vector.shape_cast %max3A_2690 : vector<16xf32> to vector<1x16xf32>
        tpu.vector_store %arg9[%swap3A_2738, %swap3A_2739], %swap3A_2742 {strides = array<i32>} : memref<16x128xf32, #tpu.memory_space<vmem>>, vector<1x16xf32>,
        %swap3A_2743 = arith.index_cast %scan3A_192 : i32 to index
        %swap3A_2744 = arith.constant 112 : index
        %swap3A_2745 = tpu.vector_load %arg9[%swap3A_2743, %swap3A_2744] {strides = array<i32>} : memref<16x128xf32, #tpu.memory_space<vmem>>, vector<1x16xf32>,
        %swap3A_2746 = vector.shape_cast %swap3A_2745 : vector<1x16xf32> to vector<16xf32>
        %swap3A_2747 = vector.shape_cast %max3A_2703 : vector<16xf32> to vector<1x16xf32>
        tpu.vector_store %arg9[%swap3A_2743, %swap3A_2744], %swap3A_2747 {strides = array<i32>} : memref<16x128xf32, #tpu.memory_space<vmem>>, vector<1x16xf32>,
        scf.yield %add3A_2613, %add3A_2626, %add3A_2639, %add3A_2652, %add3A_2665, %add3A_2678, %add3A_2691, %add3A_2704, %add3A_2615, %add3A_2628, %add3A_2641, %add3A_2654, %add3A_2667, %add3A_2680, %add3A_2693, %add3A_2706 : vector<16xf32>, vector<16xf32>, vector<16xf32>, vector<16xf32>, vector<16xf32>, vector<16xf32>, vector<16xf32>, vector<16xf32>, vector<16xf32>, vector<16xf32>, vector<16xf32>, vector<16xf32>, vector<16xf32>, vector<16xf32>, vector<16xf32>, vector<16xf32>
      }
      %scan3A_186 = arith.constant 16 : i32
      %mul3A_187 = arith.constant 32 : i32
      %mul3A_188 = arith.muli %scan3A_136, %mul3A_187 : i32
      %add3A_189 = arith.addi %mul3A_188, %add3A : i32
      %mul3A_190 = arith.constant 16 : i32
      %mul3A_191 = arith.muli %add3A_189, %mul3A_190 : i32
      "tpu.region"() ({
        %run_scoped3A_192 = tpu.sem_alloc : memref<!tpu.dma_semaphore, #tpu.memory_space<semaphore_mem>>
        %dma_start3A_193 = arith.constant 0 : i32
        %dma_start3A_194 = tpu.memref_slice %arg4[%mul3A_191, %dma_start3A_193] : memref<25088x128xf32, #tpu.memory_space<hbm>> -> memref<16x128xf32, #tpu.memory_space<hbm>>
        %dma_start3A_195 = arith.constant 0 : i32
        %dma_start3A_196 = tpu.memref_slice %arg4[%mul3A_191, %dma_start3A_195] : memref<25088x128xf32, #tpu.memory_space<hbm>> -> memref<16x128xf32, #tpu.memory_space<hbm>>
        tpu.enqueue_dma source(%arg9 : memref<16x128xf32, #tpu.memory_space<vmem>>) target(%dma_start3A_196 : memref<16x128xf32, #tpu.memory_space<hbm>>) target_semaphore(%run_scoped3A_192 : memref<!tpu.dma_semaphore, #tpu.memory_space<semaphore_mem>>)
        %dma_wait3A = arith.constant 0 : i32
        %dma_wait3A_197 = tpu.memref_slice %arg4[%mul3A_191, %dma_wait3A] : memref<25088x128xf32, #tpu.memory_space<hbm>> -> memref<16x128xf32, #tpu.memory_space<hbm>>
        %dma_wait3A_198 = arith.constant 0 : i32
        %dma_wait3A_199 = tpu.memref_slice %arg4[%mul3A_191, %dma_wait3A_198] : memref<25088x128xf32, #tpu.memory_space<hbm>> -> memref<16x128xf32, #tpu.memory_space<hbm>>
        tpu.wait_dma2 semaphore(%run_scoped3A_192 : memref<!tpu.dma_semaphore, #tpu.memory_space<semaphore_mem>>) src(%arg9 : memref<16x128xf32, #tpu.memory_space<vmem>>) dst(%dma_wait3A_199 : memref<16x128xf32, #tpu.memory_space<hbm>>)
        tpu.yield
      }) : () -> ()
      scf.yield %scan3A_185#0, %scan3A_185#1, %scan3A_185#2, %scan3A_185#3, %scan3A_185#4, %scan3A_185#5, %scan3A_185#6, %scan3A_185#7, %scan3A_185#8, %scan3A_185#9, %scan3A_185#10, %scan3A_185#11, %scan3A_185#12, %scan3A_185#13, %scan3A_185#14, %scan3A_185#15 : vector<16xf32>, vector<16xf32>, vector<16xf32>, vector<16xf32>, vector<16xf32>, vector<16xf32>, vector<16xf32>, vector<16xf32>, vector<16xf32>, vector<16xf32>, vector<16xf32>, vector<16xf32>, vector<16xf32>, vector<16xf32>, vector<16xf32>, vector<16xf32>
    }
    %scan3A_39 = arith.constant 49 : i32
    %swap3A = arith.constant 0 : i32
    %swap3A_40 = arith.index_cast %swap3A : i32 to index
    %swap3A_41 = arith.constant 0 : index
    %swap3A_42 = tpu.vector_load %arg10[%swap3A_40, %swap3A_41] {strides = array<i32>} : memref<2x128xf32, #tpu.memory_space<vmem>>, vector<1x16xf32>,
    %swap3A_43 = vector.shape_cast %swap3A_42 : vector<1x16xf32> to vector<16xf32>
    %swap3A_44 = vector.shape_cast %scan3A_38#0 : vector<16xf32> to vector<1x16xf32>
    tpu.vector_store %arg10[%swap3A_40, %swap3A_41], %swap3A_44 {strides = array<i32>} : memref<2x128xf32, #tpu.memory_space<vmem>>, vector<1x16xf32>,
    %swap3A_45 = arith.constant 1 : i32
    %swap3A_46 = arith.index_cast %swap3A_45 : i32 to index
    %swap3A_47 = arith.constant 0 : index
    %swap3A_48 = tpu.vector_load %arg10[%swap3A_46, %swap3A_47] {strides = array<i32>} : memref<2x128xf32, #tpu.memory_space<vmem>>, vector<1x16xf32>,
    %swap3A_49 = vector.shape_cast %swap3A_48 : vector<1x16xf32> to vector<16xf32>
    %swap3A_50 = vector.shape_cast %scan3A_38#8 : vector<16xf32> to vector<1x16xf32>
    tpu.vector_store %arg10[%swap3A_46, %swap3A_47], %swap3A_50 {strides = array<i32>} : memref<2x128xf32, #tpu.memory_space<vmem>>, vector<1x16xf32>,
    %swap3A_51 = arith.constant 0 : i32
    %swap3A_52 = arith.index_cast %swap3A_51 : i32 to index
    %swap3A_53 = arith.constant 16 : index
    %swap3A_54 = tpu.vector_load %arg10[%swap3A_52, %swap3A_53] {strides = array<i32>} : memref<2x128xf32, #tpu.memory_space<vmem>>, vector<1x16xf32>,
    %swap3A_55 = vector.shape_cast %swap3A_54 : vector<1x16xf32> to vector<16xf32>
    %swap3A_56 = vector.shape_cast %scan3A_38#1 : vector<16xf32> to vector<1x16xf32>
    tpu.vector_store %arg10[%swap3A_52, %swap3A_53], %swap3A_56 {strides = array<i32>} : memref<2x128xf32, #tpu.memory_space<vmem>>, vector<1x16xf32>,
    %swap3A_57 = arith.constant 1 : i32
    %swap3A_58 = arith.index_cast %swap3A_57 : i32 to index
    %swap3A_59 = arith.constant 16 : index
    %swap3A_60 = tpu.vector_load %arg10[%swap3A_58, %swap3A_59] {strides = array<i32>} : memref<2x128xf32, #tpu.memory_space<vmem>>, vector<1x16xf32>,
    %swap3A_61 = vector.shape_cast %swap3A_60 : vector<1x16xf32> to vector<16xf32>
    %swap3A_62 = vector.shape_cast %scan3A_38#9 : vector<16xf32> to vector<1x16xf32>
    tpu.vector_store %arg10[%swap3A_58, %swap3A_59], %swap3A_62 {strides = array<i32>} : memref<2x128xf32, #tpu.memory_space<vmem>>, vector<1x16xf32>,
    %swap3A_63 = arith.constant 0 : i32
    %swap3A_64 = arith.index_cast %swap3A_63 : i32 to index
    %swap3A_65 = arith.constant 32 : index
    %swap3A_66 = tpu.vector_load %arg10[%swap3A_64, %swap3A_65] {strides = array<i32>} : memref<2x128xf32, #tpu.memory_space<vmem>>, vector<1x16xf32>,
    %swap3A_67 = vector.shape_cast %swap3A_66 : vector<1x16xf32> to vector<16xf32>
    %swap3A_68 = vector.shape_cast %scan3A_38#2 : vector<16xf32> to vector<1x16xf32>
    tpu.vector_store %arg10[%swap3A_64, %swap3A_65], %swap3A_68 {strides = array<i32>} : memref<2x128xf32, #tpu.memory_space<vmem>>, vector<1x16xf32>,
    %swap3A_69 = arith.constant 1 : i32
    %swap3A_70 = arith.index_cast %swap3A_69 : i32 to index
    %swap3A_71 = arith.constant 32 : index
    %swap3A_72 = tpu.vector_load %arg10[%swap3A_70, %swap3A_71] {strides = array<i32>} : memref<2x128xf32, #tpu.memory_space<vmem>>, vector<1x16xf32>,
    %swap3A_73 = vector.shape_cast %swap3A_72 : vector<1x16xf32> to vector<16xf32>
    %swap3A_74 = vector.shape_cast %scan3A_38#10 : vector<16xf32> to vector<1x16xf32>
    tpu.vector_store %arg10[%swap3A_70, %swap3A_71], %swap3A_74 {strides = array<i32>} : memref<2x128xf32, #tpu.memory_space<vmem>>, vector<1x16xf32>,
    %swap3A_75 = arith.constant 0 : i32
    %swap3A_76 = arith.index_cast %swap3A_75 : i32 to index
    %swap3A_77 = arith.constant 48 : index
    %swap3A_78 = tpu.vector_load %arg10[%swap3A_76, %swap3A_77] {strides = array<i32>} : memref<2x128xf32, #tpu.memory_space<vmem>>, vector<1x16xf32>,
    %swap3A_79 = vector.shape_cast %swap3A_78 : vector<1x16xf32> to vector<16xf32>
    %swap3A_80 = vector.shape_cast %scan3A_38#3 : vector<16xf32> to vector<1x16xf32>
    tpu.vector_store %arg10[%swap3A_76, %swap3A_77], %swap3A_80 {strides = array<i32>} : memref<2x128xf32, #tpu.memory_space<vmem>>, vector<1x16xf32>,
    %swap3A_81 = arith.constant 1 : i32
    %swap3A_82 = arith.index_cast %swap3A_81 : i32 to index
    %swap3A_83 = arith.constant 48 : index
    %swap3A_84 = tpu.vector_load %arg10[%swap3A_82, %swap3A_83] {strides = array<i32>} : memref<2x128xf32, #tpu.memory_space<vmem>>, vector<1x16xf32>,
    %swap3A_85 = vector.shape_cast %swap3A_84 : vector<1x16xf32> to vector<16xf32>
    %swap3A_86 = vector.shape_cast %scan3A_38#11 : vector<16xf32> to vector<1x16xf32>
    tpu.vector_store %arg10[%swap3A_82, %swap3A_83], %swap3A_86 {strides = array<i32>} : memref<2x128xf32, #tpu.memory_space<vmem>>, vector<1x16xf32>,
    %swap3A_87 = arith.constant 0 : i32
    %swap3A_88 = arith.index_cast %swap3A_87 : i32 to index
    %swap3A_89 = arith.constant 64 : index
    %swap3A_90 = tpu.vector_load %arg10[%swap3A_88, %swap3A_89] {strides = array<i32>} : memref<2x128xf32, #tpu.memory_space<vmem>>, vector<1x16xf32>,
    %swap3A_91 = vector.shape_cast %swap3A_90 : vector<1x16xf32> to vector<16xf32>
    %swap3A_92 = vector.shape_cast %scan3A_38#4 : vector<16xf32> to vector<1x16xf32>
    tpu.vector_store %arg10[%swap3A_88, %swap3A_89], %swap3A_92 {strides = array<i32>} : memref<2x128xf32, #tpu.memory_space<vmem>>, vector<1x16xf32>,
    %swap3A_93 = arith.constant 1 : i32
    %swap3A_94 = arith.index_cast %swap3A_93 : i32 to index
    %swap3A_95 = arith.constant 64 : index
    %swap3A_96 = tpu.vector_load %arg10[%swap3A_94, %swap3A_95] {strides = array<i32>} : memref<2x128xf32, #tpu.memory_space<vmem>>, vector<1x16xf32>,
    %swap3A_97 = vector.shape_cast %swap3A_96 : vector<1x16xf32> to vector<16xf32>
    %swap3A_98 = vector.shape_cast %scan3A_38#12 : vector<16xf32> to vector<1x16xf32>
    tpu.vector_store %arg10[%swap3A_94, %swap3A_95], %swap3A_98 {strides = array<i32>} : memref<2x128xf32, #tpu.memory_space<vmem>>, vector<1x16xf32>,
    %swap3A_99 = arith.constant 0 : i32
    %swap3A_100 = arith.index_cast %swap3A_99 : i32 to index
    %swap3A_101 = arith.constant 80 : index
    %swap3A_102 = tpu.vector_load %arg10[%swap3A_100, %swap3A_101] {strides = array<i32>} : memref<2x128xf32, #tpu.memory_space<vmem>>, vector<1x16xf32>,
    %swap3A_103 = vector.shape_cast %swap3A_102 : vector<1x16xf32> to vector<16xf32>
    %swap3A_104 = vector.shape_cast %scan3A_38#5 : vector<16xf32> to vector<1x16xf32>
    tpu.vector_store %arg10[%swap3A_100, %swap3A_101], %swap3A_104 {strides = array<i32>} : memref<2x128xf32, #tpu.memory_space<vmem>>, vector<1x16xf32>,
    %swap3A_105 = arith.constant 1 : i32
    %swap3A_106 = arith.index_cast %swap3A_105 : i32 to index
    %swap3A_107 = arith.constant 80 : index
    %swap3A_108 = tpu.vector_load %arg10[%swap3A_106, %swap3A_107] {strides = array<i32>} : memref<2x128xf32, #tpu.memory_space<vmem>>, vector<1x16xf32>,
    %swap3A_109 = vector.shape_cast %swap3A_108 : vector<1x16xf32> to vector<16xf32>
    %swap3A_110 = vector.shape_cast %scan3A_38#13 : vector<16xf32> to vector<1x16xf32>
    tpu.vector_store %arg10[%swap3A_106, %swap3A_107], %swap3A_110 {strides = array<i32>} : memref<2x128xf32, #tpu.memory_space<vmem>>, vector<1x16xf32>,
    %swap3A_111 = arith.constant 0 : i32
    %swap3A_112 = arith.index_cast %swap3A_111 : i32 to index
    %swap3A_113 = arith.constant 96 : index
    %swap3A_114 = tpu.vector_load %arg10[%swap3A_112, %swap3A_113] {strides = array<i32>} : memref<2x128xf32, #tpu.memory_space<vmem>>, vector<1x16xf32>,
    %swap3A_115 = vector.shape_cast %swap3A_114 : vector<1x16xf32> to vector<16xf32>
    %swap3A_116 = vector.shape_cast %scan3A_38#6 : vector<16xf32> to vector<1x16xf32>
    tpu.vector_store %arg10[%swap3A_112, %swap3A_113], %swap3A_116 {strides = array<i32>} : memref<2x128xf32, #tpu.memory_space<vmem>>, vector<1x16xf32>,
    %swap3A_117 = arith.constant 1 : i32
    %swap3A_118 = arith.index_cast %swap3A_117 : i32 to index
    %swap3A_119 = arith.constant 96 : index
    %swap3A_120 = tpu.vector_load %arg10[%swap3A_118, %swap3A_119] {strides = array<i32>} : memref<2x128xf32, #tpu.memory_space<vmem>>, vector<1x16xf32>,
    %swap3A_121 = vector.shape_cast %swap3A_120 : vector<1x16xf32> to vector<16xf32>
    %swap3A_122 = vector.shape_cast %scan3A_38#14 : vector<16xf32> to vector<1x16xf32>
    tpu.vector_store %arg10[%swap3A_118, %swap3A_119], %swap3A_122 {strides = array<i32>} : memref<2x128xf32, #tpu.memory_space<vmem>>, vector<1x16xf32>,
    %swap3A_123 = arith.constant 0 : i32
    %swap3A_124 = arith.index_cast %swap3A_123 : i32 to index
    %swap3A_125 = arith.constant 112 : index
    %swap3A_126 = tpu.vector_load %arg10[%swap3A_124, %swap3A_125] {strides = array<i32>} : memref<2x128xf32, #tpu.memory_space<vmem>>, vector<1x16xf32>,
    %swap3A_127 = vector.shape_cast %swap3A_126 : vector<1x16xf32> to vector<16xf32>
    %swap3A_128 = vector.shape_cast %scan3A_38#7 : vector<16xf32> to vector<1x16xf32>
    tpu.vector_store %arg10[%swap3A_124, %swap3A_125], %swap3A_128 {strides = array<i32>} : memref<2x128xf32, #tpu.memory_space<vmem>>, vector<1x16xf32>,
    %swap3A_129 = arith.constant 1 : i32
    %swap3A_130 = arith.index_cast %swap3A_129 : i32 to index
    %swap3A_131 = arith.constant 112 : index
    %swap3A_132 = tpu.vector_load %arg10[%swap3A_130, %swap3A_131] {strides = array<i32>} : memref<2x128xf32, #tpu.memory_space<vmem>>, vector<1x16xf32>,
    %swap3A_133 = vector.shape_cast %swap3A_132 : vector<1x16xf32> to vector<16xf32>
    %swap3A_134 = vector.shape_cast %scan3A_38#15 : vector<16xf32> to vector<1x16xf32>
    tpu.vector_store %arg10[%swap3A_130, %swap3A_131], %swap3A_134 {strides = array<i32>} : memref<2x128xf32, #tpu.memory_space<vmem>>, vector<1x16xf32>,
    %run_scoped3A = arith.constant 0 : i32
    "tpu.region"() ({
      %run_scoped3A_136 = tpu.sem_alloc : memref<!tpu.dma_semaphore, #tpu.memory_space<semaphore_mem>>
      %dma_start3A_137 = arith.constant 0 : i32
      %dma_start3A_138 = tpu.memref_slice %arg10[%run_scoped3A, %dma_start3A_137] : memref<2x128xf32, #tpu.memory_space<vmem>> -> memref<1x128xf32, #tpu.memory_space<vmem>>
      %dma_start3A_139 = tpu.memref_squeeze %dma_start3A_138 : memref<1x128xf32, #tpu.memory_space<vmem>> -> memref<128xf32, #tpu.memory_space<vmem>>
      %dma_start3A_140 = arith.constant 0 : i32
      %dma_start3A_141 = tpu.memref_slice %arg5[%add3A, %dma_start3A_140] : memref<32x128xf32, #tpu.memory_space<hbm>> -> memref<1x128xf32, #tpu.memory_space<hbm>>
      %dma_start3A_142 = tpu.memref_squeeze %dma_start3A_141 : memref<1x128xf32, #tpu.memory_space<hbm>> -> memref<128xf32, #tpu.memory_space<hbm>>
      %dma_start3A_143 = arith.constant 0 : i32
      %dma_start3A_144 = tpu.memref_slice %arg5[%add3A, %dma_start3A_143] : memref<32x128xf32, #tpu.memory_space<hbm>> -> memref<1x128xf32, #tpu.memory_space<hbm>>
      %dma_start3A_145 = tpu.memref_squeeze %dma_start3A_144 : memref<1x128xf32, #tpu.memory_space<hbm>> -> memref<128xf32, #tpu.memory_space<hbm>>
      %dma_start3A_146 = arith.constant 0 : i32
      %dma_start3A_147 = tpu.memref_slice %arg10[%run_scoped3A, %dma_start3A_146] : memref<2x128xf32, #tpu.memory_space<vmem>> -> memref<1x128xf32, #tpu.memory_space<vmem>>
      %dma_start3A_148 = tpu.memref_squeeze %dma_start3A_147 : memref<1x128xf32, #tpu.memory_space<vmem>> -> memref<128xf32, #tpu.memory_space<vmem>>
      tpu.enqueue_dma source(%dma_start3A_148 : memref<128xf32, #tpu.memory_space<vmem>>) target(%dma_start3A_145 : memref<128xf32, #tpu.memory_space<hbm>>) target_semaphore(%run_scoped3A_136 : memref<!tpu.dma_semaphore, #tpu.memory_space<semaphore_mem>>)
      %dma_wait3A = arith.constant 0 : i32
      %dma_wait3A_149 = tpu.memref_slice %arg10[%run_scoped3A, %dma_wait3A] : memref<2x128xf32, #tpu.memory_space<vmem>> -> memref<1x128xf32, #tpu.memory_space<vmem>>
      %dma_wait3A_150 = tpu.memref_squeeze %dma_wait3A_149 : memref<1x128xf32, #tpu.memory_space<vmem>> -> memref<128xf32, #tpu.memory_space<vmem>>
      %dma_wait3A_151 = arith.constant 0 : i32
      %dma_wait3A_152 = tpu.memref_slice %arg5[%add3A, %dma_wait3A_151] : memref<32x128xf32, #tpu.memory_space<hbm>> -> memref<1x128xf32, #tpu.memory_space<hbm>>
      %dma_wait3A_153 = tpu.memref_squeeze %dma_wait3A_152 : memref<1x128xf32, #tpu.memory_space<hbm>> -> memref<128xf32, #tpu.memory_space<hbm>>
      %dma_wait3A_154 = arith.constant 0 : i32
      %dma_wait3A_155 = tpu.memref_slice %arg5[%add3A, %dma_wait3A_154] : memref<32x128xf32, #tpu.memory_space<hbm>> -> memref<1x128xf32, #tpu.memory_space<hbm>>
      %dma_wait3A_156 = tpu.memref_squeeze %dma_wait3A_155 : memref<1x128xf32, #tpu.memory_space<hbm>> -> memref<128xf32, #tpu.memory_space<hbm>>
      %dma_wait3A_157 = arith.constant 0 : i32
      %dma_wait3A_158 = tpu.memref_slice %arg10[%run_scoped3A, %dma_wait3A_157] : memref<2x128xf32, #tpu.memory_space<vmem>> -> memref<1x128xf32, #tpu.memory_space<vmem>>
      %dma_wait3A_159 = tpu.memref_squeeze %dma_wait3A_158 : memref<1x128xf32, #tpu.memory_space<vmem>> -> memref<128xf32, #tpu.memory_space<vmem>>
      tpu.wait_dma2 semaphore(%run_scoped3A_136 : memref<!tpu.dma_semaphore, #tpu.memory_space<semaphore_mem>>) src(%dma_wait3A_159 : memref<128xf32, #tpu.memory_space<vmem>>) dst(%dma_wait3A_156 : memref<128xf32, #tpu.memory_space<hbm>>)
      tpu.yield
    }) : () -> ()
    %run_scoped3A_135 = arith.constant 1 : i32
    "tpu.region"() ({
      %run_scoped3A_136 = tpu.sem_alloc : memref<!tpu.dma_semaphore, #tpu.memory_space<semaphore_mem>>
      %dma_start3A_137 = arith.constant 0 : i32
      %dma_start3A_138 = tpu.memref_slice %arg10[%run_scoped3A_135, %dma_start3A_137] : memref<2x128xf32, #tpu.memory_space<vmem>> -> memref<1x128xf32, #tpu.memory_space<vmem>>
      %dma_start3A_139 = tpu.memref_squeeze %dma_start3A_138 : memref<1x128xf32, #tpu.memory_space<vmem>> -> memref<128xf32, #tpu.memory_space<vmem>>
      %dma_start3A_140 = arith.constant 0 : i32
      %dma_start3A_141 = tpu.memref_slice %arg6[%add3A, %dma_start3A_140] : memref<32x128xf32, #tpu.memory_space<hbm>> -> memref<1x128xf32, #tpu.memory_space<hbm>>
      %dma_start3A_142 = tpu.memref_squeeze %dma_start3A_141 : memref<1x128xf32, #tpu.memory_space<hbm>> -> memref<128xf32, #tpu.memory_space<hbm>>
      %dma_start3A_143 = arith.constant 0 : i32
      %dma_start3A_144 = tpu.memref_slice %arg6[%add3A, %dma_start3A_143] : memref<32x128xf32, #tpu.memory_space<hbm>> -> memref<1x128xf32, #tpu.memory_space<hbm>>
      %dma_start3A_145 = tpu.memref_squeeze %dma_start3A_144 : memref<1x128xf32, #tpu.memory_space<hbm>> -> memref<128xf32, #tpu.memory_space<hbm>>
      %dma_start3A_146 = arith.constant 0 : i32
      %dma_start3A_147 = tpu.memref_slice %arg10[%run_scoped3A_135, %dma_start3A_146] : memref<2x128xf32, #tpu.memory_space<vmem>> -> memref<1x128xf32, #tpu.memory_space<vmem>>
      %dma_start3A_148 = tpu.memref_squeeze %dma_start3A_147 : memref<1x128xf32, #tpu.memory_space<vmem>> -> memref<128xf32, #tpu.memory_space<vmem>>
      tpu.enqueue_dma source(%dma_start3A_148 : memref<128xf32, #tpu.memory_space<vmem>>) target(%dma_start3A_145 : memref<128xf32, #tpu.memory_space<hbm>>) target_semaphore(%run_scoped3A_136 : memref<!tpu.dma_semaphore, #tpu.memory_space<semaphore_mem>>)
      %dma_wait3A = arith.constant 0 : i32
      %dma_wait3A_149 = tpu.memref_slice %arg10[%run_scoped3A_135, %dma_wait3A] : memref<2x128xf32, #tpu.memory_space<vmem>> -> memref<1x128xf32, #tpu.memory_space<vmem>>
      %dma_wait3A_150 = tpu.memref_squeeze %dma_wait3A_149 : memref<1x128xf32, #tpu.memory_space<vmem>> -> memref<128xf32, #tpu.memory_space<vmem>>
      %dma_wait3A_151 = arith.constant 0 : i32
      %dma_wait3A_152 = tpu.memref_slice %arg6[%add3A, %dma_wait3A_151] : memref<32x128xf32, #tpu.memory_space<hbm>> -> memref<1x128xf32, #tpu.memory_space<hbm>>
      %dma_wait3A_153 = tpu.memref_squeeze %dma_wait3A_152 : memref<1x128xf32, #tpu.memory_space<hbm>> -> memref<128xf32, #tpu.memory_space<hbm>>
      %dma_wait3A_154 = arith.constant 0 : i32
      %dma_wait3A_155 = tpu.memref_slice %arg6[%add3A, %dma_wait3A_154] : memref<32x128xf32, #tpu.memory_space<hbm>> -> memref<1x128xf32, #tpu.memory_space<hbm>>
      %dma_wait3A_156 = tpu.memref_squeeze %dma_wait3A_155 : memref<1x128xf32, #tpu.memory_space<hbm>> -> memref<128xf32, #tpu.memory_space<hbm>>
      %dma_wait3A_157 = arith.constant 0 : i32
      %dma_wait3A_158 = tpu.memref_slice %arg10[%run_scoped3A_135, %dma_wait3A_157] : memref<2x128xf32, #tpu.memory_space<vmem>> -> memref<1x128xf32, #tpu.memory_space<vmem>>
      %dma_wait3A_159 = tpu.memref_squeeze %dma_wait3A_158 : memref<1x128xf32, #tpu.memory_space<vmem>> -> memref<128xf32, #tpu.memory_space<vmem>>
      tpu.wait_dma2 semaphore(%run_scoped3A_136 : memref<!tpu.dma_semaphore, #tpu.memory_space<semaphore_mem>>) src(%dma_wait3A_159 : memref<128xf32, #tpu.memory_space<vmem>>) dst(%dma_wait3A_156 : memref<128xf32, #tpu.memory_space<hbm>>)
      tpu.yield
    }) : () -> ()
    return
  }
}

module attributes {stable_mosaic.version = 14 : i64} {
  func.func @_proj_body(%arg0: i32, %arg1: memref<2000x128xf32, #tpu.memory_space<vmem>>, %arg2: memref<128x128xf32, #tpu.memory_space<vmem>>, %arg3: memref<1x128xf32, #tpu.memory_space<vmem>>, %arg4: memref<2000x128xf32, #tpu.memory_space<vmem>>) attributes {dimension_semantics = [#tpu.dimension_semantics<arbitrary>], iteration_bounds = array<i64: 50>, scalar_prefetch = 0 : i64, scratch_operands = 0 : i64, tpu.core_type = #tpu.core_type<tc>, window_params = [{transform_indices = @transform_0, window_bounds = array<i64: 2000, 128>}, {pipeline_mode = #tpu.pipeline_mode<synchronous>, transform_indices = @transform_1, window_bounds = array<i64: 128, 128>}, {pipeline_mode = #tpu.pipeline_mode<synchronous>, transform_indices = @transform_2, window_bounds = array<i64: 1, 128>}, {transform_indices = @transform_3, window_bounds = array<i64: 2000, 128>}]} {
    %get3A = arith.constant 0 : index
    %get3A_0 = arith.constant 0 : index
    %get3A_1 = vector.load %arg1[%get3A, %get3A_0] : memref<2000x128xf32, #tpu.memory_space<vmem>>, vector<2000x128xf32>
    %get3A_2 = arith.constant 0 : index
    %get3A_3 = arith.constant 0 : index
    %get3A_4 = vector.load %arg2[%get3A_2, %get3A_3] : memref<128x128xf32, #tpu.memory_space<vmem>>, vector<128x128xf32>
    %dot_general3A = arith.constant dense<0.000000e+00> : vector<2000x128xf32>
    %dot_general3A_5 = tpu.matmul %get3A_1, %get3A_4, %dot_general3A {dimension_numbers = #tpu.dot_dimension_numbers<[1], [1], [0], [0], [0, 0, 1, 0], [], []>, transpose_lhs_hint = false} : vector<2000x128xf32>, vector<128x128xf32>, vector<2000x128xf32> -> vector<2000x128xf32>
    %get3A_6 = arith.constant 0 : index
    %get3A_7 = arith.constant 0 : index
    %get3A_8 = vector.load %arg3[%get3A_6, %get3A_7] : memref<1x128xf32, #tpu.memory_space<vmem>>, vector<1x128xf32>
    %add3A = vector.broadcast %get3A_8 : vector<1x128xf32> to vector<2000x128xf32>
    %add3A_9 = arith.addf %dot_general3A_5, %add3A : vector<2000x128xf32>
    %swap3A = arith.constant 0 : index
    %swap3A_10 = arith.constant 0 : index
    %swap3A_11 = vector.load %arg4[%swap3A, %swap3A_10] : memref<2000x128xf32, #tpu.memory_space<vmem>>, vector<2000x128xf32>
    tpu.vector_store %arg4[%swap3A, %swap3A_10], %add3A_9 {strides = array<i32>} : memref<2000x128xf32, #tpu.memory_space<vmem>>, vector<2000x128xf32>,
    return
  }
  func.func @transform_0(%arg0: i32) -> (i32, i32) {
    %c0_i32 = arith.constant 0 : i32
    %c0_i32_0 = arith.constant 0 : i32
    return %arg0, %c0_i32 : i32, i32
  }
  func.func @transform_1(%arg0: i32) -> (i32, i32) {
    %c0_i32 = arith.constant 0 : i32
    %c0_i32_0 = arith.constant 0 : i32
    %c0_i32_1 = arith.constant 0 : i32
    return %c0_i32, %c0_i32_0 : i32, i32
  }
  func.func @transform_2(%arg0: i32) -> (i32, i32) {
    %c0_i32 = arith.constant 0 : i32
    %c0_i32_0 = arith.constant 0 : i32
    %c0_i32_1 = arith.constant 0 : i32
    return %c0_i32, %c0_i32_0 : i32, i32
  }
  func.func @transform_3(%arg0: i32) -> (i32, i32) {
    %c0_i32 = arith.constant 0 : i32
    %c0_i32_0 = arith.constant 0 : i32
    return %arg0, %c0_i32 : i32, i32
  }
}

module attributes {stable_mosaic.version = 14 : i64} {
  func.func @_finalize_body(%arg0: i32, %arg1: memref<5000x128xf32, #tpu.memory_space<vmem>>, %arg2: memref<32x128xf32, #tpu.memory_space<vmem>>, %arg3: memref<32x128xf32, #tpu.memory_space<vmem>>, %arg4: memref<1x128xf32, #tpu.memory_space<vmem>>, %arg5: memref<1x128xf32, #tpu.memory_space<vmem>>, %arg6: memref<1x128xf32, #tpu.memory_space<vmem>>, %arg7: memref<5000x128xf32, #tpu.memory_space<vmem>>) attributes {dimension_semantics = [#tpu.dimension_semantics<arbitrary>], iteration_bounds = array<i64: 5>, scalar_prefetch = 0 : i64, scratch_operands = 0 : i64, tpu.core_type = #tpu.core_type<tc>, window_params = [{transform_indices = @transform_0, window_bounds = array<i64: 5000, 128>}, {pipeline_mode = #tpu.pipeline_mode<synchronous>, transform_indices = @transform_1, window_bounds = array<i64: 32, 128>}, {pipeline_mode = #tpu.pipeline_mode<synchronous>, transform_indices = @transform_2, window_bounds = array<i64: 32, 128>}, {pipeline_mode = #tpu.pipeline_mode<synchronous>, transform_indices = @transform_3, window_bounds = array<i64: 1, 128>}, {pipeline_mode = #tpu.pipeline_mode<synchronous>, transform_indices = @transform_4, window_bounds = array<i64: 1, 128>}, {pipeline_mode = #tpu.pipeline_mode<synchronous>, transform_indices = @transform_5, window_bounds = array<i64: 1, 128>}, {transform_indices = @transform_6, window_bounds = array<i64: 5000, 128>}]} {
    %get3A = arith.constant 0 : index
    %get3A_0 = arith.constant 0 : index
    %get3A_1 = vector.load %arg4[%get3A, %get3A_0] : memref<1x128xf32, #tpu.memory_space<vmem>>, vector<1x128xf32>
    %get3A_2 = arith.constant 0 : index
    %get3A_3 = arith.constant 0 : index
    %get3A_4 = vector.load %arg2[%get3A_2, %get3A_3] : memref<32x128xf32, #tpu.memory_space<vmem>>, vector<32x128xf32>
    %reduce_sum3A = arith.constant dense<0.000000e+00> : vector<128xf32>
    %reduce_sum3A_5 = vector.multi_reduction <add>, %get3A_4, %reduce_sum3A [0] : vector<32x128xf32> to vector<128xf32>
    %broadcast_in_dim3A = vector.shape_cast %reduce_sum3A_5 : vector<128xf32> to vector<1x128xf32>
    %mul3A = arith.constant 2.112000e+03 : f32
    %mul3A_6 = vector.broadcast %mul3A : f32 to vector<1x128xf32>
    %mul3A_7 = arith.mulf %mul3A_6, %get3A_1 : vector<1x128xf32>
    %sub3A = arith.subf %broadcast_in_dim3A, %mul3A_7 : vector<1x128xf32>
    %get3A_8 = arith.constant 0 : index
    %get3A_9 = arith.constant 0 : index
    %get3A_10 = vector.load %arg3[%get3A_8, %get3A_9] : memref<32x128xf32, #tpu.memory_space<vmem>>, vector<32x128xf32>
    %reduce_sum3A_11 = arith.constant dense<0.000000e+00> : vector<128xf32>
    %reduce_sum3A_12 = vector.multi_reduction <add>, %get3A_10, %reduce_sum3A_11 [0] : vector<32x128xf32> to vector<128xf32>
    %broadcast_in_dim3A_13 = vector.shape_cast %reduce_sum3A_12 : vector<128xf32> to vector<1x128xf32>
    %mul3A_14 = arith.constant 2.112000e+03 : f32
    %mul3A_15 = vector.broadcast %mul3A_14 : f32 to vector<1x128xf32>
    %mul3A_16 = arith.mulf %mul3A_15, %get3A_1 : vector<1x128xf32>
    %mul3A_17 = arith.mulf %mul3A_16, %get3A_1 : vector<1x128xf32>
    %sub3A_18 = arith.subf %broadcast_in_dim3A_13, %mul3A_17 : vector<1x128xf32>
    %div3A = arith.constant 6.000000e+05 : f32
    %div3A_19 = vector.broadcast %div3A : f32 to vector<1x128xf32>
    %div3A_20 = arith.divf %sub3A, %div3A_19 : vector<1x128xf32>
    %div3A_21 = arith.constant 6.000000e+05 : f32
    %div3A_22 = vector.broadcast %div3A_21 : f32 to vector<1x128xf32>
    %div3A_23 = arith.divf %sub3A_18, %div3A_22 : vector<1x128xf32>
    %mul3A_24 = arith.mulf %div3A_20, %div3A_20 : vector<1x128xf32>
    %sub3A_25 = arith.subf %div3A_23, %mul3A_24 : vector<1x128xf32>
    %get3A_26 = arith.constant 0 : index
    %get3A_27 = arith.constant 0 : index
    %get3A_28 = vector.load %arg5[%get3A_26, %get3A_27] : memref<1x128xf32, #tpu.memory_space<vmem>>, vector<1x128xf32>
    %add3A = arith.constant 9.99999974E-6 : f32
    %add3A_29 = vector.broadcast %add3A : f32 to vector<1x128xf32>
    %add3A_30 = arith.addf %sub3A_25, %add3A_29 : vector<1x128xf32>
    %rsqrt3A = math.rsqrt %add3A_30 : vector<1x128xf32>
    %mul3A_31 = arith.mulf %get3A_28, %rsqrt3A : vector<1x128xf32>
    %get3A_32 = arith.constant 0 : index
    %get3A_33 = arith.constant 0 : index
    %get3A_34 = vector.load %arg6[%get3A_32, %get3A_33] : memref<1x128xf32, #tpu.memory_space<vmem>>, vector<1x128xf32>
    %mul3A_35 = arith.mulf %div3A_20, %mul3A_31 : vector<1x128xf32>
    %sub3A_36 = arith.subf %get3A_34, %mul3A_35 : vector<1x128xf32>
    %get3A_37 = arith.constant 0 : index
    %get3A_38 = arith.constant 0 : index
    %get3A_39 = vector.load %arg1[%get3A_37, %get3A_38] : memref<5000x128xf32, #tpu.memory_space<vmem>>, vector<5000x128xf32>
    %mul3A_40 = vector.broadcast %mul3A_31 : vector<1x128xf32> to vector<5000x128xf32>
    %mul3A_41 = arith.mulf %get3A_39, %mul3A_40 : vector<5000x128xf32>
    %add3A_42 = vector.broadcast %sub3A_36 : vector<1x128xf32> to vector<5000x128xf32>
    %add3A_43 = arith.addf %mul3A_41, %add3A_42 : vector<5000x128xf32>
    %max3A = arith.constant 0.000000e+00 : f32
    %max3A_44 = vector.broadcast %max3A : f32 to vector<5000x128xf32>
    %max3A_45 = arith.maximumf %add3A_43, %max3A_44 : vector<5000x128xf32>
    %swap3A = arith.constant 0 : index
    %swap3A_46 = arith.constant 0 : index
    %swap3A_47 = vector.load %arg7[%swap3A, %swap3A_46] : memref<5000x128xf32, #tpu.memory_space<vmem>>, vector<5000x128xf32>
    tpu.vector_store %arg7[%swap3A, %swap3A_46], %max3A_45 {strides = array<i32>} : memref<5000x128xf32, #tpu.memory_space<vmem>>, vector<5000x128xf32>,
    return
  }
  func.func @transform_0(%arg0: i32) -> (i32, i32) {
    %c0_i32 = arith.constant 0 : i32
    %c0_i32_0 = arith.constant 0 : i32
    return %arg0, %c0_i32 : i32, i32
  }
  func.func @transform_1(%arg0: i32) -> (i32, i32) {
    %c0_i32 = arith.constant 0 : i32
    %c0_i32_0 = arith.constant 0 : i32
    %c0_i32_1 = arith.constant 0 : i32
    return %c0_i32, %c0_i32_0 : i32, i32
  }
  func.func @transform_2(%arg0: i32) -> (i32, i32) {
    %c0_i32 = arith.constant 0 : i32
    %c0_i32_0 = arith.constant 0 : i32
    %c0_i32_1 = arith.constant 0 : i32
    return %c0_i32, %c0_i32_0 : i32, i32
  }
  func.func @transform_3(%arg0: i32) -> (i32, i32) {
    %c0_i32 = arith.constant 0 : i32
    %c0_i32_0 = arith.constant 0 : i32
    %c0_i32_1 = arith.constant 0 : i32
    return %c0_i32, %c0_i32_0 : i32, i32
  }
  func.func @transform_4(%arg0: i32) -> (i32, i32) {
    %c0_i32 = arith.constant 0 : i32
    %c0_i32_0 = arith.constant 0 : i32
    %c0_i32_1 = arith.constant 0 : i32
    return %c0_i32, %c0_i32_0 : i32, i32
  }
  func.func @transform_5(%arg0: i32) -> (i32, i32) {
    %c0_i32 = arith.constant 0 : i32
    %c0_i32_0 = arith.constant 0 : i32
    %c0_i32_1 = arith.constant 0 : i32
    return %c0_i32, %c0_i32_0 : i32, i32
  }
  func.func @transform_6(%arg0: i32) -> (i32, i32) {
    %c0_i32 = arith.constant 0 : i32
    %c0_i32_0 = arith.constant 0 : i32
    return %arg0, %c0_i32 : i32, i32
  }
}

</mosaic_0001>

<sc_bundles>
// kernel: kernel.5.cloned.1.call-start
scs
__scs_entry_jumppad:
0x0: {  	(pc) =	sbr.rel $0x88, $3  }
0x1: {  	(tag) =	ssettag $0x0;
	lr =	simm.s32 $0x1  }
0x2: {  	[smem:$0x3F9B] =	sst lr;
	_ =	strace $0xD0000000  }
0x3: {  	_ = 	snop  }
0x4: {  	_ = 	snop  }
0x5: {  	_ = 	snop  }
0x6: {  	_ = 	snop  }
0x7: {  	_ = 	snop  }
__scs_overlays_trampoline_lowered:
0x8: {  	[smem:$0x3FAA] =	sst s0  }
0x9: {  	[smem:$0x3FAB] =	sst s1  }
0xa: {  	[smem:$0x3FAC] =	sst s2  }
0xb: {  	[smem:$0x3FAD] =	sst s3  }
0xc: {  	[smem:$0x3FAE] =	sst s4  }
0xd: {  	[smem:$0x3FAF] =	sst s5  }
0xe: {  	[smem:$0x3FB0] =	sst s6  }
0xf: {  	[smem:$0x3FB1] =	sst s7  }
0x10: {  	[smem:$0x3FB2] =	sst s8  }
0x11: {  	[smem:$0x3FB3] =	sst s9;
	s0 =	simm.s32 @!p0 $0x0  }
0x12: {  	s1 =	sld [smem:$0x3F99];
	s0 =	simm.s32 @p0 $0x1  }
0x13: {  	[smem:$0x3FB4] =	sst s0;
	s0 =	simm.s32 @!p1 $0x0  }
0x14: {  	s2 =	sld [smem:$0x3F98];
	s0 =	simm.s32 @p1 $0x1  }
0x15: {  	[smem:$0x3FB5] =	sst s0;
	s0 =	simm.s32 @!p2 $0x0  }
0x16: {  	s3 =	sld [smem:$0x3FDB];
	s0 =	simm.s32 @p2 $0x1  }
0x17: {  	s4 =	simm.s32 $0x1BF5;
	[smem:$0x3FB7] =	sst s0  }
0x18: {  	s0 =	sld [smem:$0x3F9A];
	_ =	swait.ge [sflag:s4], $0x0  }
0x19: {  	s7 =	sld [smem:$0x3F9B]  }
0x1a: {  	s8 =	sadd.s32 $0xFFFFE003, lr  }
0x1b: {  	s9 =	sadd.s32 $0xFFFFFEF7, lr;
	s5 =	simm.s32 $0xFFFFFFFF;
	p2 =	slt.u32 s8, $0xFFFFF086  }
0x1c: {  	p1 =	slt.u32 s9, $0xF7A;
	s5 =	simm.s32 @!p2 $0x0  }
0x1d: {  	s5 =	simm.s32 @p1 $0x1;
	p0 =	seq.s32 s7, s2  }
0x1e: {  	s7 =	smul.u32 @!p0 $0xF7A, s2;
	p2 =	seq.s32 @!p0 s5, $0x0  }
0x1f: {  	s9 =	smul.u32 $0xF7A, s1;
	s8 =	simm.s32 @!p0 $0x1BF5;
	p2 =	por !p2, p0  }
0x20: {  	[sflag:s8] =	ssyncset.s32 @!p0 $0xFFFFF086;
	s6 =	sadd.s32 @!p0 s3, s7;
	s7 =	simm.s32 @!p0 $0x108  }
0x21: {  	s3 =	sadd.s32 s3, s9;
	s6 =	sadd.s32 @!p0 $0x88, s6;
	s7 =	simm.s32 @p2 $0x1082  }
0x22: {  	[simem:s7], [sflag:s8] =	dma.local @!p0 [hbm:s6], $0xF7A  }
0x23: {  	s9 =	sor.u32 $0xD0000000, s2;
	s6 =	simm.s32 $0x108;
	_ =	swait.ge @!p0 [sflag:s8], $0x0  }
0x24: {  	s3 =	sadd.s32 $0x88, s3;
	s6 =	simm.s32 @!p1 $0x1082;
	[sflag:s4] =	ssyncset.s32 $0xFFFFF086  }
0x25: {  	[simem:s6], [sflag:s4] =	dma.local [hbm:s3], $0xF7A  }
0x26: {  	[smem:$0x3F9B] =	sst s1;
	(tag) =	ssettag s2;
	_ =	strace s9  }
0x27: {  	s1 =	sld [smem:$0x3FAB]  }
0x28: {  	s2 =	sld [smem:$0x3FAC]  }
0x29: {  	s4 =	sld [smem:$0x3FAE]  }
0x2a: {  	p0 =	seq.s32 s5, $0x0;
	s5 =	sld [smem:$0x3FAF]  }
0x2b: {  	s6 =	sld [smem:$0x3FB0]  }
0x2c: {  	s7 =	sld [smem:$0x3FB1]  }
0x2d: {  	s3 =	simm.s32 $0x108;
	s8 =	sld [smem:$0x3FB2]  }
0x2e: {  	s3 =	simm.s32 @!p0 $0x1082;
	s9 =	sld [smem:$0x3FB3]  }
0x2f: {  	lr =	sadd.s32 s0, s3;
	s0 =	sld [smem:$0x3FAA]  }
0x30: {  	s3 =	sld [smem:$0x3FAD]  }
0x31: {  	[smem:$0x3FB6] =	sst s10  }
0x32: {  	s10 =	sld [smem:$0x3FB4];
	_ =	sdelay $0x3  }
0x33: {  	p0 =	seq.s32 s10, $0x1;
	s10 =	sld [smem:$0x3FB6];
	_ =	sdelay $0x3  }
0x34: {  	[smem:$0x3FB6] =	sst s10  }
0x35: {  	s10 =	sld [smem:$0x3FB5];
	_ =	sdelay $0x3  }
0x36: {  	p1 =	seq.s32 s10, $0x1;
	s10 =	sld [smem:$0x3FB6];
	_ =	sdelay $0x3  }
0x37: {  	[smem:$0x3FB6] =	sst s10  }
0x38: {  	s10 =	sld [smem:$0x3FB7]  }
0x39: {  	_ = 	snop;
	(pc) =	sbr.ind lr, $3  }
0x3a: {  	_ = 	snop  }
0x3b: {  	_ = 	snop  }
0x3c: {  	p2 =	seq.s32 s10, $0x1;
	s10 =	sld [smem:$0x3FB6]  }
0x3d: {  	_ =	shalt  }
0x3e: {  	_ =	shalt  }
0x3f: {  	_ =	shalt  }
0x40: {  	_ =	shalt  }
0x41: {  	_ =	shalt  }
0x42: {  	_ =	shalt  }
0x43: {  	_ =	shalt  }
0x44: {  	_ =	shalt  }
0x45: {  	_ =	shalt  }
0x46: {  	_ =	shalt  }
0x47: {  	_ =	shalt  }
0x48: {  	_ =	shalt  }
0x49: {  	_ =	shalt  }
0x4a: {  	_ =	shalt  }
0x4b: {  	_ =	shalt  }
0x4c: {  	_ =	shalt  }
0x4d: {  	_ =	shalt  }
0x4e: {  	_ =	shalt  }
0x4f: {  	_ =	shalt  }
0x50: {  	_ =	shalt  }
0x51: {  	_ =	shalt  }
0x52: {  	_ =	shalt  }
0x53: {  	_ =	shalt  }
0x54: {  	_ =	shalt  }
0x55: {  	_ =	shalt  }
0x56: {  	_ =	shalt  }
0x57: {  	_ =	shalt  }
0x58: {  	_ =	shalt  }
0x59: {  	_ =	shalt  }
0x5a: {  	_ =	shalt  }
0x5b: {  	_ =	shalt  }
0x5c: {  	_ =	shalt  }
0x5d: {  	_ =	shalt  }
0x5e: {  	_ =	shalt  }
0x5f: {  	_ =	shalt  }
0x60: {  	_ =	shalt  }
0x61: {  	_ =	shalt  }
0x62: {  	_ =	shalt  }
0x63: {  	_ =	shalt  }
0x64: {  	_ =	shalt  }
0x65: {  	_ =	shalt  }
0x66: {  	_ =	shalt  }
0x67: {  	_ =	shalt  }
0x68: {  	_ =	shalt  }
0x69: {  	_ =	shalt  }
0x6a: {  	_ =	shalt  }
0x6b: {  	_ =	shalt  }
0x6c: {  	_ =	shalt  }
0x6d: {  	_ =	shalt  }
0x6e: {  	_ =	shalt  }
0x6f: {  	_ =	shalt  }
0x70: {  	_ =	shalt  }
0x71: {  	_ =	shalt  }
0x72: {  	_ =	shalt  }
0x73: {  	_ =	shalt  }
0x74: {  	_ =	shalt  }
0x75: {  	_ =	shalt  }
0x76: {  	_ =	shalt  }
0x77: {  	_ =	shalt  }
0x78: {  	_ =	shalt  }
0x79: {  	_ =	shalt  }
0x7a: {  	_ =	shalt  }
0x7b: {  	_ =	shalt  }
0x7c: {  	_ =	shalt  }
0x7d: {  	_ =	shalt  }
0x7e: {  	_ =	shalt  }
0x7f: {  	_ =	shalt  }
0x80: {  	_ =	shalt  }
0x81: {  	_ =	shalt  }
0x82: {  	_ =	shalt  }
0x83: {  	_ =	shalt  }
0x84: {  	_ =	shalt  }
0x85: {  	_ =	shalt  }
0x86: {  	_ =	shalt  }
0x87: {  	_ =	shalt  }
.Lfunc_end0:
.L_simem_size_0:
called_computation_lowered:
.L_overlay_start_0:
0x88: {  	s2 =	sld [smem:$0x3FD9]  }
0x89: {  	s3 =	sld [smem:$0x3FFE];
	_ =	sdelay $0x1  }
0x8a: {  	s1 =	srdreg.scid  }
0x8b: {  	s0 =	sand.u32 $0x1, s1  }
0x8c: {  	s17 =	sshll.u32 s0, $0xA;
	s2 =	sadd.s32 s3, s2  }
0x8d: {  	s2 =	sadd.s32 s2, s17  }
0x8e: {  	[smem:$0x3FC2] =	sst s2  }
0x8f: {  	_ = 	snop  }
0x90: {  	s2 =	sld [smem:$0x3FD0];
	(tm) =	ssettm $0x1  }
0x91: {  	s18 =	sld [smem:$0x3FFB];
	_ =	sdelay $0x3  }
0x92: {  	_ =	strace s18  }
0x93: {  	s3 =	sld [smem:$0x3FFC];
	_ =	sdelay $0x3  }
0x94: {  	_ =	strace s3  }
0x95: {  	s3 =	sld [smem:$0x3FFD];
	_ =	sdelay $0x3  }
0x96: {  	_ =	strace s3  }
0x97: {  	_ =	strace $0x8FFFFFFF  }
0x98: {  	s19 =	sld [smem:$0x3FDB];
	_ =	sdelay $0x1  }
0x99: {  	s4 =	simm.s32 $_scs_section_size  }
0x9a: {  	s5 =	simm.s32 $_size__tile_overlayer_lowered;
	s6 =	simm.s32 $_tile_overlayer_lowered  }
0x9b: {  	s22 =	simm.s32 $0x1BFF;
	s21 =	sshll.u32 s6, $0x1;
	s3 =	sadd.s32 s4, s19  }
0x9c: {  	s7 =	simm.s32 $0x0;
	s20 =	sshll.u32 s5, $0x1;
	s5 =	sadd.s32 s21, s3  }
0x9d: {  	[timem:s7], [sflag:s22] =	dma.local [hbm:s5], s20  }
0x9e: {  	_ =	swait.ge [sflag:s22], s20  }
0x9f: {  	s4 =	ssub.s32 $0x0, s20;
	[sflag:s22] =	ssyncset.done $0x0  }
0xa0: {  	[sflag:s22] =	ssyncadd.s32 s4;
	_ =	sdelay $0x1  }
0xa1: {  	s23 =	simm.s32 $0x1B8B  }
0xa2: {  	_ =	swait.ge [sflag:s23], $0x1  }
0xa3: {  	[sflag:s23] =	ssyncset.done $0x0  }
0xa4: {  	s25 =	simm.s32 $0x1B8E;
	s24 =	sld [smem:$0x3FFE];
	[sflag:s23] =	ssyncadd.s32 $0xFFFFFFFF  }
0xa5: {  	s26 =	simm.s32 $execute0_lowered;
	[smem:$0x3FD2] =	sst s25  }
0xa6: {  	s5 =	sshll.u32 s26, $0x1;
	_ =	strace $0x80000046;
	[dreg:$0x1] =	wrdreg $0xFFFFFFFF  }
0xa7: {  	s28 =	simm.s32 $_size_execute0_lowered;
	s3 =	sadd.s32 s3, s5;
	[dreg:$0x0] =	wrdreg $0x0  }
0xa8: {  	s5 =	sshll.u32 s28, $0x1;
	[dreg:$0x2] =	wrdreg s3  }
0xa9: {  	[dreg:$0x3] =	wrdreg s5  }
0xaa: {  	[dreg:$0x4] =	wrdreg $0xC0  }
0xab: {  	_ =	task [dreg:s7], $0x5FFFF  }
0xac: {  	[dreg:$0x1] =	wrdreg $0xFFFFFFFF  }
0xad: {  	[dreg:$0x0] =	wrdreg $0x60  }
0xae: {  	[dreg:$0x2] =	wrdreg s24  }
0xaf: {  	[dreg:$0x3] =	wrdreg s2  }
0xb0: {  	[dreg:$0x4] =	wrdreg $0x9  }
0xb1: {  	_ =	task.clear_ibuf [dreg:s7], $0x5FFFF;
	_ =	strace $0x90000046  }
0xb2: {  	s29 =	simm.s32 $0x9;
	_ =	strace $0x80000048  }
0xb3: {  	_ =	swait.ge [sflag:s29], $0x1  }
0xb4: {  	[sflag:s29] =	ssyncadd.s32 $0xFFFFFFFF  }
0xb5: {  	_ =	strace $0x90000048  }
0xb6: {  	_ =	sfence  }
0xb7: {  	s30 =	sld [smem:$0x0];
	_ =	sdelay $0x2  }
0xb8: {  	s31 =	sshll.u32 s1, $0xD;
	s1 =	sshrl.u32 s1, $0x2  }
0xb9: {  	s3 =	sand.u32 $0x4000, s31;
	s1 =	sadd.s32 s1, s30  }
0xba: {  	s0 =	sor.u32 s3, s0;
	s1 =	sshll.u32 s1, $0x11  }
0xbb: {  	s0 =	sor.u32 s1, s0  }
0xbc: {  	s0 =	sadd.s32 $0x8F2B, s0  }
0xbd: {  	[sflag:s0] =	ssyncadd.remote.s32 $0x1  }
0xbe: {  	_ =	sfence.sel $0xFFFF  }
0xbf: {  	[dreg:$0x0] =	wrdreg $0xFFFFFFFF;
	(pc) =	sbr.abs _section_cstart, $3  }
0xc0: {  	[dreg:$0x1] =	wrdreg $0xFFFFFFFF  }
0xc1: {  	_ =	task.clear_ibuf [dreg:s7], $0x2FFFF;
	_ =	strace $0x9FFFFFFF  }
0xc2: {  	(tm) =	ssettm $0x7FFFFFFF  }
0xc3: {  	_ =	shalt  }
tec
execute0_lowered:
.L_overlay_start_1:
0x0: {  	(tag) =	ssettag $0x1  }
0x1: {  	s4 =	rddreg [dreg:$0x0]  }
0x2: {  	s5 =	rddreg [dreg:$0x1]  }
0x3: {  	s0 =	rddreg [dreg:$0x2];
	s2 =	simm.s32 $0x0;
	s3 =	srdreg.scid  }
0x4: {  	s1 =	stileid.u32;
	s11 =	simm.s32 $0x400;
	s12 =	simm.s32 $0x4400  }
0x5: {  	s13 =	simm.s32 $0x100;
	s14 =	simm.s32 $0x8400;
	s15 =	simm.s32 $0x18400  }
0x6: {  	s16 =	simm.s32 $0x18C00;
	s17 =	simm.s32 $0x18C80;
	s18 =	simm.s32 $0x0  }
0x7: {  	[smem:$0x7FF] =	sst s2;
	s6 =	sand.u32 $0x1, s3;
	s30 =	sshll.u32 s1, $0x1  }
0x8: {  	s3 =	sadd.s32 $0x1600, s4;
	_ =	strace $0x80000047;
	s7 =	sor.u32 s6, s30  }
0x9: {  	s6 =	ssub.s32 $0x2, s6;
	s8 =	sshll.u32 s7, $0x8;
	s9 =	sshll.u32 s7, $0x4  }
0xa: {  	s10 =	sshrl.u32 s6, $0x1;
	s31 =	sshll.u32 s7, $0x6;
	s8 =	sadd.s32 s8, s4  }
0xb: {  	s9 =	sadd.s32 s9, s4;
	s10 =	ssub.s32 s6, s10;
	s4 =	sadd.s32 s5, s31  }
0xc: {  	s5 =	sadd.s32 $0x188000, s8;
	s6 =	sadd.s32 $0x1EA000, s9;
	s7 =	sadd.s32 $0x1EA200, s9  }
0xd: {  	s8 =	smax.u32 s10, $0x1;
	s9 =	simm.s32 $0x3;
	s10 =	simm.s32 $0x80  }
.LBB2_1:
0xe: {  	[tilespmem:s2], [sflag:$0x3] =	stream.linear.gather [hbm4b:s4+s2], $0x180, $0x38;
	[tilespmem:$0x18D00] =	vst v63  }
0xf: {  	_ =	swait.ge [sflag:s9], $0x180  }
0x10: {  	[sflag:s9] =	ssyncset.done $0x0  }
0x11: {  	v0 =	vimm.f32 $0.0e+00;
	[sflag:s9] =	ssyncadd.s32 $0xFFFFFE80  }
0x12: {  	v1 =	vimm.f32 $0.0e+00;
	v2 =	vimm.f32 $0.0e+00;
	v3 =	vimm.f32 $0.0e+00;
	[tilespmem:s11], [sflag:$0x1] =	stream.indirect.gather [hbm4b:s3+s10], $0x80, s2, s10, $0xb8;
	[tilespmem:$0x18D00] =	vst v63  }
0x13: {  	v4 =	vimm.f32 $0.0e+00;
	v5 =	vimm.f32 $0.0e+00;
	v6 =	vimm.f32 $0.0e+00  }
0x14: {  	v7 =	vimm.f32 $0.0e+00;
	v8 =	vimm.f32 $0.0e+00;
	v9 =	vimm.f32 $0.0e+00;
	[tilespmem:s12], [sflag:$0x1] =	stream.indirect.gather [hbm4b:s3+s10], $0x80, s10, s10, $0xb8;
	[tilespmem:$0x18D00] =	vst v63  }
0x15: {  	v10 =	vimm.f32 $0.0e+00;
	v11 =	vimm.f32 $0.0e+00;
	v13 =	vimm.f32 $0.0e+00;
	s19 =	simm.s32 $0x0  }
0x16: {  	v12 =	vimm.f32 $0.0e+00;
	v14 =	vimm.f32 $0.0e+00;
	v15 =	vimm.f32 $0.0e+00;
	[tilespmem:s14], [sflag:$0x1] =	stream.indirect.gather [hbm4b:s3+s10], $0x80, s13, s10, $0xb8;
	[tilespmem:$0x18D00] =	vst v63  }
.LBB2_2:
0x17: {  	s21 =	sand.u32 $0x1, s19  }
0x18: {  	p0 =	seq.s32 s21, $0x1  }
0x19: {  	s20 =	simm.s32 @!p0 $0x1  }
0x1a: {  	_ =	swait.ge @!p0 [sflag:s20], $0x4000  }
0x1b: {  	[sflag:s20] =	ssyncset.done @!p0 $0x0  }
0x1c: {  	[sflag:s20] =	ssyncadd.s32 @!p0 $0xFFFFC000  }
0x1d: {  	_ =	swait.ge @!p0 [sflag:s20], $0x4000  }
0x1e: {  	[sflag:s20] =	ssyncset.done @!p0 $0x0  }
0x1f: {  	[sflag:s20] =	ssyncadd.s32 @!p0 $0xFFFFC000  }
0x20: {  	_ =	swait.ge @!p0 [sflag:s20], $0x4000  }
0x21: {  	p2 =	seq.s32 s21, $0x0;
	[sflag:s20] =	ssyncset.done @!p0 $0x0  }
0x22: {  	s22 =	simm.s32 @!p2 $0x2;
	[sflag:s20] =	ssyncadd.s32 @!p0 $0xFFFFC000  }
0x23: {  	_ =	swait.ge @!p2 [sflag:s22], $0x4000  }
0x24: {  	[sflag:s22] =	ssyncset.done @!p2 $0x0  }
0x25: {  	[sflag:s22] =	ssyncadd.s32 @!p2 $0xFFFFC000  }
0x26: {  	_ =	swait.ge @!p2 [sflag:s22], $0x4000  }
0x27: {  	[sflag:s22] =	ssyncset.done @!p2 $0x0  }
0x28: {  	p1 =	seq.s32 s19, $0x30;
	[sflag:s22] =	ssyncadd.s32 @!p2 $0xFFFFC000  }
0x29: {  	p3 =	sne.s32 @!p1 s21, $0x0;
	_ =	swait.ge @!p2 [sflag:s22], $0x4000  }
0x2a: {  	p1 =	por p3, p1;
	s20 =	sadd.s32 $0x1, s19;
	[sflag:s22] =	ssyncset.done @!p2 $0x0  }
0x2b: {  	[sflag:s22] =	ssyncadd.s32 @!p2 $0xFFFFC000;
	s22 =	sshll.u32 @!p1 s20, $0xB  }
0x2c: {  	s23 =	simm.s32 @!p1 $0x0;
	s24 =	simm.s32 @!p1 $0x180;
	s22 =	sadd.s32 @!p1 s22, s4  }
0x2d: {  	[tilespmem:s24], [sflag:$0x3] =	stream.linear.gather @!p1 [hbm4b:s22+s23], $0x180, $0x38;
	[tilespmem:$0x18D00] =	vst v63  }
0x2e: {  	s22 =	simm.s32 @!p1 $0x3  }
0x2f: {  	_ =	swait.ge @!p1 [sflag:s22], $0x180  }
0x30: {  	[sflag:s22] =	ssyncset.done @!p1 $0x0  }
0x31: {  	s23 =	simm.s32 @!p1 $0xC400;
	[sflag:s22] =	ssyncadd.s32 @!p1 $0xFFFFFE80;
	s22 =	simm.s32 @!p1 $0x80  }
0x32: {  	[tilespmem:s23], [sflag:$0x2] =	stream.indirect.gather @!p1 [hbm4b:s3+s22], $0x80, s24, s22, $0xb8;
	[tilespmem:$0x18D00] =	vst v63  }
0x33: {  	s23 =	simm.s32 @!p1 $0x200;
	s24 =	simm.s32 @!p1 $0x10400  }
0x34: {  	[tilespmem:s24], [sflag:$0x2] =	stream.indirect.gather @!p1 [hbm4b:s3+s22], $0x80, s23, s22, $0xb8;
	[tilespmem:$0x18D00] =	vst v63  }
0x35: {  	s23 =	simm.s32 @!p1 $0x280;
	s24 =	simm.s32 @!p1 $0x14400  }
0x36: {  	[tilespmem:s24], [sflag:$0x2] =	stream.indirect.gather @!p1 [hbm4b:s3+s22], $0x80, s23, s22, $0xb8;
	[tilespmem:$0x18D00] =	vst v63  }
0x37: {  	s22 =	sshll.u32 @p0 s20, $0xB  }
0x38: {  	s23 =	simm.s32 @p0 $0x0;
	s22 =	sadd.s32 @p0 s22, s4  }
0x39: {  	[tilespmem:s23], [sflag:$0x3] =	stream.linear.gather @p0 [hbm4b:s22+s23], $0x180, $0x38;
	[tilespmem:$0x18D00] =	vst v63  }
0x3a: {  	s22 =	simm.s32 @p0 $0x3  }
0x3b: {  	_ =	swait.ge @p0 [sflag:s22], $0x180  }
0x3c: {  	[sflag:s22] =	ssyncset.done @p0 $0x0  }
0x3d: {  	s24 =	simm.s32 @p0 $0x400;
	[sflag:s22] =	ssyncadd.s32 @p0 $0xFFFFFE80;
	s22 =	simm.s32 @p0 $0x80  }
0x3e: {  	[tilespmem:s24], [sflag:$0x1] =	stream.indirect.gather @p0 [hbm4b:s3+s22], $0x80, s23, s22, $0xb8;
	[tilespmem:$0x18D00] =	vst v63  }
0x3f: {  	s23 =	simm.s32 @p0 $0x4400  }
0x40: {  	[tilespmem:s23], [sflag:$0x1] =	stream.indirect.gather @p0 [hbm4b:s3+s22], $0x80, s22, s22, $0xb8;
	[tilespmem:$0x18D00] =	vst v63  }
0x41: {  	s24 =	simm.s32 @p0 $0x8400;
	s23 =	simm.s32 @p0 $0x100  }
0x42: {  	[tilespmem:s24], [sflag:$0x1] =	stream.indirect.gather @p0 [hbm4b:s3+s22], $0x80, s23, s22, $0xb8;
	[tilespmem:$0x18D00] =	vst v63  }
0x43: {  	s21 =	smul.u32 $0x180, s21;
	s22 =	simm.s32 $0x0  }
.LBB2_3:
0x44: {  	s23 =	smul.u32 $0x18, s22;
	_ =	sdelay $0x1  }
0x45: {  	s23 =	sadd.s32 s21, s23  }
0x46: {  	s23 =	sshll.u32 s23, $0x7  }
0x47: {  	s23 =	sand.u32 $0x3FFFFF80, s23  }
0x48: {  	v16 =	vld [tilespmem:s23+$0x400]  }
0x49: {  	v17 =	vld [tilespmem:s23+$0x410]  }
0x4a: {  	v18 =	vld [tilespmem:s23+$0x420]  }
0x4b: {  	v19 =	vld [tilespmem:s23+$0x430]  }
0x4c: {  	v20 =	vld [tilespmem:s23+$0x440]  }
0x4d: {  	v22 =	vld [tilespmem:s23+$0x450]  }
0x4e: {  	v24 =	vld [tilespmem:s23+$0x460]  }
0x4f: {  	v25 =	vld [tilespmem:s23+$0x470]  }
0x50: {  	v26 =	vld [tilespmem:s23+$0x480]  }
0x51: {  	v27 =	vld [tilespmem:s23+$0x490]  }
0x52: {  	v28 =	vld [tilespmem:s23+$0x4A0];
	v21 =	vmul.f32 v16, v16;
	v23 =	vmul.f32 v17, v17  }
0x53: {  	v29 =	vld [tilespmem:s23+$0x4B0];
	v15 =	vadd.f32 v16, v15;
	v43 =	vmul.f32 v18, v18;
	v14 =	vadd.f32 v17, v14  }
0x54: {  	v50 =	vld [tilespmem:s23+$0x4C0];
	v44 =	vmul.f32 v19, v19;
	v12 =	vadd.f32 v18, v12;
	v45 =	vmul.f32 v20, v20  }
0x55: {  	v52 =	vld [tilespmem:s23+$0x4D0];
	v13 =	vadd.f32 v19, v13;
	v46 =	vmul.f32 v22, v22;
	v11 =	vadd.f32 v20, v11  }
0x56: {  	v30 =	vld [tilespmem:s23+$0x4E0];
	v47 =	vmul.f32 v24, v24;
	v10 =	vadd.f32 v22, v10;
	v48 =	vmul.f32 v25, v25  }
0x57: {  	v9 =	vadd.f32 v24, v9;
	v49 =	vmul.f32 v26, v26;
	v8 =	vadd.f32 v25, v8  }
0x58: {  	v55 =	vld [tilespmem:s23+$0x4F0];
	v16 =	vmax.f32 v16, v26;
	v51 =	vmul.f32 v27, v27;
	v17 =	vmax.f32 v17, v27  }
0x59: {  	v53 =	vmul.f32 v28, v28;
	v18 =	vmax.f32 v18, v28;
	v54 =	vmul.f32 v29, v29  }
0x5a: {  	v57 =	vld [tilespmem:s23+$0x500];
	v19 =	vmax.f32 v19, v29;
	v56 =	vmul.f32 v50, v50;
	v20 =	vmax.f32 v20, v50  }
0x5b: {  	v59 =	vld [tilespmem:s23+$0x510];
	v58 =	vmul.f32 v52, v52;
	v60 =	vmax.f32 v22, v52;
	v61 =	vmul.f32 v30, v30  }
0x5c: {  	v63 =	vld [tilespmem:s23+$0x520];
	v62 =	vmax.f32 v24, v30;
	v7 =	vadd.f32 v21, v7;
	v6 =	vadd.f32 v23, v6  }
0x5d: {  	v34 =	vld [tilespmem:s23+$0x530];
	v33 =	vmul.f32 v55, v55;
	v5 =	vadd.f32 v43, v5;
	v4 =	vadd.f32 v44, v4  }
0x5e: {  	v25 =	vmax.f32 v25, v55;
	v3 =	vadd.f32 v45, v3;
	v2 =	vadd.f32 v46, v2  }
0x5f: {  	v35 =	vmul.f32 v57, v57;
	v1 =	vadd.f32 v47, v1;
	v0 =	vadd.f32 v48, v0  }
0x60: {  	v37 =	vmul.f32 v59, v59;
	v15 =	vadd.f32 v26, v15;
	v14 =	vadd.f32 v27, v14  }
0x61: {  	v39 =	vmul.f32 v63, v63;
	v12 =	vadd.f32 v28, v12;
	v13 =	vadd.f32 v29, v13  }
0x62: {  	v36 =	vld [tilespmem:s23+$0x540];
	v41 =	vmul.f32 v34, v34;
	v11 =	vadd.f32 v50, v11;
	v10 =	vadd.f32 v52, v10  }
0x63: {  	v42 =	vld [tilespmem:s23+$0x570];
	v16 =	vmax.f32 v16, v57;
	v9 =	vadd.f32 v30, v9;
	v8 =	vadd.f32 v55, v8  }
0x64: {  	v17 =	vmax.f32 v17, v59;
	v7 =	vadd.f32 v49, v7;
	v6 =	vadd.f32 v51, v6  }
0x65: {  	v38 =	vld [tilespmem:s23+$0x550];
	v18 =	vmax.f32 v18, v63;
	v5 =	vadd.f32 v53, v5;
	v4 =	vadd.f32 v54, v4  }
0x66: {  	v40 =	vld [tilespmem:s23+$0x560];
	v19 =	vmax.f32 v19, v34;
	v3 =	vadd.f32 v56, v3;
	v2 =	vadd.f32 v58, v2  }
0x67: {  	v20 =	vmax.f32 v20, v36;
	v1 =	vadd.f32 v61, v1;
	v0 =	vadd.f32 v33, v0  }
0x68: {  	v25 =	vmax.f32 v25, v42;
	v15 =	vadd.f32 v57, v15;
	v14 =	vadd.f32 v59, v14  }
0x69: {  	v43 =	vmul.f32 v36, v36;
	v12 =	vadd.f32 v63, v12;
	v13 =	vadd.f32 v34, v13  }
0x6a: {  	v44 =	vld [tilespmem:s23+$0x580];
	v45 =	vmul.f32 v38, v38;
	v11 =	vadd.f32 v36, v11;
	v10 =	vadd.f32 v38, v10  }
0x6b: {  	v46 =	vld [tilespmem:s23+$0x590];
	v21 =	vmax.f32 v60, v38;
	v9 =	vadd.f32 v40, v9;
	v8 =	vadd.f32 v42, v8  }
0x6c: {  	v47 =	vmul.f32 v40, v40;
	v48 =	vld [tilespmem:s23+$0x5A0];
	v7 =	vadd.f32 v35, v7;
	v6 =	vadd.f32 v37, v6  }
0x6d: {  	v50 =	vmul.f32 v42, v42;
	v55 =	vld [tilespmem:s23+$0x5D0];
	v5 =	vadd.f32 v39, v5;
	v4 =	vadd.f32 v41, v4  }
0x6e: {  	v49 =	vmax.f32 v62, v40;
	v3 =	vadd.f32 v43, v3;
	v2 =	vadd.f32 v45, v2  }
0x6f: {  	v51 =	vld [tilespmem:s23+$0x5B0];
	v1 =	vadd.f32 v47, v1;
	v0 =	vadd.f32 v50, v0;
	v52 =	vmul.f32 v44, v44  }
0x70: {  	v53 =	vld [tilespmem:s23+$0x5C0];
	v16 =	vmax.f32 v16, v44;
	v15 =	vadd.f32 v44, v15;
	v54 =	vmul.f32 v46, v46  }
0x71: {  	v57 =	vld [tilespmem:s23+$0x5E0];
	v17 =	vmax.f32 v17, v46;
	v56 =	vmul.f32 v48, v48;
	v14 =	vadd.f32 v46, v14  }
0x72: {  	v59 =	vld [tilespmem:s23+$0x5F0];
	v18 =	vmax.f32 v18, v48;
	v12 =	vadd.f32 v48, v12;
	v62 =	vmul.f32 v55, v55  }
0x73: {  	v61 =	vld [tilespmem:s23+$0x600];
	v21 =	vmax.f32 v21, v55;
	v10 =	vadd.f32 v55, v10;
	v7 =	vadd.f32 v52, v7  }
0x74: {  	v63 =	vld [tilespmem:s23+$0x610];
	v6 =	vadd.f32 v54, v6;
	v5 =	vadd.f32 v56, v5;
	v58 =	vmul.f32 v51, v51  }
0x75: {  	v33 =	vld [tilespmem:s23+$0x620];
	v19 =	vmax.f32 v19, v51;
	v13 =	vadd.f32 v51, v13;
	v60 =	vmul.f32 v53, v53  }
0x76: {  	v38 =	vld [tilespmem:s23+$0x640];
	v20 =	vmax.f32 v20, v53;
	v11 =	vadd.f32 v53, v11;
	v2 =	vadd.f32 v62, v2  }
0x77: {  	v40 =	vld [tilespmem:s23+$0x650];
	v32 =	vmul.f32 v57, v57;
	v22 =	vmax.f32 v49, v57;
	v9 =	vadd.f32 v57, v9  }
0x78: {  	v42 =	vld [tilespmem:s23+$0x660];
	v34 =	vmul.f32 v59, v59;
	v36 =	vmax.f32 v25, v59;
	v37 =	vmul.f32 v61, v61  }
0x79: {  	v8 =	vadd.f32 v59, v8;
	v16 =	vmax.f32 v16, v61;
	v15 =	vadd.f32 v61, v15  }
0x7a: {  	v39 =	vmul.f32 v63, v63;
	v17 =	vmax.f32 v17, v63;
	v14 =	vadd.f32 v63, v14  }
0x7b: {  	v35 =	vld [tilespmem:s23+$0x630];
	v41 =	vmul.f32 v33, v33;
	v18 =	vmax.f32 v18, v33;
	v12 =	vadd.f32 v33, v12  }
0x7c: {  	v45 =	vmul.f32 v38, v38;
	v47 =	vmul.f32 v40, v40;
	v21 =	vmax.f32 v21, v40  }
0x7d: {  	v50 =	vld [tilespmem:s23+$0x6A0];
	v49 =	vmul.f32 v42, v42;
	v10 =	vadd.f32 v40, v10;
	v4 =	vadd.f32 v58, v4  }
0x7e: {  	v44 =	vld [tilespmem:s23+$0x670];
	v20 =	vmax.f32 v20, v38;
	v3 =	vadd.f32 v60, v3;
	v1 =	vadd.f32 v32, v1  }
0x7f: {  	v46 =	vld [tilespmem:s23+$0x680];
	v22 =	vmax.f32 v22, v42;
	v0 =	vadd.f32 v34, v0;
	v7 =	vadd.f32 v37, v7  }
0x80: {  	v48 =	vld [tilespmem:s23+$0x690];
	v6 =	vadd.f32 v39, v6;
	v43 =	vmul.f32 v35, v35;
	v5 =	vadd.f32 v41, v5  }
0x81: {  	v19 =	vmax.f32 v19, v35;
	v13 =	vadd.f32 v35, v13;
	v11 =	vadd.f32 v38, v11  }
0x82: {  	v2 =	vadd.f32 v47, v2;
	v9 =	vadd.f32 v42, v9;
	v57 =	vmul.f32 v50, v50  }
0x83: {  	v52 =	vld [tilespmem:s23+$0x6B0];
	v18 =	vmax.f32 v18, v50;
	v12 =	vadd.f32 v50, v12;
	v51 =	vmul.f32 v44, v44  }
0x84: {  	v54 =	vld [tilespmem:s23+$0x6C0];
	v23 =	vmax.f32 v36, v44;
	v8 =	vadd.f32 v44, v8;
	v15 =	vadd.f32 v46, v15  }
0x85: {  	v53 =	vmul.f32 v46, v46;
	v14 =	vadd.f32 v48, v14;
	v4 =	vadd.f32 v43, v4  }
0x86: {  	v56 =	vld [tilespmem:s23+$0x6D0];
	v55 =	vmul.f32 v48, v48;
	v3 =	vadd.f32 v45, v3;
	v1 =	vadd.f32 v49, v1  }
0x87: {  	v62 =	vld [tilespmem:s23+$0x700];
	v16 =	vmax.f32 v16, v46;
	v5 =	vadd.f32 v57, v5;
	v0 =	vadd.f32 v51, v0  }
0x88: {  	v33 =	vld [tilespmem:s23+$0x710];
	v17 =	vmax.f32 v17, v48;
	v7 =	vadd.f32 v53, v7;
	v6 =	vadd.f32 v55, v6  }
0x89: {  	v58 =	vld [tilespmem:s23+$0x6E0];
	v59 =	vmul.f32 v52, v52;
	v19 =	vmax.f32 v19, v52;
	v61 =	vmul.f32 v54, v54  }
0x8a: {  	v60 =	vld [tilespmem:s23+$0x6F0];
	v13 =	vadd.f32 v52, v13;
	v20 =	vmax.f32 v20, v54;
	v11 =	vadd.f32 v54, v11  }
0x8b: {  	v63 =	vmul.f32 v56, v56;
	v21 =	vmax.f32 v21, v56;
	v10 =	vadd.f32 v56, v10  }
0x8c: {  	v35 =	vld [tilespmem:s23+$0x720];
	v38 =	vmul.f32 v62, v62;
	v16 =	vmax.f32 v16, v62;
	v15 =	vadd.f32 v62, v15  }
0x8d: {  	v37 =	vld [tilespmem:s23+$0x730];
	v40 =	vmul.f32 v33, v33;
	v17 =	vmax.f32 v17, v33;
	v14 =	vadd.f32 v33, v14  }
0x8e: {  	v39 =	vld [tilespmem:s23+$0x740];
	v4 =	vadd.f32 v59, v4;
	v3 =	vadd.f32 v61, v3;
	v34 =	vmul.f32 v58, v58  }
0x8f: {  	v41 =	vld [tilespmem:s23+$0x750];
	v2 =	vadd.f32 v63, v2;
	v22 =	vmax.f32 v22, v58;
	v36 =	vmul.f32 v60, v60  }
0x90: {  	v47 =	vld [tilespmem:s23+$0x780];
	v9 =	vadd.f32 v58, v9;
	v23 =	vmax.f32 v23, v60;
	v8 =	vadd.f32 v60, v8  }
0x91: {  	v7 =	vadd.f32 v38, v7;
	v42 =	vmul.f32 v35, v35;
	v6 =	vadd.f32 v40, v6  }
0x92: {  	v18 =	vmax.f32 v18, v35;
	v12 =	vadd.f32 v35, v12;
	v44 =	vmul.f32 v37, v37  }
0x93: {  	v43 =	vld [tilespmem:s23+$0x760];
	v19 =	vmax.f32 v19, v37;
	v13 =	vadd.f32 v37, v13;
	v46 =	vmul.f32 v39, v39  }
0x94: {  	v45 =	vld [tilespmem:s23+$0x770];
	v20 =	vmax.f32 v20, v39;
	v48 =	vmul.f32 v41, v41;
	v11 =	vadd.f32 v39, v11  }
0x95: {  	v49 =	vld [tilespmem:s23+$0x790];
	v21 =	vmax.f32 v21, v41;
	v10 =	vadd.f32 v41, v10;
	v15 =	vadd.f32 v47, v15  }
0x96: {  	v57 =	vld [tilespmem:s23+$0x7D0];
	v54 =	vmul.f32 v47, v47;
	v1 =	vadd.f32 v34, v1;
	v0 =	vadd.f32 v36, v0  }
0x97: {  	v51 =	vld [tilespmem:s23+$0x7A0];
	v16 =	vmax.f32 v16, v47;
	v5 =	vadd.f32 v42, v5;
	v4 =	vadd.f32 v44, v4  }
0x98: {  	v53 =	vld [tilespmem:s23+$0x7B0];
	v3 =	vadd.f32 v46, v3;
	v2 =	vadd.f32 v48, v2;
	v50 =	vmul.f32 v43, v43  }
0x99: {  	v22 =	vmax.f32 v22, v43;
	v9 =	vadd.f32 v43, v9;
	v52 =	vmul.f32 v45, v45  }
0x9a: {  	v55 =	vld [tilespmem:s23+$0x7C0];
	v23 =	vmax.f32 v23, v45;
	v8 =	vadd.f32 v45, v8;
	v7 =	vadd.f32 v54, v7  }
0x9b: {  	v56 =	vmul.f32 v49, v49;
	v17 =	vmax.f32 v17, v49;
	v14 =	vadd.f32 v49, v14  }
0x9c: {  	v33 =	vld [tilespmem:s23+$0x810];
	v32 =	vmul.f32 v57, v57;
	v21 =	vmax.f32 v21, v57;
	v10 =	vadd.f32 v57, v10  }
0x9d: {  	v58 =	vmul.f32 v51, v51;
	v18 =	vmax.f32 v18, v51;
	v60 =	vmul.f32 v53, v53  }
0x9e: {  	v59 =	vld [tilespmem:s23+$0x7E0];
	v12 =	vadd.f32 v51, v12;
	v19 =	vmax.f32 v19, v53;
	v13 =	vadd.f32 v53, v13  }
0x9f: {  	v61 =	vld [tilespmem:s23+$0x7F0];
	v62 =	vmul.f32 v55, v55;
	v11 =	vadd.f32 v55, v11;
	v1 =	vadd.f32 v50, v1  }
0xa0: {  	v63 =	vld [tilespmem:s23+$0x800];
	v20 =	vmax.f32 v20, v55;
	v0 =	vadd.f32 v52, v0;
	v6 =	vadd.f32 v56, v6  }
0xa1: {  	v35 =	vld [tilespmem:s23+$0x820];
	v40 =	vmul.f32 v33, v33;
	v2 =	vadd.f32 v32, v2;
	v14 =	vadd.f32 v33, v14  }
0xa2: {  	v37 =	vld [tilespmem:s23+$0x830];
	v17 =	vmax.f32 v17, v33;
	v5 =	vadd.f32 v58, v5;
	v4 =	vadd.f32 v60, v4  }
0xa3: {  	v39 =	vld [tilespmem:s23+$0x840];
	v3 =	vadd.f32 v62, v3;
	v34 =	vmul.f32 v59, v59;
	v22 =	vmax.f32 v22, v59  }
0xa4: {  	v41 =	vld [tilespmem:s23+$0x850];
	v9 =	vadd.f32 v59, v9;
	v36 =	vmul.f32 v61, v61;
	v23 =	vmax.f32 v23, v61  }
0xa5: {  	v8 =	vadd.f32 v61, v8;
	v38 =	vmul.f32 v63, v63;
	v16 =	vmax.f32 v16, v63  }
0xa6: {  	v47 =	vld [tilespmem:s23+$0x880];
	v15 =	vadd.f32 v63, v15;
	v42 =	vmul.f32 v35, v35;
	v18 =	vmax.f32 v18, v35  }
0xa7: {  	v12 =	vadd.f32 v35, v12;
	v44 =	vmul.f32 v37, v37;
	v19 =	vmax.f32 v19, v37  }
0xa8: {  	v43 =	vld [tilespmem:s23+$0x860];
	v46 =	vmul.f32 v39, v39;
	v13 =	vadd.f32 v37, v13;
	v20 =	vmax.f32 v20, v39  }
0xa9: {  	v45 =	vld [tilespmem:s23+$0x870];
	v11 =	vadd.f32 v39, v11;
	v48 =	vmul.f32 v41, v41;
	v10 =	vadd.f32 v41, v10  }
0xaa: {  	v21 =	vmax.f32 v21, v41;
	v6 =	vadd.f32 v40, v6;
	v1 =	vadd.f32 v34, v1  }
0xab: {  	v49 =	vld [tilespmem:s23+$0x890];
	v54 =	vmul.f32 v47, v47;
	v0 =	vadd.f32 v36, v0;
	v7 =	vadd.f32 v38, v7  }
0xac: {  	v57 =	vld [tilespmem:s23+$0x8D0];
	v16 =	vmax.f32 v16, v47;
	v5 =	vadd.f32 v42, v5;
	v4 =	vadd.f32 v44, v4  }
0xad: {  	v51 =	vld [tilespmem:s23+$0x8A0];
	v3 =	vadd.f32 v46, v3;
	v50 =	vmul.f32 v43, v43;
	v2 =	vadd.f32 v48, v2  }
0xae: {  	v53 =	vld [tilespmem:s23+$0x8B0];
	v22 =	vmax.f32 v22, v43;
	v52 =	vmul.f32 v45, v45;
	v9 =	vadd.f32 v43, v9  }
0xaf: {  	v55 =	vld [tilespmem:s23+$0x8C0];
	v23 =	vmax.f32 v23, v45;
	v8 =	vadd.f32 v45, v8;
	v15 =	vadd.f32 v47, v15  }
0xb0: {  	v56 =	vmul.f32 v49, v49;
	v17 =	vmax.f32 v17, v49;
	v14 =	vadd.f32 v49, v14  }
0xb1: {  	v32 =	vld [tilespmem:s23+$0x910];
	v31 =	vmul.f32 v57, v57;
	v21 =	vmax.f32 v21, v57;
	v10 =	vadd.f32 v57, v10  }
0xb2: {  	v58 =	vmul.f32 v51, v51;
	v18 =	vmax.f32 v18, v51;
	v12 =	vadd.f32 v51, v12  }
0xb3: {  	v59 =	vld [tilespmem:s23+$0x8E0];
	v60 =	vmul.f32 v53, v53;
	v19 =	vmax.f32 v19, v53;
	v13 =	vadd.f32 v53, v13  }
0xb4: {  	v61 =	vld [tilespmem:s23+$0x8F0];
	v62 =	vmul.f32 v55, v55;
	v11 =	vadd.f32 v55, v11;
	v1 =	vadd.f32 v50, v1  }
0xb5: {  	v63 =	vld [tilespmem:s23+$0x900];
	v20 =	vmax.f32 v20, v55;
	v0 =	vadd.f32 v52, v0;
	v7 =	vadd.f32 v54, v7  }
0xb6: {  	v6 =	vadd.f32 v56, v6;
	v2 =	vadd.f32 v31, v2;
	v39 =	vmul.f32 v32, v32  }
0xb7: {  	v40 =	vld [tilespmem:s23+$0x950];
	v17 =	vmax.f32 v17, v32;
	v14 =	vadd.f32 v32, v14;
	v5 =	vadd.f32 v58, v5  }
0xb8: {  	v34 =	vld [tilespmem:s23+$0x920];
	v4 =	vadd.f32 v60, v4;
	v3 =	vadd.f32 v62, v3;
	v33 =	vmul.f32 v59, v59  }
0xb9: {  	v36 =	vld [tilespmem:s23+$0x930];
	v22 =	vmax.f32 v22, v59;
	v9 =	vadd.f32 v59, v9;
	v35 =	vmul.f32 v61, v61  }
0xba: {  	v38 =	vld [tilespmem:s23+$0x940];
	v23 =	vmax.f32 v23, v61;
	v37 =	vmul.f32 v63, v63;
	v8 =	vadd.f32 v61, v8  }
0xbb: {  	v42 =	vld [tilespmem:s23+$0x960];
	v16 =	vmax.f32 v16, v63;
	v15 =	vadd.f32 v63, v15;
	v6 =	vadd.f32 v39, v6  }
0xbc: {  	v44 =	vld [tilespmem:s23+$0x970];
	v47 =	vmul.f32 v40, v40;
	v10 =	vadd.f32 v40, v10;
	v1 =	vadd.f32 v33, v1  }
0xbd: {  	v46 =	vld [tilespmem:s23+$0x980];
	v21 =	vmax.f32 v21, v40;
	v0 =	vadd.f32 v35, v0;
	v7 =	vadd.f32 v37, v7  }
0xbe: {  	v48 =	vld [tilespmem:s23+$0x990];
	v41 =	vmul.f32 v34, v34;
	v18 =	vmax.f32 v18, v34;
	v43 =	vmul.f32 v36, v36  }
0xbf: {  	v12 =	vadd.f32 v34, v12;
	v19 =	vmax.f32 v19, v36;
	v13 =	vadd.f32 v36, v13  }
0xc0: {  	v45 =	vmul.f32 v38, v38;
	v20 =	vmax.f32 v20, v38;
	v11 =	vadd.f32 v38, v11  }
0xc1: {  	v49 =	vmul.f32 v42, v42;
	v22 =	vmax.f32 v22, v42;
	v9 =	vadd.f32 v42, v9  }
0xc2: {  	v50 =	vld [tilespmem:s23+$0x9A0];
	v51 =	vmul.f32 v44, v44;
	v23 =	vmax.f32 v23, v44;
	v8 =	vadd.f32 v44, v8  }
0xc3: {  	v52 =	vld [tilespmem:s23+$0x9B0];
	v53 =	vmul.f32 v46, v46;
	v15 =	vadd.f32 v46, v15;
	v14 =	vadd.f32 v48, v14  }
0xc4: {  	v54 =	vld [tilespmem:s23+$0x9C0];
	v16 =	vmax.f32 v16, v46;
	v2 =	vadd.f32 v47, v2;
	v5 =	vadd.f32 v41, v5  }
0xc5: {  	v56 =	vld [tilespmem:s23+$0x9D0];
	v55 =	vmul.f32 v48, v48;
	v4 =	vadd.f32 v43, v4;
	v3 =	vadd.f32 v45, v3  }
0xc6: {  	v58 =	vld [tilespmem:s23+$0x9E0];
	v17 =	vmax.f32 v17, v48;
	v1 =	vadd.f32 v49, v1;
	v0 =	vadd.f32 v51, v0  }
0xc7: {  	v60 =	vld [tilespmem:s23+$0x9F0];
	v7 =	vadd.f32 v53, v7;
	v6 =	vadd.f32 v55, v6;
	v57 =	vmul.f32 v50, v50  }
0xc8: {  	v62 =	vld [tilespmem:s23+$0xA00];
	v18 =	vmax.f32 v18, v50;
	v12 =	vadd.f32 v50, v12;
	v59 =	vmul.f32 v52, v52  }
0xc9: {  	v19 =	vmax.f32 v19, v52;
	v61 =	vmul.f32 v54, v54;
	v13 =	vadd.f32 v52, v13  }
0xca: {  	v20 =	vmax.f32 v20, v54;
	v11 =	vadd.f32 v54, v11;
	v63 =	vmul.f32 v56, v56  }
0xcb: {  	v39 =	vld [tilespmem:s23+$0xA40];
	v21 =	vmax.f32 v21, v56;
	v10 =	vadd.f32 v56, v10;
	v34 =	vmul.f32 v58, v58  }
0xcc: {  	v33 =	vld [tilespmem:s23+$0xA10];
	v22 =	vmax.f32 v22, v58;
	v36 =	vmul.f32 v60, v60;
	v9 =	vadd.f32 v58, v9  }
0xcd: {  	v35 =	vld [tilespmem:s23+$0xA20];
	v23 =	vmax.f32 v23, v60;
	v8 =	vadd.f32 v60, v8;
	v15 =	vadd.f32 v62, v15  }
0xce: {  	v38 =	vmul.f32 v62, v62;
	v5 =	vadd.f32 v57, v5;
	v4 =	vadd.f32 v59, v4  }
0xcf: {  	v37 =	vld [tilespmem:s23+$0xA30];
	v16 =	vmax.f32 v16, v62;
	v3 =	vadd.f32 v61, v3;
	v2 =	vadd.f32 v63, v2  }
0xd0: {  	v47 =	vld [tilespmem:s23+$0xA80];
	v46 =	vmul.f32 v39, v39;
	v20 =	vmax.f32 v20, v39;
	v11 =	vadd.f32 v39, v11  }
0xd1: {  	v1 =	vadd.f32 v34, v1;
	v0 =	vadd.f32 v36, v0;
	v40 =	vmul.f32 v33, v33  }
0xd2: {  	v41 =	vld [tilespmem:s23+$0xA50];
	v7 =	vadd.f32 v38, v7;
	v17 =	vmax.f32 v17, v33;
	v42 =	vmul.f32 v35, v35  }
0xd3: {  	v43 =	vld [tilespmem:s23+$0xA60];
	v14 =	vadd.f32 v33, v14;
	v18 =	vmax.f32 v18, v35;
	v12 =	vadd.f32 v35, v12  }
0xd4: {  	v45 =	vld [tilespmem:s23+$0xA70];
	v44 =	vmul.f32 v37, v37;
	v19 =	vmax.f32 v19, v37;
	v13 =	vadd.f32 v37, v13  }
0xd5: {  	v49 =	vld [tilespmem:s23+$0xA90];
	v3 =	vadd.f32 v46, v3;
	v54 =	vmul.f32 v47, v47;
	v15 =	vadd.f32 v47, v15  }
0xd6: {  	v51 =	vld [tilespmem:s23+$0xAA0];
	v16 =	vmax.f32 v16, v47;
	v6 =	vadd.f32 v40, v6;
	v5 =	vadd.f32 v42, v5  }
0xd7: {  	v53 =	vld [tilespmem:s23+$0xAB0];
	v4 =	vadd.f32 v44, v4;
	v48 =	vmul.f32 v41, v41;
	v21 =	vmax.f32 v21, v41  }
0xd8: {  	v55 =	vld [tilespmem:s23+$0xAC0];
	v10 =	vadd.f32 v41, v10;
	v50 =	vmul.f32 v43, v43;
	v22 =	vmax.f32 v22, v43  }
0xd9: {  	v9 =	vadd.f32 v43, v9;
	v52 =	vmul.f32 v45, v45;
	v23 =	vmax.f32 v23, v45  }
0xda: {  	v8 =	vadd.f32 v45, v8;
	v56 =	vmul.f32 v49, v49;
	v17 =	vmax.f32 v17, v49  }
0xdb: {  	v57 =	vld [tilespmem:s23+$0xAD0];
	v14 =	vadd.f32 v49, v14;
	v58 =	vmul.f32 v51, v51;
	v18 =	vmax.f32 v18, v51  }
0xdc: {  	v59 =	vld [tilespmem:s23+$0xAE0];
	v60 =	vmul.f32 v53, v53;
	v12 =	vadd.f32 v51, v12;
	v13 =	vadd.f32 v53, v13  }
0xdd: {  	v19 =	vmax.f32 v19, v53;
	v11 =	vadd.f32 v55, v11;
	v7 =	vadd.f32 v54, v7  }
0xde: {  	v61 =	vld [tilespmem:s23+$0xAF0];
	v62 =	vmul.f32 v55, v55;
	v2 =	vadd.f32 v48, v2;
	v1 =	vadd.f32 v50, v1  }
0xdf: {  	v63 =	vld [tilespmem:s23+$0xB00];
	v20 =	vmax.f32 v20, v55;
	v0 =	vadd.f32 v52, v0;
	v6 =	vadd.f32 v56, v6  }
0xe0: {  	v39 =	vld [tilespmem:s23+$0xB40];
	v5 =	vadd.f32 v58, v5;
	v4 =	vadd.f32 v60, v4;
	v32 =	vmul.f32 v57, v57  }
0xe1: {  	v33 =	vld [tilespmem:s23+$0xB10];
	v3 =	vadd.f32 v62, v3;
	v21 =	vmax.f32 v21, v57;
	v34 =	vmul.f32 v59, v59  }
0xe2: {  	v35 =	vld [tilespmem:s23+$0xB20];
	v10 =	vadd.f32 v57, v10;
	v22 =	vmax.f32 v22, v59;
	v9 =	vadd.f32 v59, v9  }
0xe3: {  	v37 =	vld [tilespmem:s23+$0xB30];
	v36 =	vmul.f32 v61, v61;
	v23 =	vmax.f32 v23, v61;
	v8 =	vadd.f32 v61, v8  }
0xe4: {  	v38 =	vmul.f32 v63, v63;
	v16 =	vmax.f32 v16, v63;
	v15 =	vadd.f32 v63, v15  }
0xe5: {  	v47 =	vld [tilespmem:s23+$0xB80];
	v46 =	vmul.f32 v39, v39;
	v20 =	vmax.f32 v20, v39;
	v11 =	vadd.f32 v39, v11  }
0xe6: {  	v40 =	vmul.f32 v33, v33;
	v17 =	vmax.f32 v17, v33;
	v14 =	vadd.f32 v33, v14  }
0xe7: {  	v41 =	vld [tilespmem:s23+$0xB50];
	v42 =	vmul.f32 v35, v35;
	v18 =	vmax.f32 v18, v35;
	v12 =	vadd.f32 v35, v12  }
0xe8: {  	v43 =	vld [tilespmem:s23+$0xB60];
	v44 =	vmul.f32 v37, v37;
	v13 =	vadd.f32 v37, v13;
	v2 =	vadd.f32 v32, v2  }
0xe9: {  	v45 =	vld [tilespmem:s23+$0xB70];
	v19 =	vmax.f32 v19, v37;
	v1 =	vadd.f32 v34, v1;
	v0 =	vadd.f32 v36, v0  }
0xea: {  	v49 =	vld [tilespmem:s23+$0xB90];
	v7 =	vadd.f32 v38, v7;
	v3 =	vadd.f32 v46, v3;
	v54 =	vmul.f32 v47, v47  }
0xeb: {  	v51 =	vld [tilespmem:s23+$0xBA0];
	v16 =	vmax.f32 v16, v47;
	v15 =	vadd.f32 v47, v15;
	v6 =	vadd.f32 v40, v6  }
0xec: {  	v53 =	vld [tilespmem:s23+$0xBB0];
	v5 =	vadd.f32 v42, v5;
	v4 =	vadd.f32 v44, v4;
	v48 =	vmul.f32 v41, v41  }
0xed: {  	v55 =	vld [tilespmem:s23+$0xBC0];
	v21 =	vmax.f32 v21, v41;
	v10 =	vadd.f32 v41, v10;
	v50 =	vmul.f32 v43, v43  }
0xee: {  	v22 =	vmax.f32 v22, v43;
	v52 =	vmul.f32 v45, v45;
	v9 =	vadd.f32 v43, v9  }
0xef: {  	v23 =	vmax.f32 v23, v45;
	v8 =	vadd.f32 v45, v8;
	v56 =	vmul.f32 v49, v49  }
0xf0: {  	v17 =	vmax.f32 v17, v49;
	v58 =	vmul.f32 v51, v51;
	v14 =	vadd.f32 v49, v14  }
0xf1: {  	v57 =	vld [tilespmem:s23+$0xBD0];
	v18 =	vmax.f32 v18, v51;
	v12 =	vadd.f32 v51, v12;
	v13 =	vadd.f32 v53, v13  }
0xf2: {  	v59 =	vld [tilespmem:s23+$0xBE0];
	v60 =	vmul.f32 v53, v53;
	v11 =	vadd.f32 v55, v11;
	v7 =	vadd.f32 v54, v7  }
0xf3: {  	v61 =	vld [tilespmem:s23+$0xBF0];
	v19 =	vmax.f32 v19, v53;
	v2 =	vadd.f32 v48, v2;
	v1 =	vadd.f32 v50, v1  }
0xf4: {  	v63 =	vld [tilespmem:s23+$0xC00];
	v62 =	vmul.f32 v55, v55;
	v0 =	vadd.f32 v52, v0;
	v6 =	vadd.f32 v56, v6  }
0xf5: {  	v20 =	vmax.f32 v20, v55;
	v5 =	vadd.f32 v58, v5;
	v4 =	vadd.f32 v60, v4  }
0xf6: {  	v32 =	vld [tilespmem:s23+$0xC10];
	v31 =	vmul.f32 v57, v57;
	v3 =	vadd.f32 v62, v3;
	v21 =	vmax.f32 v21, v57  }
0xf7: {  	v34 =	vld [tilespmem:s23+$0xC20];
	v10 =	vadd.f32 v57, v10;
	v33 =	vmul.f32 v59, v59;
	v22 =	vmax.f32 v22, v59  }
0xf8: {  	v36 =	vld [tilespmem:s23+$0xC30];
	v9 =	vadd.f32 v59, v9;
	v35 =	vmul.f32 v61, v61;
	v23 =	vmax.f32 v23, v61  }
0xf9: {  	v38 =	vld [tilespmem:s23+$0xC40];
	v37 =	vmul.f32 v63, v63;
	v8 =	vadd.f32 v61, v8;
	v15 =	vadd.f32 v63, v15  }
0xfa: {  	v46 =	vld [tilespmem:s23+$0xC80];
	v16 =	vmax.f32 v16, v63;
	v2 =	vadd.f32 v31, v2;
	v1 =	vadd.f32 v33, v1  }
0xfb: {  	v40 =	vld [tilespmem:s23+$0xC50];
	v0 =	vadd.f32 v35, v0;
	v7 =	vadd.f32 v37, v7;
	v39 =	vmul.f32 v32, v32  }
0xfc: {  	v42 =	vld [tilespmem:s23+$0xC60];
	v17 =	vmax.f32 v17, v32;
	v14 =	vadd.f32 v32, v14;
	v41 =	vmul.f32 v34, v34  }
0xfd: {  	v44 =	vld [tilespmem:s23+$0xC70];
	v18 =	vmax.f32 v18, v34;
	v43 =	vmul.f32 v36, v36;
	v12 =	vadd.f32 v34, v12  }
0xfe: {  	v19 =	vmax.f32 v19, v36;
	v13 =	vadd.f32 v36, v13;
	v45 =	vmul.f32 v38, v38  }
0xff: {  	v20 =	vmax.f32 v20, v38;
	v11 =	vadd.f32 v38, v11;
	v53 =	vmul.f32 v46, v46  }
0x100: {  	v54 =	vld [tilespmem:s23+$0xCC0];
	v16 =	vmax.f32 v16, v46;
	v15 =	vadd.f32 v46, v15;
	v47 =	vmul.f32 v40, v40  }
0x101: {  	v21 =	vmax.f32 v21, v40;
	v49 =	vmul.f32 v42, v42;
	v10 =	vadd.f32 v40, v10  }
0x102: {  	v48 =	vld [tilespmem:s23+$0xC90];
	v22 =	vmax.f32 v22, v42;
	v9 =	vadd.f32 v42, v9;
	v8 =	vadd.f32 v44, v8  }
0x103: {  	v50 =	vld [tilespmem:s23+$0xCA0];
	v51 =	vmul.f32 v44, v44;
	v6 =	vadd.f32 v39, v6;
	v5 =	vadd.f32 v41, v5  }
0x104: {  	v52 =	vld [tilespmem:s23+$0xCB0];
	v23 =	vmax.f32 v23, v44;
	v4 =	vadd.f32 v43, v4;
	v3 =	vadd.f32 v45, v3  }
0x105: {  	v56 =	vld [tilespmem:s23+$0xCD0];
	v7 =	vadd.f32 v53, v7;
	v61 =	vmul.f32 v54, v54;
	v11 =	vadd.f32 v54, v11  }
0x106: {  	v58 =	vld [tilespmem:s23+$0xCE0];
	v20 =	vmax.f32 v20, v54;
	v2 =	vadd.f32 v47, v2;
	v1 =	vadd.f32 v49, v1  }
0x107: {  	v60 =	vld [tilespmem:s23+$0xCF0];
	v0 =	vadd.f32 v51, v0;
	v55 =	vmul.f32 v48, v48;
	v17 =	vmax.f32 v17, v48  }
0x108: {  	v62 =	vld [tilespmem:s23+$0xD00];
	v14 =	vadd.f32 v48, v14;
	v57 =	vmul.f32 v50, v50;
	v18 =	vmax.f32 v18, v50  }
0x109: {  	v12 =	vadd.f32 v50, v12;
	v59 =	vmul.f32 v52, v52;
	v19 =	vmax.f32 v19, v52  }
0x10a: {  	v13 =	vadd.f32 v52, v13;
	v63 =	vmul.f32 v56, v56;
	v21 =	vmax.f32 v21, v56  }
0x10b: {  	v33 =	vld [tilespmem:s23+$0xD10];
	v10 =	vadd.f32 v56, v10;
	v34 =	vmul.f32 v58, v58;
	v22 =	vmax.f32 v22, v58  }
0x10c: {  	v35 =	vld [tilespmem:s23+$0xD20];
	v36 =	vmul.f32 v60, v60;
	v9 =	vadd.f32 v58, v9;
	v8 =	vadd.f32 v60, v8  }
0x10d: {  	v23 =	vmax.f32 v23, v60;
	v15 =	vadd.f32 v62, v15;
	v3 =	vadd.f32 v61, v3  }
0x10e: {  	v37 =	vld [tilespmem:s23+$0xD30];
	v38 =	vmul.f32 v62, v62;
	v6 =	vadd.f32 v55, v6;
	v5 =	vadd.f32 v57, v5  }
0x10f: {  	v39 =	vld [tilespmem:s23+$0xD40];
	v16 =	vmax.f32 v16, v62;
	v4 =	vadd.f32 v59, v4;
	v2 =	vadd.f32 v63, v2  }
0x110: {  	v41 =	vld [tilespmem:s23+$0xD50];
	v1 =	vadd.f32 v34, v1;
	v0 =	vadd.f32 v36, v0;
	v40 =	vmul.f32 v33, v33  }
0x111: {  	v7 =	vadd.f32 v38, v7;
	v17 =	vmax.f32 v17, v33;
	v42 =	vmul.f32 v35, v35  }
0x112: {  	v43 =	vld [tilespmem:s23+$0xD60];
	v14 =	vadd.f32 v33, v14;
	v18 =	vmax.f32 v18, v35;
	v12 =	vadd.f32 v35, v12  }
0x113: {  	v45 =	vld [tilespmem:s23+$0xD70];
	v44 =	vmul.f32 v37, v37;
	v19 =	vmax.f32 v19, v37;
	v13 =	vadd.f32 v37, v13  }
0x114: {  	v53 =	vld [tilespmem:s23+$0xDB0];
	v6 =	vadd.f32 v40, v6;
	v5 =	vadd.f32 v42, v5;
	v46 =	vmul.f32 v39, v39  }
0x115: {  	v47 =	vld [tilespmem:s23+$0xD80];
	v4 =	vadd.f32 v44, v4;
	v20 =	vmax.f32 v20, v39;
	v48 =	vmul.f32 v41, v41  }
0x116: {  	v49 =	vld [tilespmem:s23+$0xD90];
	v11 =	vadd.f32 v39, v11;
	v21 =	vmax.f32 v21, v41;
	v10 =	vadd.f32 v41, v10  }
0x117: {  	v51 =	vld [tilespmem:s23+$0xDA0];
	v50 =	vmul.f32 v43, v43;
	v22 =	vmax.f32 v22, v43;
	v9 =	vadd.f32 v43, v9  }
0x118: {  	v52 =	vmul.f32 v45, v45;
	v23 =	vmax.f32 v23, v45;
	v8 =	vadd.f32 v45, v8  }
0x119: {  	v61 =	vld [tilespmem:s23+$0xDF0];
	v60 =	vmul.f32 v53, v53;
	v19 =	vmax.f32 v19, v53;
	v13 =	vadd.f32 v53, v13  }
0x11a: {  	v54 =	vmul.f32 v47, v47;
	v16 =	vmax.f32 v16, v47;
	v15 =	vadd.f32 v47, v15  }
0x11b: {  	v55 =	vld [tilespmem:s23+$0xDC0];
	v56 =	vmul.f32 v49, v49;
	v17 =	vmax.f32 v17, v49;
	v14 =	vadd.f32 v49, v14  }
0x11c: {  	v57 =	vld [tilespmem:s23+$0xDD0];
	v58 =	vmul.f32 v51, v51;
	v12 =	vadd.f32 v51, v12;
	v3 =	vadd.f32 v46, v3  }
0x11d: {  	v59 =	vld [tilespmem:s23+$0xDE0];
	v18 =	vmax.f32 v18, v51;
	v2 =	vadd.f32 v48, v2;
	v1 =	vadd.f32 v50, v1  }
0x11e: {  	v63 =	vld [tilespmem:s23+$0xE00];
	v0 =	vadd.f32 v52, v0;
	v4 =	vadd.f32 v60, v4;
	v36 =	vmul.f32 v61, v61  }
0x11f: {  	v33 =	vld [tilespmem:s23+$0xE10];
	v23 =	vmax.f32 v23, v61;
	v8 =	vadd.f32 v61, v8;
	v7 =	vadd.f32 v54, v7  }
0x120: {  	v35 =	vld [tilespmem:s23+$0xE20];
	v6 =	vadd.f32 v56, v6;
	v5 =	vadd.f32 v58, v5;
	v62 =	vmul.f32 v55, v55  }
0x121: {  	v37 =	vld [tilespmem:s23+$0xE30];
	v20 =	vmax.f32 v20, v55;
	v11 =	vadd.f32 v55, v11;
	v32 =	vmul.f32 v57, v57  }
0x122: {  	v21 =	vmax.f32 v21, v57;
	v34 =	vmul.f32 v59, v59;
	v10 =	vadd.f32 v57, v10  }
0x123: {  	v22 =	vmax.f32 v22, v59;
	v9 =	vadd.f32 v59, v9;
	v38 =	vmul.f32 v63, v63  }
0x124: {  	v16 =	vmax.f32 v16, v63;
	v40 =	vmul.f32 v33, v33;
	v15 =	vadd.f32 v63, v15  }
0x125: {  	v39 =	vld [tilespmem:s23+$0xE40];
	v17 =	vmax.f32 v17, v33;
	v14 =	vadd.f32 v33, v14;
	v12 =	vadd.f32 v35, v12  }
0x126: {  	v41 =	vld [tilespmem:s23+$0xE50];
	v42 =	vmul.f32 v35, v35;
	v13 =	vadd.f32 v37, v13;
	v0 =	vadd.f32 v36, v0  }
0x127: {  	v43 =	vld [tilespmem:s23+$0xE60];
	v18 =	vmax.f32 v18, v35;
	v3 =	vadd.f32 v62, v3;
	v2 =	vadd.f32 v32, v2  }
0x128: {  	v45 =	vld [tilespmem:s23+$0xE70];
	v44 =	vmul.f32 v37, v37;
	v1 =	vadd.f32 v34, v1;
	v7 =	vadd.f32 v38, v7  }
0x129: {  	v53 =	vld [tilespmem:s23+$0xEB0];
	v19 =	vmax.f32 v19, v37;
	v6 =	vadd.f32 v40, v6;
	v5 =	vadd.f32 v42, v5  }
0x12a: {  	v47 =	vld [tilespmem:s23+$0xE80];
	v46 =	vmul.f32 v39, v39;
	v4 =	vadd.f32 v44, v4;
	v20 =	vmax.f32 v20, v39  }
0x12b: {  	v49 =	vld [tilespmem:s23+$0xE90];
	v11 =	vadd.f32 v39, v11;
	v48 =	vmul.f32 v41, v41;
	v21 =	vmax.f32 v21, v41  }
0x12c: {  	v51 =	vld [tilespmem:s23+$0xEA0];
	v10 =	vadd.f32 v41, v10;
	v50 =	vmul.f32 v43, v43;
	v22 =	vmax.f32 v22, v43  }
0x12d: {  	v52 =	vmul.f32 v45, v45;
	v9 =	vadd.f32 v43, v9;
	v23 =	vmax.f32 v23, v45  }
0x12e: {  	v8 =	vadd.f32 v45, v8;
	v60 =	vmul.f32 v53, v53;
	v19 =	vmax.f32 v19, v53  }
0x12f: {  	v61 =	vld [tilespmem:s23+$0xEF0];
	v13 =	vadd.f32 v53, v13;
	v54 =	vmul.f32 v47, v47;
	v16 =	vmax.f32 v16, v47  }
0x130: {  	v55 =	vld [tilespmem:s23+$0xEC0];
	v15 =	vadd.f32 v47, v15;
	v56 =	vmul.f32 v49, v49;
	v14 =	vadd.f32 v49, v14  }
0x131: {  	v57 =	vld [tilespmem:s23+$0xED0];
	v17 =	vmax.f32 v17, v49;
	v12 =	vadd.f32 v51, v12;
	v3 =	vadd.f32 v46, v3  }
0x132: {  	v58 =	vmul.f32 v51, v51;
	v2 =	vadd.f32 v48, v2;
	v1 =	vadd.f32 v50, v1  }
0x133: {  	v59 =	vld [tilespmem:s23+$0xEE0];
	v18 =	vmax.f32 v18, v51;
	v0 =	vadd.f32 v52, v0;
	v4 =	vadd.f32 v60, v4  }
0x134: {  	v63 =	vld [tilespmem:s23+$0xF00];
	v37 =	vmul.f32 v61, v61;
	v8 =	vadd.f32 v61, v8;
	v7 =	vadd.f32 v54, v7  }
0x135: {  	v36 =	vld [tilespmem:s23+$0xF20];
	v23 =	vmax.f32 v23, v61;
	v6 =	vadd.f32 v56, v6;
	v5 =	vadd.f32 v58, v5  }
0x136: {  	v62 =	vmul.f32 v55, v55;
	v20 =	vmax.f32 v20, v55;
	v33 =	vmul.f32 v57, v57  }
0x137: {  	v34 =	vld [tilespmem:s23+$0xF10];
	v11 =	vadd.f32 v55, v11;
	v21 =	vmax.f32 v21, v57;
	v10 =	vadd.f32 v57, v10  }
0x138: {  	v38 =	vld [tilespmem:s23+$0xF30];
	v35 =	vmul.f32 v59, v59;
	v22 =	vmax.f32 v22, v59;
	v9 =	vadd.f32 v59, v9  }
0x139: {  	v40 =	vld [tilespmem:s23+$0xF40];
	v39 =	vmul.f32 v63, v63;
	v16 =	vmax.f32 v16, v63;
	v15 =	vadd.f32 v63, v15  }
0x13a: {  	v42 =	vld [tilespmem:s23+$0xF50];
	v0 =	vadd.f32 v37, v0;
	v43 =	vmul.f32 v36, v36;
	v12 =	vadd.f32 v36, v12  }
0x13b: {  	v44 =	vld [tilespmem:s23+$0xF60];
	v18 =	vmax.f32 v18, v36;
	v3 =	vadd.f32 v62, v3;
	v2 =	vadd.f32 v33, v2  }
0x13c: {  	v1 =	vadd.f32 v35, v1;
	v7 =	vadd.f32 v39, v7;
	v41 =	vmul.f32 v34, v34  }
0x13d: {  	v31 =	vld [tilespmem:s23+$0xFD0];
	v17 =	vmax.f32 v17, v34;
	v14 =	vadd.f32 v34, v14;
	v45 =	vmul.f32 v38, v38  }
0x13e: {  	v46 =	vld [tilespmem:s23+$0xF70];
	v19 =	vmax.f32 v19, v38;
	v13 =	vadd.f32 v38, v13;
	v47 =	vmul.f32 v40, v40  }
0x13f: {  	v48 =	vld [tilespmem:s23+$0xF80];
	v20 =	vmax.f32 v20, v40;
	v11 =	vadd.f32 v40, v11;
	v49 =	vmul.f32 v42, v42  }
0x140: {  	v50 =	vld [tilespmem:s23+$0xF90];
	v21 =	vmax.f32 v21, v42;
	v10 =	vadd.f32 v42, v10;
	v9 =	vadd.f32 v44, v9  }
0x141: {  	v51 =	vmul.f32 v44, v44;
	v5 =	vadd.f32 v43, v5;
	v6 =	vadd.f32 v41, v6  }
0x142: {  	v52 =	vld [tilespmem:s23+$0xFA0];
	v22 =	vmax.f32 v22, v44;
	v4 =	vadd.f32 v45, v4;
	v3 =	vadd.f32 v47, v3  }
0x143: {  	v54 =	vld [tilespmem:s23+$0xFB0];
	v61 =	vmax.f32 v21, v31;
	v2 =	vadd.f32 v49, v2;
	v1 =	vadd.f32 v51, v1  }
0x144: {  	v56 =	vld [tilespmem:s23+$0xFC0];
	v53 =	vmul.f32 v46, v46;
	v23 =	vmax.f32 v23, v46;
	v8 =	vadd.f32 v46, v8  }
0x145: {  	v58 =	vld [tilespmem:s23+$0xFE0];
	v55 =	vmul.f32 v48, v48;
	v16 =	vmax.f32 v16, v48;
	v57 =	vmul.f32 v50, v50  }
0x146: {  	s24 =	sshll.u32 s22, $0x7;
	v15 =	vadd.f32 v48, v15;
	v17 =	vmax.f32 v17, v50;
	v14 =	vadd.f32 v50, v14  }
0x147: {  	s31 =	sand.u32 $0x3FFFFF80, s24;
	v59 =	vld [tilespmem:s23+$0xFF0];
	v60 =	vmul.f32 v52, v52;
	v18 =	vmax.f32 v18, v52;
	v12 =	vadd.f32 v52, v12  }
0x148: {  	v10 =	vadd.f32 v31, v10;
	[tilespmem:s31+$0x18400] =	vst v16;
	v16 =	vmul.f32 v54, v54;
	v19 =	vmax.f32 v19, v54  }
0x149: {  	[tilespmem:s31+$0x18410] =	vst v17;
	v17 =	vmul.f32 v56, v56;
	v13 =	vadd.f32 v54, v13;
	v11 =	vadd.f32 v56, v11  }
0x14a: {  	p0 =	sne.s32 s22, $0xF;
	[tilespmem:s31+$0x18450] =	vst v61;
	v62 =	vmul.f32 v58, v58;
	v9 =	vadd.f32 v58, v9;
	v0 =	vadd.f32 v53, v0  }
.Ltmp0:
0x14b: {  	[tilespmem:s31+$0x18420] =	vst v18;
	v7 =	vadd.f32 v55, v7;
	v3 =	vadd.f32 v17, v3;
	v17 =	vmul.f32 v31, v31;
	(pc) =	sbr.rel @p0 .LBB2_3-.Ltmp0, $4  }
0x14c: {  	v63 =	vmax.f32 v23, v59;
	v6 =	vadd.f32 v57, v6;
	[tilespmem:s31+$0x18430] =	vst v19;
	v4 =	vadd.f32 v16, v4  }
0x14d: {  	[tilespmem:s31+$0x18470] =	vst v63;
	v16 =	vmax.f32 v20, v56;
	v2 =	vadd.f32 v17, v2;
	v17 =	vmul.f32 v59, v59  }
0x14e: {  	v5 =	vadd.f32 v60, v5;
	v8 =	vadd.f32 v59, v8;
	[tilespmem:s31+$0x18440] =	vst v16;
	v16 =	vmax.f32 v22, v58  }
0x14f: {  	s22 =	sadd.s32 $0x1, s22;
	v1 =	vadd.f32 v62, v1;
	[tilespmem:s31+$0x18460] =	vst v16;
	v0 =	vadd.f32 v17, v0  }
0x150: {  	s19 =	sshll.u32 s19, $0xD;
	p0 =	sne.s32 s20, $0x31  }
.Ltmp1:
0x151: {  	s19 =	sadd.s32 s19, s5;
	(pc) =	sbr.rel @p0 .LBB2_2-.Ltmp1, $4  }
0x152: {  	[hbm4b:s19+s2] =	stream.linear.scatter [tilespmem:s15], [sflag:$0x3], $0x800, $0x38;
	[tilespmem:$0x18D00] =	vst v63  }
0x153: {  	_ =	swait.ge [sflag:s9], $0x800  }
0x154: {  	[sflag:s9] =	ssyncset.done $0x0  }
0x155: {  	s19 =	smov.u32 s20;
	[sflag:s9] =	ssyncadd.s32 $0xFFFFF800  }
0x156: {  	[tilespmem:$0x18C00] =	vst v15  }
0x157: {  	[tilespmem:$0x18C80] =	vst v7  }
0x158: {  	[tilespmem:$0x18C10] =	vst v14  }
0x159: {  	[tilespmem:$0x18C90] =	vst v6  }
0x15a: {  	[tilespmem:$0x18C20] =	vst v12  }
0x15b: {  	[tilespmem:$0x18CA0] =	vst v5  }
0x15c: {  	[tilespmem:$0x18C30] =	vst v13  }
0x15d: {  	[tilespmem:$0x18CB0] =	vst v4  }
0x15e: {  	[tilespmem:$0x18C40] =	vst v11  }
0x15f: {  	[tilespmem:$0x18CC0] =	vst v3  }
0x160: {  	[tilespmem:$0x18C50] =	vst v10  }
0x161: {  	[tilespmem:$0x18CD0] =	vst v2  }
0x162: {  	[tilespmem:$0x18C60] =	vst v9  }
0x163: {  	[tilespmem:$0x18CE0] =	vst v1  }
0x164: {  	[tilespmem:$0x18C70] =	vst v8  }
0x165: {  	[tilespmem:$0x18CF0] =	vst v0  }
0x166: {  	[hbm4b:s6+s2] =	stream.linear.scatter [tilespmem:s16], [sflag:$0x3], $0x80, $0x38;
	[tilespmem:$0x18D00] =	vst v63  }
0x167: {  	s18 =	sadd.s32 $0x1, s18;
	_ =	swait.ge [sflag:s9], $0x80  }
0x168: {  	p0 =	sne.s32 s18, s8;
	[sflag:s9] =	ssyncset.done $0x0  }
.Ltmp2:
0x169: {  	[sflag:s9] =	ssyncadd.s32 $0xFFFFFF80;
	(pc) =	sbr.rel @p0 .LBB2_1-.Ltmp2, $4  }
0x16a: {  	[hbm4b:s7+s2] =	stream.linear.scatter [tilespmem:s17], [sflag:$0x3], $0x80, $0x38;
	[tilespmem:$0x18D00] =	vst v63  }
0x16b: {  	_ =	swait.ge [sflag:s9], $0x80  }
0x16c: {  	[sflag:s9] =	ssyncset.done $0x0  }
0x16d: {  	[sflag:s9] =	ssyncadd.s32 $0xFFFFFF80  }
0x16e: {  	_ =	sfence.sel $0x180000  }
0x16f: {  	[bflag:$0x0] =	sbarrier.arrive $0xFFFF  }
0x170: {  	p0 =	sne.s32 s1, $0x0;
	_ =	strace $0x90000047  }
0x171: {  	s0 =	sadd.s32 @!p0 $0x100000, s0;
	[bflag:$0x2] =	sbarrier.arrive $0xFFFF  }
0x172: {  	[sflag:s0] =	ssyncadd.tile.s32 @!p0 $0x1;
	_ =	shalt  }
.Lfunc_end2:
_tile_overlayer_lowered:
.L_overlay_start_2:
0x173: {  	(tag) =	ssettag $0x2  }
0x174: {  	s0 =	rddreg [dreg:$0x0];
	s2 =	stileid.u32  }
0x175: {  	s1 =	rddreg [dreg:$0x1];
	p0 =	sne.s32 s2, $0x0  }
0x176: {  	s3 =	rddreg [dreg:$0x2];
	[bflag:$0x3] =	sbarrier.arrive $0xFFFF;
	s2 =	simm.s32 @!p0 $0x1C03  }
0x177: {  	[timem:s3], [sflag:s2] =	dma.local @!p0 [hbm:s0], s1  }
0x178: {  	s0 =	simm.s32 @!p0 $0x3  }
0x179: {  	_ =	swait.ge @!p0 [sflag:s0], s1  }
0x17a: {  	s1 =	ssub.s32 @!p0 $0x0, s1;
	[sflag:s0] =	ssyncset.done @!p0 $0x0  }
0x17b: {  	[sflag:s0] =	ssyncadd.s32 @!p0 s1  }
0x17c: {  	[bflag:$0x3] =	sbarrier.arrive $0xFFFF  }
0x17d: {  	_ =	shalt  }

</sc_bundles>
